<compile_context>
chip_gen: v7x
topology: tpu7x:2x2x1
jax: 0.10.2.dev20260603
libtpu: 0.0.44.dev20260713+nightly
codegen_flags: <defaults>
</compile_context>

<pallas_src>
import functools

import jax
import jax.numpy as jnp
from jax import lax
from jax.experimental import pallas as pl
from jax.experimental.pallas import tpu as pltpu
from jax.experimental.pallas import tpu_sc as plsc

N_NODES = 10000
N_EDGES = 320000
IN_DIM = 128
HID = 256
Z_DIM = 128

NPAD = 10240
NCORE = 2
NSUB = 16
NW = NCORE * NSUB
CH = 80
NBUF = 3
IDX_BITS = 14
NCHUNK = (N_EDGES + NW * CH - 1) // (NW * CH)
EPAD = NW * NCHUNK * CH

ROWS_PER_SUB = NPAD // NSUB
BLK = 512
GRID = NPAD // BLK

_mesh = plsc.VectorSubcoreMesh(core_axis_name="c", subcore_axis_name="s")



@functools.partial(
    pl.kernel,
    out_type=jax.ShapeDtypeStruct((NCORE, NPAD), jnp.float32),
    mesh=_mesh,
    scratch_types=[
        pltpu.VMEM((NCHUNK * CH,), jnp.int32),
        pltpu.VMEM((NCHUNK * CH,), jnp.float32),
        pltpu.VMEM_SHARED((NPAD,), jnp.float32),
    ],
)
def _deg_kernel(dst_hbm, ones_hbm, zeros1_hbm, degp_hbm, dst_v, ones_v, deg_sh):
    c = lax.axis_index("c")
    s = lax.axis_index("s")
    wid = c * NSUB + s
    pltpu.sync_copy(dst_hbm.at[wid], dst_v)
    pltpu.sync_copy(ones_hbm, ones_v)
    pltpu.sync_copy(zeros1_hbm.at[pl.ds(s * ROWS_PER_SUB, ROWS_PER_SUB)],
                    deg_sh.at[pl.ds(s * ROWS_PER_SUB, ROWS_PER_SUB)])
    plsc.subcore_barrier()

    pltpu.sync_copy(ones_v, deg_sh.at[dst_v], add=True)
    plsc.subcore_barrier()

    @pl.when(s == 0)
    def _():
        pltpu.sync_copy(deg_sh, degp_hbm.at[c])


@functools.partial(
    pl.kernel,
    out_type=jax.ShapeDtypeStruct((NCORE, NPAD, 128), jnp.float32),
    mesh=_mesh,
    scratch_types=[
        pltpu.VMEM((NCHUNK, CH), jnp.int32),
        pltpu.VMEM((NBUF, CH), jnp.int32),
        pltpu.VMEM((NBUF, CH), jnp.int32),
        pltpu.VMEM((CH, 128), jnp.float32),
        pltpu.VMEM((CH, 128), jnp.float32),
        pltpu.VMEM((CH, 128), jnp.float32),
        pltpu.VMEM_SHARED((NPAD, 128), jnp.float32),
        pltpu.SemaphoreType.DMA,
        pltpu.SemaphoreType.DMA,
        pltpu.SemaphoreType.DMA,
    ],
)
def _agg_kernel(xp_hbm, packed_hbm, zeros2_hbm, out_hbm,
                packed_v, sidx, didx, rows0, rows1, rows2, acc_sh,
                sem0, sem1, sem2):
    c = lax.axis_index("c")
    s = lax.axis_index("s")
    wid = c * NSUB + s
    pltpu.sync_copy(packed_hbm.at[wid], packed_v)
    pltpu.sync_copy(zeros2_hbm.at[pl.ds(s * ROWS_PER_SUB, ROWS_PER_SUB)],
                    acc_sh.at[pl.ds(s * ROWS_PER_SUB, ROWS_PER_SUB)])
    plsc.subcore_barrier()

    def unpack(j, b):
        for k in range(CH // 16):
            v = packed_v[j, pl.ds(k * 16, 16)]
            sidx[b, pl.ds(k * 16, 16)] = lax.shift_right_logical(v, IDX_BITS)
            didx[b, pl.ds(k * 16, 16)] = lax.bitwise_and(v, (1 << IDX_BITS) - 1)

    bufs = (rows0, rows1, rows2)
    sems = (sem0, sem1, sem2)
    for b in range(NBUF):
        unpack(b, b)
        pltpu.async_copy(xp_hbm.at[sidx.at[b]], bufs[b], sems[b])

    def body(g, carry):
        for b in range(NBUF):
            j = g * NBUF + b
            pltpu.make_async_copy(xp_hbm.at[pl.ds(0, CH)], bufs[b],
                                  sems[b]).wait()
            pltpu.sync_copy(bufs[b], acc_sh.at[didx.at[b]], add=True)

            @pl.when(j + NBUF < NCHUNK)
            def _():
                unpack(j + NBUF, b)
                pltpu.async_copy(xp_hbm.at[sidx.at[b]], bufs[b], sems[b])

        return carry

    lax.fori_loop(0, NCHUNK // NBUF, body, 0)
    for r in range(NCHUNK - NBUF * (NCHUNK // NBUF)):
        j = NBUF * (NCHUNK // NBUF) + r
        pltpu.make_async_copy(xp_hbm.at[pl.ds(0, CH)], bufs[j % NBUF],
                              sems[j % NBUF]).wait()
        pltpu.sync_copy(bufs[j % NBUF], acc_sh.at[didx.at[j % NBUF]], add=True)
    plsc.subcore_barrier()
    pltpu.sync_copy(acc_sh.at[pl.ds(s * ROWS_PER_SUB, ROWS_PER_SUB)],
                    out_hbm.at[c, pl.ds(s * ROWS_PER_SUB, ROWS_PER_SUB)])



def _dinv_of(dp_ref):
    return lax.rsqrt(dp_ref[:, 0:1] + dp_ref[:, 1:2] + 1.0)


def _scale_body(dp_ref, x_ref, o_ref):
    o_ref[...] = x_ref[...] * _dinv_of(dp_ref)


def _mm_body(dp_ref, p0_ref, p1_ref, xp_ref, w1_ref, b1_ref, w2_ref, o_ref):
    dinv = _dinv_of(dp_ref)
    agg1 = (p0_ref[...] + p1_ref[...] + xp_ref[...]) * dinv
    h = jnp.maximum(
        jnp.dot(agg1, w1_ref[...], preferred_element_type=jnp.float32)
        + b1_ref[...], 0.0)
    hw = jnp.dot(h, w2_ref[...], preferred_element_type=jnp.float32)
    o_ref[...] = hw * dinv


def _fin_body(dp_ref, q0_ref, q1_ref, hwp_ref, b2_ref, o_ref):
    dinv = _dinv_of(dp_ref)
    o_ref[...] = (q0_ref[...] + q1_ref[...] + hwp_ref[...]) * dinv + b2_ref[...]


def _row_spec(width):
    return pl.BlockSpec((BLK, width), lambda i: (i, 0))


def _full_spec(shape):
    return pl.BlockSpec(shape, lambda i: (0,) * len(shape))


_scale_call = pl.pallas_call(
    _scale_body,
    grid=(GRID,),
    in_specs=[_row_spec(2), _row_spec(IN_DIM)],
    out_specs=_row_spec(IN_DIM),
    out_shape=jax.ShapeDtypeStruct((NPAD, IN_DIM), jnp.float32),
)

_mm_call = pl.pallas_call(
    _mm_body,
    grid=(GRID,),
    in_specs=[_row_spec(2), _row_spec(128), _row_spec(128), _row_spec(IN_DIM),
              _full_spec((IN_DIM, HID)), _full_spec((1, HID)),
              _full_spec((HID, Z_DIM))],
    out_specs=_row_spec(Z_DIM),
    out_shape=jax.ShapeDtypeStruct((NPAD, Z_DIM), jnp.float32),
)

_fin_call = pl.pallas_call(
    _fin_body,
    grid=(GRID,),
    in_specs=[_row_spec(2), _row_spec(Z_DIM), _row_spec(Z_DIM),
              _row_spec(Z_DIM), _full_spec((1, Z_DIM))],
    out_specs=_row_spec(Z_DIM),
    out_shape=jax.ShapeDtypeStruct((NPAD, Z_DIM), jnp.float32),
)


def kernel(x, ei, W1, b1, W2, b2):
    src = ei[0].astype(jnp.int32)
    dst = ei[1].astype(jnp.int32)
    pad_rows = N_NODES + (jnp.arange(EPAD, dtype=jnp.int32) % (NPAD - N_NODES))
    src_p = pad_rows.at[:N_EDGES].set(src)
    dst_p = pad_rows.at[:N_EDGES].set(dst)
    packed = ((src_p << IDX_BITS) | dst_p).reshape(NW, NCHUNK, CH)
    dst_p = dst_p.reshape(NW, NCHUNK, CH)
    x_pad = jnp.zeros((NPAD, IN_DIM), jnp.float32).at[:N_NODES].set(x)
    zeros1 = jnp.zeros((NPAD,), jnp.float32)
    zeros2 = jnp.zeros((NPAD, 128), jnp.float32)

    ones_ch = jnp.ones((NCHUNK * CH,), jnp.float32)
    degp = _deg_kernel(dst_p.reshape(NW, NCHUNK * CH), ones_ch,
                       zeros1)
    degp_t = degp.T
    xp = _scale_call(degp_t, x_pad)
    p = _agg_kernel(xp, packed, zeros2)
    hwp = _mm_call(degp_t, p[0], p[1], xp, W1,
                   b1.reshape(1, HID), W2)
    q = _agg_kernel(hwp, packed, zeros2)
    z = _fin_call(degp_t, q[0], q[1], hwp,
                  b2.reshape(1, Z_DIM))
    return z[:N_NODES]

# --- scband reference (transcript-rebuilt; emitter-appended) ---
"""Pipeline reference for scband-gencoder-24223615550558 (READ-ONLY COPY).

The authoritative reference and input builder live on the scoring server;
editing this copy changes nothing except your own understanding.
"""

import jax, jax.numpy as jnp
import numpy as np

N_NODES = 10000
N_EDGES = 320000
IN_DIM = 128
HID = 256
Z = 128


def glorot(key, shape):
    fan_in, fan_out = shape[0], shape[1]
    limit = (6.0 / (fan_in + fan_out)) ** 0.5
    return jax.random.uniform(key, shape, minval=-limit, maxval=limit, dtype=jnp.float32)


def setup_inputs(seed: int = 0) -> dict:
    key = jax.random.key(seed)
    k1, k2, k3, k4 = jax.random.split(key, 4)
    x = jax.random.normal(k1, (N_NODES, IN_DIM), dtype=jnp.float32)
    ei = jax.random.randint(k2, (2, N_EDGES), 0, N_NODES, dtype=jnp.int64)
    W1 = glorot(k3, (IN_DIM, HID))
    b1 = jnp.zeros((HID,), dtype=jnp.float32)
    W2 = glorot(k4, (HID, Z))
    b2 = jnp.zeros((Z,), dtype=jnp.float32)
    return {"x": x, "ei": ei, "W1": W1, "b1": b1, "W2": W2, "b2": b2}


def gcn_conv(x, src, dst, norm, W, b):
    # PyG GCNConv: h = x @ W; out[dst] += norm * h[src]; out += b
    h = x @ W
    msg = h[src] * norm[:, None]
    out = jnp.zeros((x.shape[0], W.shape[1]), dtype=x.dtype).at[dst].add(msg)
    return out + b


def _norm_coeffs(ei, n):
    # add self-loops and compute symmetric normalization D^-1/2 (A+I) D^-1/2
    loop = jnp.arange(n, dtype=ei.dtype)
    src = jnp.concatenate([ei[0], loop])
    dst = jnp.concatenate([ei[1], loop])
    deg = jnp.zeros((n,), dtype=jnp.float32).at[dst].add(1.0)
    dinv = jnp.where(deg > 0, deg ** -0.5, 0.0)
    norm = dinv[src] * dinv[dst]
    return src, dst, norm


def reference(x, ei, W1, b1, W2, b2):
    src, dst, norm = _norm_coeffs(ei, x.shape[0])
    h = jax.nn.relu(gcn_conv(x, src, dst, norm, W1, b1))
    z = gcn_conv(h, src, dst, norm, W2, b2)
    return z

if __name__ == "__main__":
    import jax
    _d = setup_inputs()
    print(jax.jit(kernel)(*tuple(_d.values())))

</pallas_src>

<mosaic_0001>
#map = affine_map<(d0, d1) -> (0, 0)>
#map1 = affine_map<(d0, d1) -> (0, 0, 0)>
module attributes {stable_mosaic.version = 14 : i64} {
  func.func @_agg_kernel(%arg0: i32, %arg1: i32, %arg2: memref<10240x128xf32, #tpu.memory_space<hbm>>, %arg3: memref<32x125x80xi32, #tpu.memory_space<hbm>>, %arg4: memref<10240x128xf32, #tpu.memory_space<hbm>>, %arg5: memref<2x10240x128xf32, #tpu.memory_space<hbm>>, %arg6: memref<125x80xi32, #tpu.memory_space<vmem>>, %arg7: memref<3x80xi32, #tpu.memory_space<vmem>>, %arg8: memref<3x80xi32, #tpu.memory_space<vmem>>, %arg9: memref<80x128xf32, #tpu.memory_space<vmem>>, %arg10: memref<80x128xf32, #tpu.memory_space<vmem>>, %arg11: memref<80x128xf32, #tpu.memory_space<vmem>>, %arg12: memref<10240x128xf32, #tpu.memory_space<vmem_shared>>, %arg13: memref<!tpu.dma_semaphore, #tpu.memory_space<semaphore_mem>>, %arg14: memref<!tpu.dma_semaphore, #tpu.memory_space<semaphore_mem>>, %arg15: memref<!tpu.dma_semaphore, #tpu.memory_space<semaphore_mem>>) attributes {dimension_semantics = [#tpu.dimension_semantics<core_parallel>, #tpu.dimension_semantics<subcore_parallel>], iteration_bounds = array<i64: 2, 16>, scalar_prefetch = 0 : i64, scratch_operands = 10 : i64, tpu.core_type = #tpu.core_type<sc_vector_subcore>, window_params = [{transform_indices = #map}, {transform_indices = #map1}, {transform_indices = #map}, {transform_indices = #map1}]} {
    %mul3A = arith.constant 16 : i32
    %mul3A_0 = arith.muli %arg0, %mul3A : i32
    %add3A = arith.addi %mul3A_0, %arg1 : i32
    "tpu.region"() ({
      %run_scoped3A_388 = tpu.sem_alloc : memref<!tpu.dma_semaphore, #tpu.memory_space<semaphore_mem>>
      %dma_start3A_389 = arith.constant 0 : i32
      %dma_start3A_390 = arith.constant 0 : i32
      %dma_start3A_391 = tpu.memref_slice %arg3[%add3A, %dma_start3A_389, %dma_start3A_390] : memref<32x125x80xi32, #tpu.memory_space<hbm>> -> memref<1x125x80xi32, #tpu.memory_space<hbm>>
      %dma_start3A_392 = tpu.memref_squeeze %dma_start3A_391 : memref<1x125x80xi32, #tpu.memory_space<hbm>> -> memref<125x80xi32, #tpu.memory_space<hbm>>
      %dma_start3A_393 = arith.constant 0 : i32
      %dma_start3A_394 = arith.constant 0 : i32
      %dma_start3A_395 = tpu.memref_slice %arg3[%add3A, %dma_start3A_393, %dma_start3A_394] : memref<32x125x80xi32, #tpu.memory_space<hbm>> -> memref<1x125x80xi32, #tpu.memory_space<hbm>>
      %dma_start3A_396 = tpu.memref_squeeze %dma_start3A_395 : memref<1x125x80xi32, #tpu.memory_space<hbm>> -> memref<125x80xi32, #tpu.memory_space<hbm>>
      tpu.enqueue_dma source(%dma_start3A_396 : memref<125x80xi32, #tpu.memory_space<hbm>>) target(%arg6 : memref<125x80xi32, #tpu.memory_space<vmem>>) target_semaphore(%run_scoped3A_388 : memref<!tpu.dma_semaphore, #tpu.memory_space<semaphore_mem>>)
      %dma_wait3A_397 = arith.constant 0 : i32
      %dma_wait3A_398 = arith.constant 0 : i32
      %dma_wait3A_399 = tpu.memref_slice %arg3[%add3A, %dma_wait3A_397, %dma_wait3A_398] : memref<32x125x80xi32, #tpu.memory_space<hbm>> -> memref<1x125x80xi32, #tpu.memory_space<hbm>>
      %dma_wait3A_400 = tpu.memref_squeeze %dma_wait3A_399 : memref<1x125x80xi32, #tpu.memory_space<hbm>> -> memref<125x80xi32, #tpu.memory_space<hbm>>
      %dma_wait3A_401 = arith.constant 0 : i32
      %dma_wait3A_402 = arith.constant 0 : i32
      %dma_wait3A_403 = tpu.memref_slice %arg3[%add3A, %dma_wait3A_401, %dma_wait3A_402] : memref<32x125x80xi32, #tpu.memory_space<hbm>> -> memref<1x125x80xi32, #tpu.memory_space<hbm>>
      %dma_wait3A_404 = tpu.memref_squeeze %dma_wait3A_403 : memref<1x125x80xi32, #tpu.memory_space<hbm>> -> memref<125x80xi32, #tpu.memory_space<hbm>>
      tpu.wait_dma2 semaphore(%run_scoped3A_388 : memref<!tpu.dma_semaphore, #tpu.memory_space<semaphore_mem>>) src(%dma_wait3A_404 : memref<125x80xi32, #tpu.memory_space<hbm>>) dst(%arg6 : memref<125x80xi32, #tpu.memory_space<vmem>>)
      tpu.yield
    }) : () -> ()
    %mul3A_1 = arith.constant 640 : i32
    %mul3A_2 = arith.muli %arg1, %mul3A_1 : i32
    %mul3A_3 = arith.constant 640 : i32
    %mul3A_4 = arith.muli %arg1, %mul3A_3 : i32
    "tpu.region"() ({
      %run_scoped3A_388 = tpu.sem_alloc : memref<!tpu.dma_semaphore, #tpu.memory_space<semaphore_mem>>
      %dma_start3A_389 = arith.constant 0 : i32
      %dma_start3A_390 = tpu.memref_slice %arg12[%mul3A_4, %dma_start3A_389] : memref<10240x128xf32, #tpu.memory_space<vmem_shared>> -> memref<640x128xf32, #tpu.memory_space<vmem_shared>>
      %dma_start3A_391 = arith.constant 0 : i32
      %dma_start3A_392 = tpu.memref_slice %arg4[%mul3A_2, %dma_start3A_391] : memref<10240x128xf32, #tpu.memory_space<hbm>> -> memref<640x128xf32, #tpu.memory_space<hbm>>
      tpu.enqueue_dma source(%dma_start3A_392 : memref<640x128xf32, #tpu.memory_space<hbm>>) target(%dma_start3A_390 : memref<640x128xf32, #tpu.memory_space<vmem_shared>>) target_semaphore(%run_scoped3A_388 : memref<!tpu.dma_semaphore, #tpu.memory_space<semaphore_mem>>)
      %dma_wait3A_393 = arith.constant 0 : i32
      %dma_wait3A_394 = tpu.memref_slice %arg12[%mul3A_4, %dma_wait3A_393] : memref<10240x128xf32, #tpu.memory_space<vmem_shared>> -> memref<640x128xf32, #tpu.memory_space<vmem_shared>>
      %dma_wait3A_395 = arith.constant 0 : i32
      %dma_wait3A_396 = tpu.memref_slice %arg4[%mul3A_2, %dma_wait3A_395] : memref<10240x128xf32, #tpu.memory_space<hbm>> -> memref<640x128xf32, #tpu.memory_space<hbm>>
      tpu.wait_dma2 semaphore(%run_scoped3A_388 : memref<!tpu.dma_semaphore, #tpu.memory_space<semaphore_mem>>) src(%dma_wait3A_396 : memref<640x128xf32, #tpu.memory_space<hbm>>) dst(%dma_wait3A_394 : memref<640x128xf32, #tpu.memory_space<vmem_shared>>)
      tpu.yield
    }) : () -> ()
    %barrier3A = arith.constant 0 : index
    tpu.barrier barrier_id(%barrier3A)
    %get3A = arith.constant 0 : i32
    %get3A_5 = arith.index_cast %get3A : i32 to index
    %get3A_6 = arith.constant 0 : index
    %get3A_7 = tpu.vector_load %arg6[%get3A_5, %get3A_6] {strides = array<i32>} : memref<125x80xi32, #tpu.memory_space<vmem>>, vector<1x16xi32>,
    %get3A_8 = vector.shape_cast %get3A_7 : vector<1x16xi32> to vector<16xi32>
    %shift_right_logical3A = arith.constant 14 : i32
    %shift_right_logical3A_9 = vector.broadcast %shift_right_logical3A : i32 to vector<16xi32>
    %shift_right_logical3A_10 = arith.shrui %get3A_8, %shift_right_logical3A_9 : vector<16xi32>
    %swap3A = arith.constant 0 : i32
    %swap3A_11 = arith.index_cast %swap3A : i32 to index
    %swap3A_12 = arith.constant 0 : index
    %swap3A_13 = tpu.vector_load %arg7[%swap3A_11, %swap3A_12] {strides = array<i32>} : memref<3x80xi32, #tpu.memory_space<vmem>>, vector<1x16xi32>,
    %swap3A_14 = vector.shape_cast %swap3A_13 : vector<1x16xi32> to vector<16xi32>
    %swap3A_15 = vector.shape_cast %shift_right_logical3A_10 : vector<16xi32> to vector<1x16xi32>
    tpu.vector_store %arg7[%swap3A_11, %swap3A_12], %swap3A_15 {strides = array<i32>} : memref<3x80xi32, #tpu.memory_space<vmem>>, vector<1x16xi32>,
    %and3A = arith.constant 16383 : i32
    %and3A_16 = vector.broadcast %and3A : i32 to vector<16xi32>
    %and3A_17 = arith.andi %get3A_8, %and3A_16 : vector<16xi32>
    %swap3A_18 = arith.constant 0 : i32
    %swap3A_19 = arith.index_cast %swap3A_18 : i32 to index
    %swap3A_20 = arith.constant 0 : index
    %swap3A_21 = tpu.vector_load %arg8[%swap3A_19, %swap3A_20] {strides = array<i32>} : memref<3x80xi32, #tpu.memory_space<vmem>>, vector<1x16xi32>,
    %swap3A_22 = vector.shape_cast %swap3A_21 : vector<1x16xi32> to vector<16xi32>
    %swap3A_23 = vector.shape_cast %and3A_17 : vector<16xi32> to vector<1x16xi32>
    tpu.vector_store %arg8[%swap3A_19, %swap3A_20], %swap3A_23 {strides = array<i32>} : memref<3x80xi32, #tpu.memory_space<vmem>>, vector<1x16xi32>,
    %get3A_24 = arith.constant 0 : i32
    %get3A_25 = arith.index_cast %get3A_24 : i32 to index
    %get3A_26 = arith.constant 16 : index
    %get3A_27 = tpu.vector_load %arg6[%get3A_25, %get3A_26] {strides = array<i32>} : memref<125x80xi32, #tpu.memory_space<vmem>>, vector<1x16xi32>,
    %get3A_28 = vector.shape_cast %get3A_27 : vector<1x16xi32> to vector<16xi32>
    %shift_right_logical3A_29 = arith.constant 14 : i32
    %shift_right_logical3A_30 = vector.broadcast %shift_right_logical3A_29 : i32 to vector<16xi32>
    %shift_right_logical3A_31 = arith.shrui %get3A_28, %shift_right_logical3A_30 : vector<16xi32>
    %swap3A_32 = arith.constant 0 : i32
    %swap3A_33 = arith.index_cast %swap3A_32 : i32 to index
    %swap3A_34 = arith.constant 16 : index
    %swap3A_35 = tpu.vector_load %arg7[%swap3A_33, %swap3A_34] {strides = array<i32>} : memref<3x80xi32, #tpu.memory_space<vmem>>, vector<1x16xi32>,
    %swap3A_36 = vector.shape_cast %swap3A_35 : vector<1x16xi32> to vector<16xi32>
    %swap3A_37 = vector.shape_cast %shift_right_logical3A_31 : vector<16xi32> to vector<1x16xi32>
    tpu.vector_store %arg7[%swap3A_33, %swap3A_34], %swap3A_37 {strides = array<i32>} : memref<3x80xi32, #tpu.memory_space<vmem>>, vector<1x16xi32>,
    %and3A_38 = arith.constant 16383 : i32
    %and3A_39 = vector.broadcast %and3A_38 : i32 to vector<16xi32>
    %and3A_40 = arith.andi %get3A_28, %and3A_39 : vector<16xi32>
    %swap3A_41 = arith.constant 0 : i32
    %swap3A_42 = arith.index_cast %swap3A_41 : i32 to index
    %swap3A_43 = arith.constant 16 : index
    %swap3A_44 = tpu.vector_load %arg8[%swap3A_42, %swap3A_43] {strides = array<i32>} : memref<3x80xi32, #tpu.memory_space<vmem>>, vector<1x16xi32>,
    %swap3A_45 = vector.shape_cast %swap3A_44 : vector<1x16xi32> to vector<16xi32>
    %swap3A_46 = vector.shape_cast %and3A_40 : vector<16xi32> to vector<1x16xi32>
    tpu.vector_store %arg8[%swap3A_42, %swap3A_43], %swap3A_46 {strides = array<i32>} : memref<3x80xi32, #tpu.memory_space<vmem>>, vector<1x16xi32>,
    %get3A_47 = arith.constant 0 : i32
    %get3A_48 = arith.index_cast %get3A_47 : i32 to index
    %get3A_49 = arith.constant 32 : index
    %get3A_50 = tpu.vector_load %arg6[%get3A_48, %get3A_49] {strides = array<i32>} : memref<125x80xi32, #tpu.memory_space<vmem>>, vector<1x16xi32>,
    %get3A_51 = vector.shape_cast %get3A_50 : vector<1x16xi32> to vector<16xi32>
    %shift_right_logical3A_52 = arith.constant 14 : i32
    %shift_right_logical3A_53 = vector.broadcast %shift_right_logical3A_52 : i32 to vector<16xi32>
    %shift_right_logical3A_54 = arith.shrui %get3A_51, %shift_right_logical3A_53 : vector<16xi32>
    %swap3A_55 = arith.constant 0 : i32
    %swap3A_56 = arith.index_cast %swap3A_55 : i32 to index
    %swap3A_57 = arith.constant 32 : index
    %swap3A_58 = tpu.vector_load %arg7[%swap3A_56, %swap3A_57] {strides = array<i32>} : memref<3x80xi32, #tpu.memory_space<vmem>>, vector<1x16xi32>,
    %swap3A_59 = vector.shape_cast %swap3A_58 : vector<1x16xi32> to vector<16xi32>
    %swap3A_60 = vector.shape_cast %shift_right_logical3A_54 : vector<16xi32> to vector<1x16xi32>
    tpu.vector_store %arg7[%swap3A_56, %swap3A_57], %swap3A_60 {strides = array<i32>} : memref<3x80xi32, #tpu.memory_space<vmem>>, vector<1x16xi32>,
    %and3A_61 = arith.constant 16383 : i32
    %and3A_62 = vector.broadcast %and3A_61 : i32 to vector<16xi32>
    %and3A_63 = arith.andi %get3A_51, %and3A_62 : vector<16xi32>
    %swap3A_64 = arith.constant 0 : i32
    %swap3A_65 = arith.index_cast %swap3A_64 : i32 to index
    %swap3A_66 = arith.constant 32 : index
    %swap3A_67 = tpu.vector_load %arg8[%swap3A_65, %swap3A_66] {strides = array<i32>} : memref<3x80xi32, #tpu.memory_space<vmem>>, vector<1x16xi32>,
    %swap3A_68 = vector.shape_cast %swap3A_67 : vector<1x16xi32> to vector<16xi32>
    %swap3A_69 = vector.shape_cast %and3A_63 : vector<16xi32> to vector<1x16xi32>
    tpu.vector_store %arg8[%swap3A_65, %swap3A_66], %swap3A_69 {strides = array<i32>} : memref<3x80xi32, #tpu.memory_space<vmem>>, vector<1x16xi32>,
    %get3A_70 = arith.constant 0 : i32
    %get3A_71 = arith.index_cast %get3A_70 : i32 to index
    %get3A_72 = arith.constant 48 : index
    %get3A_73 = tpu.vector_load %arg6[%get3A_71, %get3A_72] {strides = array<i32>} : memref<125x80xi32, #tpu.memory_space<vmem>>, vector<1x16xi32>,
    %get3A_74 = vector.shape_cast %get3A_73 : vector<1x16xi32> to vector<16xi32>
    %shift_right_logical3A_75 = arith.constant 14 : i32
    %shift_right_logical3A_76 = vector.broadcast %shift_right_logical3A_75 : i32 to vector<16xi32>
    %shift_right_logical3A_77 = arith.shrui %get3A_74, %shift_right_logical3A_76 : vector<16xi32>
    %swap3A_78 = arith.constant 0 : i32
    %swap3A_79 = arith.index_cast %swap3A_78 : i32 to index
    %swap3A_80 = arith.constant 48 : index
    %swap3A_81 = tpu.vector_load %arg7[%swap3A_79, %swap3A_80] {strides = array<i32>} : memref<3x80xi32, #tpu.memory_space<vmem>>, vector<1x16xi32>,
    %swap3A_82 = vector.shape_cast %swap3A_81 : vector<1x16xi32> to vector<16xi32>
    %swap3A_83 = vector.shape_cast %shift_right_logical3A_77 : vector<16xi32> to vector<1x16xi32>
    tpu.vector_store %arg7[%swap3A_79, %swap3A_80], %swap3A_83 {strides = array<i32>} : memref<3x80xi32, #tpu.memory_space<vmem>>, vector<1x16xi32>,
    %and3A_84 = arith.constant 16383 : i32
    %and3A_85 = vector.broadcast %and3A_84 : i32 to vector<16xi32>
    %and3A_86 = arith.andi %get3A_74, %and3A_85 : vector<16xi32>
    %swap3A_87 = arith.constant 0 : i32
    %swap3A_88 = arith.index_cast %swap3A_87 : i32 to index
    %swap3A_89 = arith.constant 48 : index
    %swap3A_90 = tpu.vector_load %arg8[%swap3A_88, %swap3A_89] {strides = array<i32>} : memref<3x80xi32, #tpu.memory_space<vmem>>, vector<1x16xi32>,
    %swap3A_91 = vector.shape_cast %swap3A_90 : vector<1x16xi32> to vector<16xi32>
    %swap3A_92 = vector.shape_cast %and3A_86 : vector<16xi32> to vector<1x16xi32>
    tpu.vector_store %arg8[%swap3A_88, %swap3A_89], %swap3A_92 {strides = array<i32>} : memref<3x80xi32, #tpu.memory_space<vmem>>, vector<1x16xi32>,
    %get3A_93 = arith.constant 0 : i32
    %get3A_94 = arith.index_cast %get3A_93 : i32 to index
    %get3A_95 = arith.constant 64 : index
    %get3A_96 = tpu.vector_load %arg6[%get3A_94, %get3A_95] {strides = array<i32>} : memref<125x80xi32, #tpu.memory_space<vmem>>, vector<1x16xi32>,
    %get3A_97 = vector.shape_cast %get3A_96 : vector<1x16xi32> to vector<16xi32>
    %shift_right_logical3A_98 = arith.constant 14 : i32
    %shift_right_logical3A_99 = vector.broadcast %shift_right_logical3A_98 : i32 to vector<16xi32>
    %shift_right_logical3A_100 = arith.shrui %get3A_97, %shift_right_logical3A_99 : vector<16xi32>
    %swap3A_101 = arith.constant 0 : i32
    %swap3A_102 = arith.index_cast %swap3A_101 : i32 to index
    %swap3A_103 = arith.constant 64 : index
    %swap3A_104 = tpu.vector_load %arg7[%swap3A_102, %swap3A_103] {strides = array<i32>} : memref<3x80xi32, #tpu.memory_space<vmem>>, vector<1x16xi32>,
    %swap3A_105 = vector.shape_cast %swap3A_104 : vector<1x16xi32> to vector<16xi32>
    %swap3A_106 = vector.shape_cast %shift_right_logical3A_100 : vector<16xi32> to vector<1x16xi32>
    tpu.vector_store %arg7[%swap3A_102, %swap3A_103], %swap3A_106 {strides = array<i32>} : memref<3x80xi32, #tpu.memory_space<vmem>>, vector<1x16xi32>,
    %and3A_107 = arith.constant 16383 : i32
    %and3A_108 = vector.broadcast %and3A_107 : i32 to vector<16xi32>
    %and3A_109 = arith.andi %get3A_97, %and3A_108 : vector<16xi32>
    %swap3A_110 = arith.constant 0 : i32
    %swap3A_111 = arith.index_cast %swap3A_110 : i32 to index
    %swap3A_112 = arith.constant 64 : index
    %swap3A_113 = tpu.vector_load %arg8[%swap3A_111, %swap3A_112] {strides = array<i32>} : memref<3x80xi32, #tpu.memory_space<vmem>>, vector<1x16xi32>,
    %swap3A_114 = vector.shape_cast %swap3A_113 : vector<1x16xi32> to vector<16xi32>
    %swap3A_115 = vector.shape_cast %and3A_109 : vector<16xi32> to vector<1x16xi32>
    tpu.vector_store %arg8[%swap3A_111, %swap3A_112], %swap3A_115 {strides = array<i32>} : memref<3x80xi32, #tpu.memory_space<vmem>>, vector<1x16xi32>,
    %dma_start3A = arith.constant 0 : i32
    %dma_start3A_116 = arith.constant 0 : i32
    %dma_start3A_117 = tpu.memref_slice %arg7[%dma_start3A, %dma_start3A_116] : memref<3x80xi32, #tpu.memory_space<vmem>> -> memref<1x80xi32, #tpu.memory_space<vmem>>
    %dma_start3A_118 = tpu.memref_squeeze %dma_start3A_117 : memref<1x80xi32, #tpu.memory_space<vmem>> -> memref<80xi32, #tpu.memory_space<vmem>>
    %dma_start3A_119 = arith.constant 0 : i32
    %dma_start3A_120 = arith.constant 0 : i32
    %dma_start3A_121 = tpu.memref_slice %arg2[%dma_start3A_119, %dma_start3A_120] : memref<10240x128xf32, #tpu.memory_space<hbm>> -> memref<10240x128xf32, #tpu.memory_space<hbm>>
    tpu.enqueue_indirect_dma source(%dma_start3A_121 : memref<10240x128xf32, #tpu.memory_space<hbm>>) target(%arg9 : memref<80x128xf32, #tpu.memory_space<vmem>>) offsets(%dma_start3A_118 : memref<80xi32, #tpu.memory_space<vmem>>) semaphore(%arg13 : memref<!tpu.dma_semaphore, #tpu.memory_space<semaphore_mem>>)
    %get3A_122 = arith.constant 1 : i32
    %get3A_123 = arith.index_cast %get3A_122 : i32 to index
    %get3A_124 = arith.constant 0 : index
    %get3A_125 = tpu.vector_load %arg6[%get3A_123, %get3A_124] {strides = array<i32>} : memref<125x80xi32, #tpu.memory_space<vmem>>, vector<1x16xi32>,
    %get3A_126 = vector.shape_cast %get3A_125 : vector<1x16xi32> to vector<16xi32>
    %shift_right_logical3A_127 = arith.constant 14 : i32
    %shift_right_logical3A_128 = vector.broadcast %shift_right_logical3A_127 : i32 to vector<16xi32>
    %shift_right_logical3A_129 = arith.shrui %get3A_126, %shift_right_logical3A_128 : vector<16xi32>
    %swap3A_130 = arith.constant 1 : i32
    %swap3A_131 = arith.index_cast %swap3A_130 : i32 to index
    %swap3A_132 = arith.constant 0 : index
    %swap3A_133 = tpu.vector_load %arg7[%swap3A_131, %swap3A_132] {strides = array<i32>} : memref<3x80xi32, #tpu.memory_space<vmem>>, vector<1x16xi32>,
    %swap3A_134 = vector.shape_cast %swap3A_133 : vector<1x16xi32> to vector<16xi32>
    %swap3A_135 = vector.shape_cast %shift_right_logical3A_129 : vector<16xi32> to vector<1x16xi32>
    tpu.vector_store %arg7[%swap3A_131, %swap3A_132], %swap3A_135 {strides = array<i32>} : memref<3x80xi32, #tpu.memory_space<vmem>>, vector<1x16xi32>,
    %and3A_136 = arith.constant 16383 : i32
    %and3A_137 = vector.broadcast %and3A_136 : i32 to vector<16xi32>
    %and3A_138 = arith.andi %get3A_126, %and3A_137 : vector<16xi32>
    %swap3A_139 = arith.constant 1 : i32
    %swap3A_140 = arith.index_cast %swap3A_139 : i32 to index
    %swap3A_141 = arith.constant 0 : index
    %swap3A_142 = tpu.vector_load %arg8[%swap3A_140, %swap3A_141] {strides = array<i32>} : memref<3x80xi32, #tpu.memory_space<vmem>>, vector<1x16xi32>,
    %swap3A_143 = vector.shape_cast %swap3A_142 : vector<1x16xi32> to vector<16xi32>
    %swap3A_144 = vector.shape_cast %and3A_138 : vector<16xi32> to vector<1x16xi32>
    tpu.vector_store %arg8[%swap3A_140, %swap3A_141], %swap3A_144 {strides = array<i32>} : memref<3x80xi32, #tpu.memory_space<vmem>>, vector<1x16xi32>,
    %get3A_145 = arith.constant 1 : i32
    %get3A_146 = arith.index_cast %get3A_145 : i32 to index
    %get3A_147 = arith.constant 16 : index
    %get3A_148 = tpu.vector_load %arg6[%get3A_146, %get3A_147] {strides = array<i32>} : memref<125x80xi32, #tpu.memory_space<vmem>>, vector<1x16xi32>,
    %get3A_149 = vector.shape_cast %get3A_148 : vector<1x16xi32> to vector<16xi32>
    %shift_right_logical3A_150 = arith.constant 14 : i32
    %shift_right_logical3A_151 = vector.broadcast %shift_right_logical3A_150 : i32 to vector<16xi32>
    %shift_right_logical3A_152 = arith.shrui %get3A_149, %shift_right_logical3A_151 : vector<16xi32>
    %swap3A_153 = arith.constant 1 : i32
    %swap3A_154 = arith.index_cast %swap3A_153 : i32 to index
    %swap3A_155 = arith.constant 16 : index
    %swap3A_156 = tpu.vector_load %arg7[%swap3A_154, %swap3A_155] {strides = array<i32>} : memref<3x80xi32, #tpu.memory_space<vmem>>, vector<1x16xi32>,
    %swap3A_157 = vector.shape_cast %swap3A_156 : vector<1x16xi32> to vector<16xi32>
    %swap3A_158 = vector.shape_cast %shift_right_logical3A_152 : vector<16xi32> to vector<1x16xi32>
    tpu.vector_store %arg7[%swap3A_154, %swap3A_155], %swap3A_158 {strides = array<i32>} : memref<3x80xi32, #tpu.memory_space<vmem>>, vector<1x16xi32>,
    %and3A_159 = arith.constant 16383 : i32
    %and3A_160 = vector.broadcast %and3A_159 : i32 to vector<16xi32>
    %and3A_161 = arith.andi %get3A_149, %and3A_160 : vector<16xi32>
    %swap3A_162 = arith.constant 1 : i32
    %swap3A_163 = arith.index_cast %swap3A_162 : i32 to index
    %swap3A_164 = arith.constant 16 : index
    %swap3A_165 = tpu.vector_load %arg8[%swap3A_163, %swap3A_164] {strides = array<i32>} : memref<3x80xi32, #tpu.memory_space<vmem>>, vector<1x16xi32>,
    %swap3A_166 = vector.shape_cast %swap3A_165 : vector<1x16xi32> to vector<16xi32>
    %swap3A_167 = vector.shape_cast %and3A_161 : vector<16xi32> to vector<1x16xi32>
    tpu.vector_store %arg8[%swap3A_163, %swap3A_164], %swap3A_167 {strides = array<i32>} : memref<3x80xi32, #tpu.memory_space<vmem>>, vector<1x16xi32>,
    %get3A_168 = arith.constant 1 : i32
    %get3A_169 = arith.index_cast %get3A_168 : i32 to index
    %get3A_170 = arith.constant 32 : index
    %get3A_171 = tpu.vector_load %arg6[%get3A_169, %get3A_170] {strides = array<i32>} : memref<125x80xi32, #tpu.memory_space<vmem>>, vector<1x16xi32>,
    %get3A_172 = vector.shape_cast %get3A_171 : vector<1x16xi32> to vector<16xi32>
    %shift_right_logical3A_173 = arith.constant 14 : i32
    %shift_right_logical3A_174 = vector.broadcast %shift_right_logical3A_173 : i32 to vector<16xi32>
    %shift_right_logical3A_175 = arith.shrui %get3A_172, %shift_right_logical3A_174 : vector<16xi32>
    %swap3A_176 = arith.constant 1 : i32
    %swap3A_177 = arith.index_cast %swap3A_176 : i32 to index
    %swap3A_178 = arith.constant 32 : index
    %swap3A_179 = tpu.vector_load %arg7[%swap3A_177, %swap3A_178] {strides = array<i32>} : memref<3x80xi32, #tpu.memory_space<vmem>>, vector<1x16xi32>,
    %swap3A_180 = vector.shape_cast %swap3A_179 : vector<1x16xi32> to vector<16xi32>
    %swap3A_181 = vector.shape_cast %shift_right_logical3A_175 : vector<16xi32> to vector<1x16xi32>
    tpu.vector_store %arg7[%swap3A_177, %swap3A_178], %swap3A_181 {strides = array<i32>} : memref<3x80xi32, #tpu.memory_space<vmem>>, vector<1x16xi32>,
    %and3A_182 = arith.constant 16383 : i32
    %and3A_183 = vector.broadcast %and3A_182 : i32 to vector<16xi32>
    %and3A_184 = arith.andi %get3A_172, %and3A_183 : vector<16xi32>
    %swap3A_185 = arith.constant 1 : i32
    %swap3A_186 = arith.index_cast %swap3A_185 : i32 to index
    %swap3A_187 = arith.constant 32 : index
    %swap3A_188 = tpu.vector_load %arg8[%swap3A_186, %swap3A_187] {strides = array<i32>} : memref<3x80xi32, #tpu.memory_space<vmem>>, vector<1x16xi32>,
    %swap3A_189 = vector.shape_cast %swap3A_188 : vector<1x16xi32> to vector<16xi32>
    %swap3A_190 = vector.shape_cast %and3A_184 : vector<16xi32> to vector<1x16xi32>
    tpu.vector_store %arg8[%swap3A_186, %swap3A_187], %swap3A_190 {strides = array<i32>} : memref<3x80xi32, #tpu.memory_space<vmem>>, vector<1x16xi32>,
    %get3A_191 = arith.constant 1 : i32
    %get3A_192 = arith.index_cast %get3A_191 : i32 to index
    %get3A_193 = arith.constant 48 : index
    %get3A_194 = tpu.vector_load %arg6[%get3A_192, %get3A_193] {strides = array<i32>} : memref<125x80xi32, #tpu.memory_space<vmem>>, vector<1x16xi32>,
    %get3A_195 = vector.shape_cast %get3A_194 : vector<1x16xi32> to vector<16xi32>
    %shift_right_logical3A_196 = arith.constant 14 : i32
    %shift_right_logical3A_197 = vector.broadcast %shift_right_logical3A_196 : i32 to vector<16xi32>
    %shift_right_logical3A_198 = arith.shrui %get3A_195, %shift_right_logical3A_197 : vector<16xi32>
    %swap3A_199 = arith.constant 1 : i32
    %swap3A_200 = arith.index_cast %swap3A_199 : i32 to index
    %swap3A_201 = arith.constant 48 : index
    %swap3A_202 = tpu.vector_load %arg7[%swap3A_200, %swap3A_201] {strides = array<i32>} : memref<3x80xi32, #tpu.memory_space<vmem>>, vector<1x16xi32>,
    %swap3A_203 = vector.shape_cast %swap3A_202 : vector<1x16xi32> to vector<16xi32>
    %swap3A_204 = vector.shape_cast %shift_right_logical3A_198 : vector<16xi32> to vector<1x16xi32>
    tpu.vector_store %arg7[%swap3A_200, %swap3A_201], %swap3A_204 {strides = array<i32>} : memref<3x80xi32, #tpu.memory_space<vmem>>, vector<1x16xi32>,
    %and3A_205 = arith.constant 16383 : i32
    %and3A_206 = vector.broadcast %and3A_205 : i32 to vector<16xi32>
    %and3A_207 = arith.andi %get3A_195, %and3A_206 : vector<16xi32>
    %swap3A_208 = arith.constant 1 : i32
    %swap3A_209 = arith.index_cast %swap3A_208 : i32 to index
    %swap3A_210 = arith.constant 48 : index
    %swap3A_211 = tpu.vector_load %arg8[%swap3A_209, %swap3A_210] {strides = array<i32>} : memref<3x80xi32, #tpu.memory_space<vmem>>, vector<1x16xi32>,
    %swap3A_212 = vector.shape_cast %swap3A_211 : vector<1x16xi32> to vector<16xi32>
    %swap3A_213 = vector.shape_cast %and3A_207 : vector<16xi32> to vector<1x16xi32>
    tpu.vector_store %arg8[%swap3A_209, %swap3A_210], %swap3A_213 {strides = array<i32>} : memref<3x80xi32, #tpu.memory_space<vmem>>, vector<1x16xi32>,
    %get3A_214 = arith.constant 1 : i32
    %get3A_215 = arith.index_cast %get3A_214 : i32 to index
    %get3A_216 = arith.constant 64 : index
    %get3A_217 = tpu.vector_load %arg6[%get3A_215, %get3A_216] {strides = array<i32>} : memref<125x80xi32, #tpu.memory_space<vmem>>, vector<1x16xi32>,
    %get3A_218 = vector.shape_cast %get3A_217 : vector<1x16xi32> to vector<16xi32>
    %shift_right_logical3A_219 = arith.constant 14 : i32
    %shift_right_logical3A_220 = vector.broadcast %shift_right_logical3A_219 : i32 to vector<16xi32>
    %shift_right_logical3A_221 = arith.shrui %get3A_218, %shift_right_logical3A_220 : vector<16xi32>
    %swap3A_222 = arith.constant 1 : i32
    %swap3A_223 = arith.index_cast %swap3A_222 : i32 to index
    %swap3A_224 = arith.constant 64 : index
    %swap3A_225 = tpu.vector_load %arg7[%swap3A_223, %swap3A_224] {strides = array<i32>} : memref<3x80xi32, #tpu.memory_space<vmem>>, vector<1x16xi32>,
    %swap3A_226 = vector.shape_cast %swap3A_225 : vector<1x16xi32> to vector<16xi32>
    %swap3A_227 = vector.shape_cast %shift_right_logical3A_221 : vector<16xi32> to vector<1x16xi32>
    tpu.vector_store %arg7[%swap3A_223, %swap3A_224], %swap3A_227 {strides = array<i32>} : memref<3x80xi32, #tpu.memory_space<vmem>>, vector<1x16xi32>,
    %and3A_228 = arith.constant 16383 : i32
    %and3A_229 = vector.broadcast %and3A_228 : i32 to vector<16xi32>
    %and3A_230 = arith.andi %get3A_218, %and3A_229 : vector<16xi32>
    %swap3A_231 = arith.constant 1 : i32
    %swap3A_232 = arith.index_cast %swap3A_231 : i32 to index
    %swap3A_233 = arith.constant 64 : index
    %swap3A_234 = tpu.vector_load %arg8[%swap3A_232, %swap3A_233] {strides = array<i32>} : memref<3x80xi32, #tpu.memory_space<vmem>>, vector<1x16xi32>,
    %swap3A_235 = vector.shape_cast %swap3A_234 : vector<1x16xi32> to vector<16xi32>
    %swap3A_236 = vector.shape_cast %and3A_230 : vector<16xi32> to vector<1x16xi32>
    tpu.vector_store %arg8[%swap3A_232, %swap3A_233], %swap3A_236 {strides = array<i32>} : memref<3x80xi32, #tpu.memory_space<vmem>>, vector<1x16xi32>,
    %dma_start3A_237 = arith.constant 1 : i32
    %dma_start3A_238 = arith.constant 0 : i32
    %dma_start3A_239 = tpu.memref_slice %arg7[%dma_start3A_237, %dma_start3A_238] : memref<3x80xi32, #tpu.memory_space<vmem>> -> memref<1x80xi32, #tpu.memory_space<vmem>>
    %dma_start3A_240 = tpu.memref_squeeze %dma_start3A_239 : memref<1x80xi32, #tpu.memory_space<vmem>> -> memref<80xi32, #tpu.memory_space<vmem>>
    %dma_start3A_241 = arith.constant 0 : i32
    %dma_start3A_242 = arith.constant 0 : i32
    %dma_start3A_243 = tpu.memref_slice %arg2[%dma_start3A_241, %dma_start3A_242] : memref<10240x128xf32, #tpu.memory_space<hbm>> -> memref<10240x128xf32, #tpu.memory_space<hbm>>
    tpu.enqueue_indirect_dma source(%dma_start3A_243 : memref<10240x128xf32, #tpu.memory_space<hbm>>) target(%arg10 : memref<80x128xf32, #tpu.memory_space<vmem>>) offsets(%dma_start3A_240 : memref<80xi32, #tpu.memory_space<vmem>>) semaphore(%arg14 : memref<!tpu.dma_semaphore, #tpu.memory_space<semaphore_mem>>)
    %get3A_244 = arith.constant 2 : i32
    %get3A_245 = arith.index_cast %get3A_244 : i32 to index
    %get3A_246 = arith.constant 0 : index
    %get3A_247 = tpu.vector_load %arg6[%get3A_245, %get3A_246] {strides = array<i32>} : memref<125x80xi32, #tpu.memory_space<vmem>>, vector<1x16xi32>,
    %get3A_248 = vector.shape_cast %get3A_247 : vector<1x16xi32> to vector<16xi32>
    %shift_right_logical3A_249 = arith.constant 14 : i32
    %shift_right_logical3A_250 = vector.broadcast %shift_right_logical3A_249 : i32 to vector<16xi32>
    %shift_right_logical3A_251 = arith.shrui %get3A_248, %shift_right_logical3A_250 : vector<16xi32>
    %swap3A_252 = arith.constant 2 : i32
    %swap3A_253 = arith.index_cast %swap3A_252 : i32 to index
    %swap3A_254 = arith.constant 0 : index
    %swap3A_255 = tpu.vector_load %arg7[%swap3A_253, %swap3A_254] {strides = array<i32>} : memref<3x80xi32, #tpu.memory_space<vmem>>, vector<1x16xi32>,
    %swap3A_256 = vector.shape_cast %swap3A_255 : vector<1x16xi32> to vector<16xi32>
    %swap3A_257 = vector.shape_cast %shift_right_logical3A_251 : vector<16xi32> to vector<1x16xi32>
    tpu.vector_store %arg7[%swap3A_253, %swap3A_254], %swap3A_257 {strides = array<i32>} : memref<3x80xi32, #tpu.memory_space<vmem>>, vector<1x16xi32>,
    %and3A_258 = arith.constant 16383 : i32
    %and3A_259 = vector.broadcast %and3A_258 : i32 to vector<16xi32>
    %and3A_260 = arith.andi %get3A_248, %and3A_259 : vector<16xi32>
    %swap3A_261 = arith.constant 2 : i32
    %swap3A_262 = arith.index_cast %swap3A_261 : i32 to index
    %swap3A_263 = arith.constant 0 : index
    %swap3A_264 = tpu.vector_load %arg8[%swap3A_262, %swap3A_263] {strides = array<i32>} : memref<3x80xi32, #tpu.memory_space<vmem>>, vector<1x16xi32>,
    %swap3A_265 = vector.shape_cast %swap3A_264 : vector<1x16xi32> to vector<16xi32>
    %swap3A_266 = vector.shape_cast %and3A_260 : vector<16xi32> to vector<1x16xi32>
    tpu.vector_store %arg8[%swap3A_262, %swap3A_263], %swap3A_266 {strides = array<i32>} : memref<3x80xi32, #tpu.memory_space<vmem>>, vector<1x16xi32>,
    %get3A_267 = arith.constant 2 : i32
    %get3A_268 = arith.index_cast %get3A_267 : i32 to index
    %get3A_269 = arith.constant 16 : index
    %get3A_270 = tpu.vector_load %arg6[%get3A_268, %get3A_269] {strides = array<i32>} : memref<125x80xi32, #tpu.memory_space<vmem>>, vector<1x16xi32>,
    %get3A_271 = vector.shape_cast %get3A_270 : vector<1x16xi32> to vector<16xi32>
    %shift_right_logical3A_272 = arith.constant 14 : i32
    %shift_right_logical3A_273 = vector.broadcast %shift_right_logical3A_272 : i32 to vector<16xi32>
    %shift_right_logical3A_274 = arith.shrui %get3A_271, %shift_right_logical3A_273 : vector<16xi32>
    %swap3A_275 = arith.constant 2 : i32
    %swap3A_276 = arith.index_cast %swap3A_275 : i32 to index
    %swap3A_277 = arith.constant 16 : index
    %swap3A_278 = tpu.vector_load %arg7[%swap3A_276, %swap3A_277] {strides = array<i32>} : memref<3x80xi32, #tpu.memory_space<vmem>>, vector<1x16xi32>,
    %swap3A_279 = vector.shape_cast %swap3A_278 : vector<1x16xi32> to vector<16xi32>
    %swap3A_280 = vector.shape_cast %shift_right_logical3A_274 : vector<16xi32> to vector<1x16xi32>
    tpu.vector_store %arg7[%swap3A_276, %swap3A_277], %swap3A_280 {strides = array<i32>} : memref<3x80xi32, #tpu.memory_space<vmem>>, vector<1x16xi32>,
    %and3A_281 = arith.constant 16383 : i32
    %and3A_282 = vector.broadcast %and3A_281 : i32 to vector<16xi32>
    %and3A_283 = arith.andi %get3A_271, %and3A_282 : vector<16xi32>
    %swap3A_284 = arith.constant 2 : i32
    %swap3A_285 = arith.index_cast %swap3A_284 : i32 to index
    %swap3A_286 = arith.constant 16 : index
    %swap3A_287 = tpu.vector_load %arg8[%swap3A_285, %swap3A_286] {strides = array<i32>} : memref<3x80xi32, #tpu.memory_space<vmem>>, vector<1x16xi32>,
    %swap3A_288 = vector.shape_cast %swap3A_287 : vector<1x16xi32> to vector<16xi32>
    %swap3A_289 = vector.shape_cast %and3A_283 : vector<16xi32> to vector<1x16xi32>
    tpu.vector_store %arg8[%swap3A_285, %swap3A_286], %swap3A_289 {strides = array<i32>} : memref<3x80xi32, #tpu.memory_space<vmem>>, vector<1x16xi32>,
    %get3A_290 = arith.constant 2 : i32
    %get3A_291 = arith.index_cast %get3A_290 : i32 to index
    %get3A_292 = arith.constant 32 : index
    %get3A_293 = tpu.vector_load %arg6[%get3A_291, %get3A_292] {strides = array<i32>} : memref<125x80xi32, #tpu.memory_space<vmem>>, vector<1x16xi32>,
    %get3A_294 = vector.shape_cast %get3A_293 : vector<1x16xi32> to vector<16xi32>
    %shift_right_logical3A_295 = arith.constant 14 : i32
    %shift_right_logical3A_296 = vector.broadcast %shift_right_logical3A_295 : i32 to vector<16xi32>
    %shift_right_logical3A_297 = arith.shrui %get3A_294, %shift_right_logical3A_296 : vector<16xi32>
    %swap3A_298 = arith.constant 2 : i32
    %swap3A_299 = arith.index_cast %swap3A_298 : i32 to index
    %swap3A_300 = arith.constant 32 : index
    %swap3A_301 = tpu.vector_load %arg7[%swap3A_299, %swap3A_300] {strides = array<i32>} : memref<3x80xi32, #tpu.memory_space<vmem>>, vector<1x16xi32>,
    %swap3A_302 = vector.shape_cast %swap3A_301 : vector<1x16xi32> to vector<16xi32>
    %swap3A_303 = vector.shape_cast %shift_right_logical3A_297 : vector<16xi32> to vector<1x16xi32>
    tpu.vector_store %arg7[%swap3A_299, %swap3A_300], %swap3A_303 {strides = array<i32>} : memref<3x80xi32, #tpu.memory_space<vmem>>, vector<1x16xi32>,
    %and3A_304 = arith.constant 16383 : i32
    %and3A_305 = vector.broadcast %and3A_304 : i32 to vector<16xi32>
    %and3A_306 = arith.andi %get3A_294, %and3A_305 : vector<16xi32>
    %swap3A_307 = arith.constant 2 : i32
    %swap3A_308 = arith.index_cast %swap3A_307 : i32 to index
    %swap3A_309 = arith.constant 32 : index
    %swap3A_310 = tpu.vector_load %arg8[%swap3A_308, %swap3A_309] {strides = array<i32>} : memref<3x80xi32, #tpu.memory_space<vmem>>, vector<1x16xi32>,
    %swap3A_311 = vector.shape_cast %swap3A_310 : vector<1x16xi32> to vector<16xi32>
    %swap3A_312 = vector.shape_cast %and3A_306 : vector<16xi32> to vector<1x16xi32>
    tpu.vector_store %arg8[%swap3A_308, %swap3A_309], %swap3A_312 {strides = array<i32>} : memref<3x80xi32, #tpu.memory_space<vmem>>, vector<1x16xi32>,
    %get3A_313 = arith.constant 2 : i32
    %get3A_314 = arith.index_cast %get3A_313 : i32 to index
    %get3A_315 = arith.constant 48 : index
    %get3A_316 = tpu.vector_load %arg6[%get3A_314, %get3A_315] {strides = array<i32>} : memref<125x80xi32, #tpu.memory_space<vmem>>, vector<1x16xi32>,
    %get3A_317 = vector.shape_cast %get3A_316 : vector<1x16xi32> to vector<16xi32>
    %shift_right_logical3A_318 = arith.constant 14 : i32
    %shift_right_logical3A_319 = vector.broadcast %shift_right_logical3A_318 : i32 to vector<16xi32>
    %shift_right_logical3A_320 = arith.shrui %get3A_317, %shift_right_logical3A_319 : vector<16xi32>
    %swap3A_321 = arith.constant 2 : i32
    %swap3A_322 = arith.index_cast %swap3A_321 : i32 to index
    %swap3A_323 = arith.constant 48 : index
    %swap3A_324 = tpu.vector_load %arg7[%swap3A_322, %swap3A_323] {strides = array<i32>} : memref<3x80xi32, #tpu.memory_space<vmem>>, vector<1x16xi32>,
    %swap3A_325 = vector.shape_cast %swap3A_324 : vector<1x16xi32> to vector<16xi32>
    %swap3A_326 = vector.shape_cast %shift_right_logical3A_320 : vector<16xi32> to vector<1x16xi32>
    tpu.vector_store %arg7[%swap3A_322, %swap3A_323], %swap3A_326 {strides = array<i32>} : memref<3x80xi32, #tpu.memory_space<vmem>>, vector<1x16xi32>,
    %and3A_327 = arith.constant 16383 : i32
    %and3A_328 = vector.broadcast %and3A_327 : i32 to vector<16xi32>
    %and3A_329 = arith.andi %get3A_317, %and3A_328 : vector<16xi32>
    %swap3A_330 = arith.constant 2 : i32
    %swap3A_331 = arith.index_cast %swap3A_330 : i32 to index
    %swap3A_332 = arith.constant 48 : index
    %swap3A_333 = tpu.vector_load %arg8[%swap3A_331, %swap3A_332] {strides = array<i32>} : memref<3x80xi32, #tpu.memory_space<vmem>>, vector<1x16xi32>,
    %swap3A_334 = vector.shape_cast %swap3A_333 : vector<1x16xi32> to vector<16xi32>
    %swap3A_335 = vector.shape_cast %and3A_329 : vector<16xi32> to vector<1x16xi32>
    tpu.vector_store %arg8[%swap3A_331, %swap3A_332], %swap3A_335 {strides = array<i32>} : memref<3x80xi32, #tpu.memory_space<vmem>>, vector<1x16xi32>,
    %get3A_336 = arith.constant 2 : i32
    %get3A_337 = arith.index_cast %get3A_336 : i32 to index
    %get3A_338 = arith.constant 64 : index
    %get3A_339 = tpu.vector_load %arg6[%get3A_337, %get3A_338] {strides = array<i32>} : memref<125x80xi32, #tpu.memory_space<vmem>>, vector<1x16xi32>,
    %get3A_340 = vector.shape_cast %get3A_339 : vector<1x16xi32> to vector<16xi32>
    %shift_right_logical3A_341 = arith.constant 14 : i32
    %shift_right_logical3A_342 = vector.broadcast %shift_right_logical3A_341 : i32 to vector<16xi32>
    %shift_right_logical3A_343 = arith.shrui %get3A_340, %shift_right_logical3A_342 : vector<16xi32>
    %swap3A_344 = arith.constant 2 : i32
    %swap3A_345 = arith.index_cast %swap3A_344 : i32 to index
    %swap3A_346 = arith.constant 64 : index
    %swap3A_347 = tpu.vector_load %arg7[%swap3A_345, %swap3A_346] {strides = array<i32>} : memref<3x80xi32, #tpu.memory_space<vmem>>, vector<1x16xi32>,
    %swap3A_348 = vector.shape_cast %swap3A_347 : vector<1x16xi32> to vector<16xi32>
    %swap3A_349 = vector.shape_cast %shift_right_logical3A_343 : vector<16xi32> to vector<1x16xi32>
    tpu.vector_store %arg7[%swap3A_345, %swap3A_346], %swap3A_349 {strides = array<i32>} : memref<3x80xi32, #tpu.memory_space<vmem>>, vector<1x16xi32>,
    %and3A_350 = arith.constant 16383 : i32
    %and3A_351 = vector.broadcast %and3A_350 : i32 to vector<16xi32>
    %and3A_352 = arith.andi %get3A_340, %and3A_351 : vector<16xi32>
    %swap3A_353 = arith.constant 2 : i32
    %swap3A_354 = arith.index_cast %swap3A_353 : i32 to index
    %swap3A_355 = arith.constant 64 : index
    %swap3A_356 = tpu.vector_load %arg8[%swap3A_354, %swap3A_355] {strides = array<i32>} : memref<3x80xi32, #tpu.memory_space<vmem>>, vector<1x16xi32>,
    %swap3A_357 = vector.shape_cast %swap3A_356 : vector<1x16xi32> to vector<16xi32>
    %swap3A_358 = vector.shape_cast %and3A_352 : vector<16xi32> to vector<1x16xi32>
    tpu.vector_store %arg8[%swap3A_354, %swap3A_355], %swap3A_358 {strides = array<i32>} : memref<3x80xi32, #tpu.memory_space<vmem>>, vector<1x16xi32>,
    %dma_start3A_359 = arith.constant 2 : i32
    %dma_start3A_360 = arith.constant 0 : i32
    %dma_start3A_361 = tpu.memref_slice %arg7[%dma_start3A_359, %dma_start3A_360] : memref<3x80xi32, #tpu.memory_space<vmem>> -> memref<1x80xi32, #tpu.memory_space<vmem>>
    %dma_start3A_362 = tpu.memref_squeeze %dma_start3A_361 : memref<1x80xi32, #tpu.memory_space<vmem>> -> memref<80xi32, #tpu.memory_space<vmem>>
    %dma_start3A_363 = arith.constant 0 : i32
    %dma_start3A_364 = arith.constant 0 : i32
    %dma_start3A_365 = tpu.memref_slice %arg2[%dma_start3A_363, %dma_start3A_364] : memref<10240x128xf32, #tpu.memory_space<hbm>> -> memref<10240x128xf32, #tpu.memory_space<hbm>>
    tpu.enqueue_indirect_dma source(%dma_start3A_365 : memref<10240x128xf32, #tpu.memory_space<hbm>>) target(%arg11 : memref<80x128xf32, #tpu.memory_space<vmem>>) offsets(%dma_start3A_362 : memref<80xi32, #tpu.memory_space<vmem>>) semaphore(%arg15 : memref<!tpu.dma_semaphore, #tpu.memory_space<semaphore_mem>>)
    %scan3A = arith.constant 0 : i32
    %scan3A_366 = arith.constant 0 : i32
    %scan3A_367 = arith.constant 41 : i32
    %scan3A_368 = arith.addi %scan3A_366, %scan3A_367 : i32
    %scan3A_369 = arith.constant 1 : i32
    scf.for %scan3A_388 = %scan3A_366 to %scan3A_368 step %scan3A_369  : i32 {
      %mul3A_389 = arith.constant 3 : i32
      %mul3A_390 = arith.muli %scan3A_388, %mul3A_389 : i32
      %add3A_391 = arith.constant 0 : i32
      %add3A_392 = arith.addi %mul3A_390, %add3A_391 : i32
      %dma_wait3A_393 = arith.constant 0 : i32
      %dma_wait3A_394 = arith.constant 0 : i32
      %dma_wait3A_395 = tpu.memref_slice %arg2[%dma_wait3A_393, %dma_wait3A_394] : memref<10240x128xf32, #tpu.memory_space<hbm>> -> memref<80x128xf32, #tpu.memory_space<hbm>>
      %dma_wait3A_396 = arith.constant 0 : i32
      %dma_wait3A_397 = arith.constant 0 : i32
      %dma_wait3A_398 = tpu.memref_slice %arg2[%dma_wait3A_396, %dma_wait3A_397] : memref<10240x128xf32, #tpu.memory_space<hbm>> -> memref<80x128xf32, #tpu.memory_space<hbm>>
      tpu.wait_dma2 semaphore(%arg13 : memref<!tpu.dma_semaphore, #tpu.memory_space<semaphore_mem>>) src(%dma_wait3A_398 : memref<80x128xf32, #tpu.memory_space<hbm>>) dst(%arg9 : memref<80x128xf32, #tpu.memory_space<vmem>>)
      %run_scoped3A_399 = arith.constant 0 : i32
      "tpu.region"() ({
        %run_scoped3A_440 = tpu.sem_alloc : memref<!tpu.dma_semaphore, #tpu.memory_space<semaphore_mem>>
        %dma_start3A_441 = arith.constant 0 : i32
        %dma_start3A_442 = tpu.memref_slice %arg8[%run_scoped3A_399, %dma_start3A_441] : memref<3x80xi32, #tpu.memory_space<vmem>> -> memref<1x80xi32, #tpu.memory_space<vmem>>
        %dma_start3A_443 = tpu.memref_squeeze %dma_start3A_442 : memref<1x80xi32, #tpu.memory_space<vmem>> -> memref<80xi32, #tpu.memory_space<vmem>>
        %dma_start3A_444 = arith.constant 0 : i32
        %dma_start3A_445 = arith.constant 0 : i32
        %dma_start3A_446 = tpu.memref_slice %arg12[%dma_start3A_444, %dma_start3A_445] : memref<10240x128xf32, #tpu.memory_space<vmem_shared>> -> memref<10240x128xf32, #tpu.memory_space<vmem_shared>>
        tpu.enqueue_indirect_dma source(%arg9 : memref<80x128xf32, #tpu.memory_space<vmem>>) target(%dma_start3A_446 : memref<10240x128xf32, #tpu.memory_space<vmem_shared>>) offsets(%dma_start3A_443 : memref<80xi32, #tpu.memory_space<vmem>>) semaphore(%run_scoped3A_440 : memref<!tpu.dma_semaphore, #tpu.memory_space<semaphore_mem>>) {add = true}
        %dma_wait3A_447 = arith.constant 0 : i32
        %dma_wait3A_448 = tpu.memref_slice %arg8[%run_scoped3A_399, %dma_wait3A_447] : memref<3x80xi32, #tpu.memory_space<vmem>> -> memref<1x80xi32, #tpu.memory_space<vmem>>
        %dma_wait3A_449 = tpu.memref_squeeze %dma_wait3A_448 : memref<1x80xi32, #tpu.memory_space<vmem>> -> memref<80xi32, #tpu.memory_space<vmem>>
        %dma_wait3A_450 = arith.constant 0 : i32
        %dma_wait3A_451 = arith.constant 0 : i32
        %dma_wait3A_452 = tpu.memref_slice %arg12[%dma_wait3A_450, %dma_wait3A_451] : memref<10240x128xf32, #tpu.memory_space<vmem_shared>> -> memref<10240x128xf32, #tpu.memory_space<vmem_shared>>
        tpu.wait_indirect_dma semaphore(%run_scoped3A_440 : memref<!tpu.dma_semaphore, #tpu.memory_space<semaphore_mem>>) src(%arg9 : memref<80x128xf32, #tpu.memory_space<vmem>>) dst(%dma_wait3A_452 : memref<10240x128xf32, #tpu.memory_space<vmem_shared>>)
        tpu.yield
      }) : () -> ()
      %add3A_400 = arith.constant 3 : i32
      %add3A_401 = arith.addi %add3A_392, %add3A_400 : i32
      %lt3A = arith.constant 125 : i32
      %lt3A_402 = arith.cmpi slt, %add3A_401, %lt3A : i32
      %convert_element_type3A = arith.extui %lt3A_402 : i1 to i32
      %cond3A = arith.constant 0 : i32
      %cond3A_403 = arith.cmpi ne, %convert_element_type3A, %cond3A : i32
      scf.if %cond3A_403 {
        %add3A_440 = arith.constant 3 : i32
        %add3A_441 = arith.addi %add3A_392, %add3A_440 : i32
        %get3A_442 = arith.index_cast %add3A_441 : i32 to index
        %get3A_443 = arith.constant 0 : index
        %get3A_444 = tpu.vector_load %arg6[%get3A_442, %get3A_443] {strides = array<i32>} : memref<125x80xi32, #tpu.memory_space<vmem>>, vector<1x16xi32>,
        %get3A_445 = vector.shape_cast %get3A_444 : vector<1x16xi32> to vector<16xi32>
        %shift_right_logical3A_446 = arith.constant 14 : i32
        %shift_right_logical3A_447 = vector.broadcast %shift_right_logical3A_446 : i32 to vector<16xi32>
        %shift_right_logical3A_448 = arith.shrui %get3A_445, %shift_right_logical3A_447 : vector<16xi32>
        %swap3A_449 = arith.constant 0 : i32
        %swap3A_450 = arith.index_cast %swap3A_449 : i32 to index
        %swap3A_451 = arith.constant 0 : index
        %swap3A_452 = tpu.vector_load %arg7[%swap3A_450, %swap3A_451] {strides = array<i32>} : memref<3x80xi32, #tpu.memory_space<vmem>>, vector<1x16xi32>,
        %swap3A_453 = vector.shape_cast %swap3A_452 : vector<1x16xi32> to vector<16xi32>
        %swap3A_454 = vector.shape_cast %shift_right_logical3A_448 : vector<16xi32> to vector<1x16xi32>
        tpu.vector_store %arg7[%swap3A_450, %swap3A_451], %swap3A_454 {strides = array<i32>} : memref<3x80xi32, #tpu.memory_space<vmem>>, vector<1x16xi32>,
        %and3A_455 = arith.constant 16383 : i32
        %and3A_456 = vector.broadcast %and3A_455 : i32 to vector<16xi32>
        %and3A_457 = arith.andi %get3A_445, %and3A_456 : vector<16xi32>
        %swap3A_458 = arith.constant 0 : i32
        %swap3A_459 = arith.index_cast %swap3A_458 : i32 to index
        %swap3A_460 = arith.constant 0 : index
        %swap3A_461 = tpu.vector_load %arg8[%swap3A_459, %swap3A_460] {strides = array<i32>} : memref<3x80xi32, #tpu.memory_space<vmem>>, vector<1x16xi32>,
        %swap3A_462 = vector.shape_cast %swap3A_461 : vector<1x16xi32> to vector<16xi32>
        %swap3A_463 = vector.shape_cast %and3A_457 : vector<16xi32> to vector<1x16xi32>
        tpu.vector_store %arg8[%swap3A_459, %swap3A_460], %swap3A_463 {strides = array<i32>} : memref<3x80xi32, #tpu.memory_space<vmem>>, vector<1x16xi32>,
        %get3A_464 = arith.index_cast %add3A_441 : i32 to index
        %get3A_465 = arith.constant 16 : index
        %get3A_466 = tpu.vector_load %arg6[%get3A_464, %get3A_465] {strides = array<i32>} : memref<125x80xi32, #tpu.memory_space<vmem>>, vector<1x16xi32>,
        %get3A_467 = vector.shape_cast %get3A_466 : vector<1x16xi32> to vector<16xi32>
        %shift_right_logical3A_468 = arith.constant 14 : i32
        %shift_right_logical3A_469 = vector.broadcast %shift_right_logical3A_468 : i32 to vector<16xi32>
        %shift_right_logical3A_470 = arith.shrui %get3A_467, %shift_right_logical3A_469 : vector<16xi32>
        %swap3A_471 = arith.constant 0 : i32
        %swap3A_472 = arith.index_cast %swap3A_471 : i32 to index
        %swap3A_473 = arith.constant 16 : index
        %swap3A_474 = tpu.vector_load %arg7[%swap3A_472, %swap3A_473] {strides = array<i32>} : memref<3x80xi32, #tpu.memory_space<vmem>>, vector<1x16xi32>,
        %swap3A_475 = vector.shape_cast %swap3A_474 : vector<1x16xi32> to vector<16xi32>
        %swap3A_476 = vector.shape_cast %shift_right_logical3A_470 : vector<16xi32> to vector<1x16xi32>
        tpu.vector_store %arg7[%swap3A_472, %swap3A_473], %swap3A_476 {strides = array<i32>} : memref<3x80xi32, #tpu.memory_space<vmem>>, vector<1x16xi32>,
        %and3A_477 = arith.constant 16383 : i32
        %and3A_478 = vector.broadcast %and3A_477 : i32 to vector<16xi32>
        %and3A_479 = arith.andi %get3A_467, %and3A_478 : vector<16xi32>
        %swap3A_480 = arith.constant 0 : i32
        %swap3A_481 = arith.index_cast %swap3A_480 : i32 to index
        %swap3A_482 = arith.constant 16 : index
        %swap3A_483 = tpu.vector_load %arg8[%swap3A_481, %swap3A_482] {strides = array<i32>} : memref<3x80xi32, #tpu.memory_space<vmem>>, vector<1x16xi32>,
        %swap3A_484 = vector.shape_cast %swap3A_483 : vector<1x16xi32> to vector<16xi32>
        %swap3A_485 = vector.shape_cast %and3A_479 : vector<16xi32> to vector<1x16xi32>
        tpu.vector_store %arg8[%swap3A_481, %swap3A_482], %swap3A_485 {strides = array<i32>} : memref<3x80xi32, #tpu.memory_space<vmem>>, vector<1x16xi32>,
        %get3A_486 = arith.index_cast %add3A_441 : i32 to index
        %get3A_487 = arith.constant 32 : index
        %get3A_488 = tpu.vector_load %arg6[%get3A_486, %get3A_487] {strides = array<i32>} : memref<125x80xi32, #tpu.memory_space<vmem>>, vector<1x16xi32>,
        %get3A_489 = vector.shape_cast %get3A_488 : vector<1x16xi32> to vector<16xi32>
        %shift_right_logical3A_490 = arith.constant 14 : i32
        %shift_right_logical3A_491 = vector.broadcast %shift_right_logical3A_490 : i32 to vector<16xi32>
        %shift_right_logical3A_492 = arith.shrui %get3A_489, %shift_right_logical3A_491 : vector<16xi32>
        %swap3A_493 = arith.constant 0 : i32
        %swap3A_494 = arith.index_cast %swap3A_493 : i32 to index
        %swap3A_495 = arith.constant 32 : index
        %swap3A_496 = tpu.vector_load %arg7[%swap3A_494, %swap3A_495] {strides = array<i32>} : memref<3x80xi32, #tpu.memory_space<vmem>>, vector<1x16xi32>,
        %swap3A_497 = vector.shape_cast %swap3A_496 : vector<1x16xi32> to vector<16xi32>
        %swap3A_498 = vector.shape_cast %shift_right_logical3A_492 : vector<16xi32> to vector<1x16xi32>
        tpu.vector_store %arg7[%swap3A_494, %swap3A_495], %swap3A_498 {strides = array<i32>} : memref<3x80xi32, #tpu.memory_space<vmem>>, vector<1x16xi32>,
        %and3A_499 = arith.constant 16383 : i32
        %and3A_500 = vector.broadcast %and3A_499 : i32 to vector<16xi32>
        %and3A_501 = arith.andi %get3A_489, %and3A_500 : vector<16xi32>
        %swap3A_502 = arith.constant 0 : i32
        %swap3A_503 = arith.index_cast %swap3A_502 : i32 to index
        %swap3A_504 = arith.constant 32 : index
        %swap3A_505 = tpu.vector_load %arg8[%swap3A_503, %swap3A_504] {strides = array<i32>} : memref<3x80xi32, #tpu.memory_space<vmem>>, vector<1x16xi32>,
        %swap3A_506 = vector.shape_cast %swap3A_505 : vector<1x16xi32> to vector<16xi32>
        %swap3A_507 = vector.shape_cast %and3A_501 : vector<16xi32> to vector<1x16xi32>
        tpu.vector_store %arg8[%swap3A_503, %swap3A_504], %swap3A_507 {strides = array<i32>} : memref<3x80xi32, #tpu.memory_space<vmem>>, vector<1x16xi32>,
        %get3A_508 = arith.index_cast %add3A_441 : i32 to index
        %get3A_509 = arith.constant 48 : index
        %get3A_510 = tpu.vector_load %arg6[%get3A_508, %get3A_509] {strides = array<i32>} : memref<125x80xi32, #tpu.memory_space<vmem>>, vector<1x16xi32>,
        %get3A_511 = vector.shape_cast %get3A_510 : vector<1x16xi32> to vector<16xi32>
        %shift_right_logical3A_512 = arith.constant 14 : i32
        %shift_right_logical3A_513 = vector.broadcast %shift_right_logical3A_512 : i32 to vector<16xi32>
        %shift_right_logical3A_514 = arith.shrui %get3A_511, %shift_right_logical3A_513 : vector<16xi32>
        %swap3A_515 = arith.constant 0 : i32
        %swap3A_516 = arith.index_cast %swap3A_515 : i32 to index
        %swap3A_517 = arith.constant 48 : index
        %swap3A_518 = tpu.vector_load %arg7[%swap3A_516, %swap3A_517] {strides = array<i32>} : memref<3x80xi32, #tpu.memory_space<vmem>>, vector<1x16xi32>,
        %swap3A_519 = vector.shape_cast %swap3A_518 : vector<1x16xi32> to vector<16xi32>
        %swap3A_520 = vector.shape_cast %shift_right_logical3A_514 : vector<16xi32> to vector<1x16xi32>
        tpu.vector_store %arg7[%swap3A_516, %swap3A_517], %swap3A_520 {strides = array<i32>} : memref<3x80xi32, #tpu.memory_space<vmem>>, vector<1x16xi32>,
        %and3A_521 = arith.constant 16383 : i32
        %and3A_522 = vector.broadcast %and3A_521 : i32 to vector<16xi32>
        %and3A_523 = arith.andi %get3A_511, %and3A_522 : vector<16xi32>
        %swap3A_524 = arith.constant 0 : i32
        %swap3A_525 = arith.index_cast %swap3A_524 : i32 to index
        %swap3A_526 = arith.constant 48 : index
        %swap3A_527 = tpu.vector_load %arg8[%swap3A_525, %swap3A_526] {strides = array<i32>} : memref<3x80xi32, #tpu.memory_space<vmem>>, vector<1x16xi32>,
        %swap3A_528 = vector.shape_cast %swap3A_527 : vector<1x16xi32> to vector<16xi32>
        %swap3A_529 = vector.shape_cast %and3A_523 : vector<16xi32> to vector<1x16xi32>
        tpu.vector_store %arg8[%swap3A_525, %swap3A_526], %swap3A_529 {strides = array<i32>} : memref<3x80xi32, #tpu.memory_space<vmem>>, vector<1x16xi32>,
        %get3A_530 = arith.index_cast %add3A_441 : i32 to index
        %get3A_531 = arith.constant 64 : index
        %get3A_532 = tpu.vector_load %arg6[%get3A_530, %get3A_531] {strides = array<i32>} : memref<125x80xi32, #tpu.memory_space<vmem>>, vector<1x16xi32>,
        %get3A_533 = vector.shape_cast %get3A_532 : vector<1x16xi32> to vector<16xi32>
        %shift_right_logical3A_534 = arith.constant 14 : i32
        %shift_right_logical3A_535 = vector.broadcast %shift_right_logical3A_534 : i32 to vector<16xi32>
        %shift_right_logical3A_536 = arith.shrui %get3A_533, %shift_right_logical3A_535 : vector<16xi32>
        %swap3A_537 = arith.constant 0 : i32
        %swap3A_538 = arith.index_cast %swap3A_537 : i32 to index
        %swap3A_539 = arith.constant 64 : index
        %swap3A_540 = tpu.vector_load %arg7[%swap3A_538, %swap3A_539] {strides = array<i32>} : memref<3x80xi32, #tpu.memory_space<vmem>>, vector<1x16xi32>,
        %swap3A_541 = vector.shape_cast %swap3A_540 : vector<1x16xi32> to vector<16xi32>
        %swap3A_542 = vector.shape_cast %shift_right_logical3A_536 : vector<16xi32> to vector<1x16xi32>
        tpu.vector_store %arg7[%swap3A_538, %swap3A_539], %swap3A_542 {strides = array<i32>} : memref<3x80xi32, #tpu.memory_space<vmem>>, vector<1x16xi32>,
        %and3A_543 = arith.constant 16383 : i32
        %and3A_544 = vector.broadcast %and3A_543 : i32 to vector<16xi32>
        %and3A_545 = arith.andi %get3A_533, %and3A_544 : vector<16xi32>
        %swap3A_546 = arith.constant 0 : i32
        %swap3A_547 = arith.index_cast %swap3A_546 : i32 to index
        %swap3A_548 = arith.constant 64 : index
        %swap3A_549 = tpu.vector_load %arg8[%swap3A_547, %swap3A_548] {strides = array<i32>} : memref<3x80xi32, #tpu.memory_space<vmem>>, vector<1x16xi32>,
        %swap3A_550 = vector.shape_cast %swap3A_549 : vector<1x16xi32> to vector<16xi32>
        %swap3A_551 = vector.shape_cast %and3A_545 : vector<16xi32> to vector<1x16xi32>
        tpu.vector_store %arg8[%swap3A_547, %swap3A_548], %swap3A_551 {strides = array<i32>} : memref<3x80xi32, #tpu.memory_space<vmem>>, vector<1x16xi32>,
        %dma_start3A_552 = arith.constant 0 : i32
        %dma_start3A_553 = arith.constant 0 : i32
        %dma_start3A_554 = tpu.memref_slice %arg7[%dma_start3A_552, %dma_start3A_553] : memref<3x80xi32, #tpu.memory_space<vmem>> -> memref<1x80xi32, #tpu.memory_space<vmem>>
        %dma_start3A_555 = tpu.memref_squeeze %dma_start3A_554 : memref<1x80xi32, #tpu.memory_space<vmem>> -> memref<80xi32, #tpu.memory_space<vmem>>
        %dma_start3A_556 = arith.constant 0 : i32
        %dma_start3A_557 = arith.constant 0 : i32
        %dma_start3A_558 = tpu.memref_slice %arg2[%dma_start3A_556, %dma_start3A_557] : memref<10240x128xf32, #tpu.memory_space<hbm>> -> memref<10240x128xf32, #tpu.memory_space<hbm>>
        tpu.enqueue_indirect_dma source(%dma_start3A_558 : memref<10240x128xf32, #tpu.memory_space<hbm>>) target(%arg9 : memref<80x128xf32, #tpu.memory_space<vmem>>) offsets(%dma_start3A_555 : memref<80xi32, #tpu.memory_space<vmem>>) semaphore(%arg13 : memref<!tpu.dma_semaphore, #tpu.memory_space<semaphore_mem>>)
      } else {
      }
      %mul3A_404 = arith.constant 3 : i32
      %mul3A_405 = arith.muli %scan3A_388, %mul3A_404 : i32
      %add3A_406 = arith.constant 1 : i32
      %add3A_407 = arith.addi %mul3A_405, %add3A_406 : i32
      %dma_wait3A_408 = arith.constant 0 : i32
      %dma_wait3A_409 = arith.constant 0 : i32
      %dma_wait3A_410 = tpu.memref_slice %arg2[%dma_wait3A_408, %dma_wait3A_409] : memref<10240x128xf32, #tpu.memory_space<hbm>> -> memref<80x128xf32, #tpu.memory_space<hbm>>
      %dma_wait3A_411 = arith.constant 0 : i32
      %dma_wait3A_412 = arith.constant 0 : i32
      %dma_wait3A_413 = tpu.memref_slice %arg2[%dma_wait3A_411, %dma_wait3A_412] : memref<10240x128xf32, #tpu.memory_space<hbm>> -> memref<80x128xf32, #tpu.memory_space<hbm>>
      tpu.wait_dma2 semaphore(%arg14 : memref<!tpu.dma_semaphore, #tpu.memory_space<semaphore_mem>>) src(%dma_wait3A_413 : memref<80x128xf32, #tpu.memory_space<hbm>>) dst(%arg10 : memref<80x128xf32, #tpu.memory_space<vmem>>)
      %run_scoped3A_414 = arith.constant 1 : i32
      "tpu.region"() ({
        %run_scoped3A_440 = tpu.sem_alloc : memref<!tpu.dma_semaphore, #tpu.memory_space<semaphore_mem>>
        %dma_start3A_441 = arith.constant 0 : i32
        %dma_start3A_442 = tpu.memref_slice %arg8[%run_scoped3A_414, %dma_start3A_441] : memref<3x80xi32, #tpu.memory_space<vmem>> -> memref<1x80xi32, #tpu.memory_space<vmem>>
        %dma_start3A_443 = tpu.memref_squeeze %dma_start3A_442 : memref<1x80xi32, #tpu.memory_space<vmem>> -> memref<80xi32, #tpu.memory_space<vmem>>
        %dma_start3A_444 = arith.constant 0 : i32
        %dma_start3A_445 = arith.constant 0 : i32
        %dma_start3A_446 = tpu.memref_slice %arg12[%dma_start3A_444, %dma_start3A_445] : memref<10240x128xf32, #tpu.memory_space<vmem_shared>> -> memref<10240x128xf32, #tpu.memory_space<vmem_shared>>
        tpu.enqueue_indirect_dma source(%arg10 : memref<80x128xf32, #tpu.memory_space<vmem>>) target(%dma_start3A_446 : memref<10240x128xf32, #tpu.memory_space<vmem_shared>>) offsets(%dma_start3A_443 : memref<80xi32, #tpu.memory_space<vmem>>) semaphore(%run_scoped3A_440 : memref<!tpu.dma_semaphore, #tpu.memory_space<semaphore_mem>>) {add = true}
        %dma_wait3A_447 = arith.constant 0 : i32
        %dma_wait3A_448 = tpu.memref_slice %arg8[%run_scoped3A_414, %dma_wait3A_447] : memref<3x80xi32, #tpu.memory_space<vmem>> -> memref<1x80xi32, #tpu.memory_space<vmem>>
        %dma_wait3A_449 = tpu.memref_squeeze %dma_wait3A_448 : memref<1x80xi32, #tpu.memory_space<vmem>> -> memref<80xi32, #tpu.memory_space<vmem>>
        %dma_wait3A_450 = arith.constant 0 : i32
        %dma_wait3A_451 = arith.constant 0 : i32
        %dma_wait3A_452 = tpu.memref_slice %arg12[%dma_wait3A_450, %dma_wait3A_451] : memref<10240x128xf32, #tpu.memory_space<vmem_shared>> -> memref<10240x128xf32, #tpu.memory_space<vmem_shared>>
        tpu.wait_indirect_dma semaphore(%run_scoped3A_440 : memref<!tpu.dma_semaphore, #tpu.memory_space<semaphore_mem>>) src(%arg10 : memref<80x128xf32, #tpu.memory_space<vmem>>) dst(%dma_wait3A_452 : memref<10240x128xf32, #tpu.memory_space<vmem_shared>>)
        tpu.yield
      }) : () -> ()
      %add3A_415 = arith.constant 3 : i32
      %add3A_416 = arith.addi %add3A_407, %add3A_415 : i32
      %lt3A_417 = arith.constant 125 : i32
      %lt3A_418 = arith.cmpi slt, %add3A_416, %lt3A_417 : i32
      %convert_element_type3A_419 = arith.extui %lt3A_418 : i1 to i32
      %cond3A_420 = arith.constant 0 : i32
      %cond3A_421 = arith.cmpi ne, %convert_element_type3A_419, %cond3A_420 : i32
      scf.if %cond3A_421 {
        %add3A_440 = arith.constant 3 : i32
        %add3A_441 = arith.addi %add3A_407, %add3A_440 : i32
        %get3A_442 = arith.index_cast %add3A_441 : i32 to index
        %get3A_443 = arith.constant 0 : index
        %get3A_444 = tpu.vector_load %arg6[%get3A_442, %get3A_443] {strides = array<i32>} : memref<125x80xi32, #tpu.memory_space<vmem>>, vector<1x16xi32>,
        %get3A_445 = vector.shape_cast %get3A_444 : vector<1x16xi32> to vector<16xi32>
        %shift_right_logical3A_446 = arith.constant 14 : i32
        %shift_right_logical3A_447 = vector.broadcast %shift_right_logical3A_446 : i32 to vector<16xi32>
        %shift_right_logical3A_448 = arith.shrui %get3A_445, %shift_right_logical3A_447 : vector<16xi32>
        %swap3A_449 = arith.constant 1 : i32
        %swap3A_450 = arith.index_cast %swap3A_449 : i32 to index
        %swap3A_451 = arith.constant 0 : index
        %swap3A_452 = tpu.vector_load %arg7[%swap3A_450, %swap3A_451] {strides = array<i32>} : memref<3x80xi32, #tpu.memory_space<vmem>>, vector<1x16xi32>,
        %swap3A_453 = vector.shape_cast %swap3A_452 : vector<1x16xi32> to vector<16xi32>
        %swap3A_454 = vector.shape_cast %shift_right_logical3A_448 : vector<16xi32> to vector<1x16xi32>
        tpu.vector_store %arg7[%swap3A_450, %swap3A_451], %swap3A_454 {strides = array<i32>} : memref<3x80xi32, #tpu.memory_space<vmem>>, vector<1x16xi32>,
        %and3A_455 = arith.constant 16383 : i32
        %and3A_456 = vector.broadcast %and3A_455 : i32 to vector<16xi32>
        %and3A_457 = arith.andi %get3A_445, %and3A_456 : vector<16xi32>
        %swap3A_458 = arith.constant 1 : i32
        %swap3A_459 = arith.index_cast %swap3A_458 : i32 to index
        %swap3A_460 = arith.constant 0 : index
        %swap3A_461 = tpu.vector_load %arg8[%swap3A_459, %swap3A_460] {strides = array<i32>} : memref<3x80xi32, #tpu.memory_space<vmem>>, vector<1x16xi32>,
        %swap3A_462 = vector.shape_cast %swap3A_461 : vector<1x16xi32> to vector<16xi32>
        %swap3A_463 = vector.shape_cast %and3A_457 : vector<16xi32> to vector<1x16xi32>
        tpu.vector_store %arg8[%swap3A_459, %swap3A_460], %swap3A_463 {strides = array<i32>} : memref<3x80xi32, #tpu.memory_space<vmem>>, vector<1x16xi32>,
        %get3A_464 = arith.index_cast %add3A_441 : i32 to index
        %get3A_465 = arith.constant 16 : index
        %get3A_466 = tpu.vector_load %arg6[%get3A_464, %get3A_465] {strides = array<i32>} : memref<125x80xi32, #tpu.memory_space<vmem>>, vector<1x16xi32>,
        %get3A_467 = vector.shape_cast %get3A_466 : vector<1x16xi32> to vector<16xi32>
        %shift_right_logical3A_468 = arith.constant 14 : i32
        %shift_right_logical3A_469 = vector.broadcast %shift_right_logical3A_468 : i32 to vector<16xi32>
        %shift_right_logical3A_470 = arith.shrui %get3A_467, %shift_right_logical3A_469 : vector<16xi32>
        %swap3A_471 = arith.constant 1 : i32
        %swap3A_472 = arith.index_cast %swap3A_471 : i32 to index
        %swap3A_473 = arith.constant 16 : index
        %swap3A_474 = tpu.vector_load %arg7[%swap3A_472, %swap3A_473] {strides = array<i32>} : memref<3x80xi32, #tpu.memory_space<vmem>>, vector<1x16xi32>,
        %swap3A_475 = vector.shape_cast %swap3A_474 : vector<1x16xi32> to vector<16xi32>
        %swap3A_476 = vector.shape_cast %shift_right_logical3A_470 : vector<16xi32> to vector<1x16xi32>
        tpu.vector_store %arg7[%swap3A_472, %swap3A_473], %swap3A_476 {strides = array<i32>} : memref<3x80xi32, #tpu.memory_space<vmem>>, vector<1x16xi32>,
        %and3A_477 = arith.constant 16383 : i32
        %and3A_478 = vector.broadcast %and3A_477 : i32 to vector<16xi32>
        %and3A_479 = arith.andi %get3A_467, %and3A_478 : vector<16xi32>
        %swap3A_480 = arith.constant 1 : i32
        %swap3A_481 = arith.index_cast %swap3A_480 : i32 to index
        %swap3A_482 = arith.constant 16 : index
        %swap3A_483 = tpu.vector_load %arg8[%swap3A_481, %swap3A_482] {strides = array<i32>} : memref<3x80xi32, #tpu.memory_space<vmem>>, vector<1x16xi32>,
        %swap3A_484 = vector.shape_cast %swap3A_483 : vector<1x16xi32> to vector<16xi32>
        %swap3A_485 = vector.shape_cast %and3A_479 : vector<16xi32> to vector<1x16xi32>
        tpu.vector_store %arg8[%swap3A_481, %swap3A_482], %swap3A_485 {strides = array<i32>} : memref<3x80xi32, #tpu.memory_space<vmem>>, vector<1x16xi32>,
        %get3A_486 = arith.index_cast %add3A_441 : i32 to index
        %get3A_487 = arith.constant 32 : index
        %get3A_488 = tpu.vector_load %arg6[%get3A_486, %get3A_487] {strides = array<i32>} : memref<125x80xi32, #tpu.memory_space<vmem>>, vector<1x16xi32>,
        %get3A_489 = vector.shape_cast %get3A_488 : vector<1x16xi32> to vector<16xi32>
        %shift_right_logical3A_490 = arith.constant 14 : i32
        %shift_right_logical3A_491 = vector.broadcast %shift_right_logical3A_490 : i32 to vector<16xi32>
        %shift_right_logical3A_492 = arith.shrui %get3A_489, %shift_right_logical3A_491 : vector<16xi32>
        %swap3A_493 = arith.constant 1 : i32
        %swap3A_494 = arith.index_cast %swap3A_493 : i32 to index
        %swap3A_495 = arith.constant 32 : index
        %swap3A_496 = tpu.vector_load %arg7[%swap3A_494, %swap3A_495] {strides = array<i32>} : memref<3x80xi32, #tpu.memory_space<vmem>>, vector<1x16xi32>,
        %swap3A_497 = vector.shape_cast %swap3A_496 : vector<1x16xi32> to vector<16xi32>
        %swap3A_498 = vector.shape_cast %shift_right_logical3A_492 : vector<16xi32> to vector<1x16xi32>
        tpu.vector_store %arg7[%swap3A_494, %swap3A_495], %swap3A_498 {strides = array<i32>} : memref<3x80xi32, #tpu.memory_space<vmem>>, vector<1x16xi32>,
        %and3A_499 = arith.constant 16383 : i32
        %and3A_500 = vector.broadcast %and3A_499 : i32 to vector<16xi32>
        %and3A_501 = arith.andi %get3A_489, %and3A_500 : vector<16xi32>
        %swap3A_502 = arith.constant 1 : i32
        %swap3A_503 = arith.index_cast %swap3A_502 : i32 to index
        %swap3A_504 = arith.constant 32 : index
        %swap3A_505 = tpu.vector_load %arg8[%swap3A_503, %swap3A_504] {strides = array<i32>} : memref<3x80xi32, #tpu.memory_space<vmem>>, vector<1x16xi32>,
        %swap3A_506 = vector.shape_cast %swap3A_505 : vector<1x16xi32> to vector<16xi32>
        %swap3A_507 = vector.shape_cast %and3A_501 : vector<16xi32> to vector<1x16xi32>
        tpu.vector_store %arg8[%swap3A_503, %swap3A_504], %swap3A_507 {strides = array<i32>} : memref<3x80xi32, #tpu.memory_space<vmem>>, vector<1x16xi32>,
        %get3A_508 = arith.index_cast %add3A_441 : i32 to index
        %get3A_509 = arith.constant 48 : index
        %get3A_510 = tpu.vector_load %arg6[%get3A_508, %get3A_509] {strides = array<i32>} : memref<125x80xi32, #tpu.memory_space<vmem>>, vector<1x16xi32>,
        %get3A_511 = vector.shape_cast %get3A_510 : vector<1x16xi32> to vector<16xi32>
        %shift_right_logical3A_512 = arith.constant 14 : i32
        %shift_right_logical3A_513 = vector.broadcast %shift_right_logical3A_512 : i32 to vector<16xi32>
        %shift_right_logical3A_514 = arith.shrui %get3A_511, %shift_right_logical3A_513 : vector<16xi32>
        %swap3A_515 = arith.constant 1 : i32
        %swap3A_516 = arith.index_cast %swap3A_515 : i32 to index
        %swap3A_517 = arith.constant 48 : index
        %swap3A_518 = tpu.vector_load %arg7[%swap3A_516, %swap3A_517] {strides = array<i32>} : memref<3x80xi32, #tpu.memory_space<vmem>>, vector<1x16xi32>,
        %swap3A_519 = vector.shape_cast %swap3A_518 : vector<1x16xi32> to vector<16xi32>
        %swap3A_520 = vector.shape_cast %shift_right_logical3A_514 : vector<16xi32> to vector<1x16xi32>
        tpu.vector_store %arg7[%swap3A_516, %swap3A_517], %swap3A_520 {strides = array<i32>} : memref<3x80xi32, #tpu.memory_space<vmem>>, vector<1x16xi32>,
        %and3A_521 = arith.constant 16383 : i32
        %and3A_522 = vector.broadcast %and3A_521 : i32 to vector<16xi32>
        %and3A_523 = arith.andi %get3A_511, %and3A_522 : vector<16xi32>
        %swap3A_524 = arith.constant 1 : i32
        %swap3A_525 = arith.index_cast %swap3A_524 : i32 to index
        %swap3A_526 = arith.constant 48 : index
        %swap3A_527 = tpu.vector_load %arg8[%swap3A_525, %swap3A_526] {strides = array<i32>} : memref<3x80xi32, #tpu.memory_space<vmem>>, vector<1x16xi32>,
        %swap3A_528 = vector.shape_cast %swap3A_527 : vector<1x16xi32> to vector<16xi32>
        %swap3A_529 = vector.shape_cast %and3A_523 : vector<16xi32> to vector<1x16xi32>
        tpu.vector_store %arg8[%swap3A_525, %swap3A_526], %swap3A_529 {strides = array<i32>} : memref<3x80xi32, #tpu.memory_space<vmem>>, vector<1x16xi32>,
        %get3A_530 = arith.index_cast %add3A_441 : i32 to index
        %get3A_531 = arith.constant 64 : index
        %get3A_532 = tpu.vector_load %arg6[%get3A_530, %get3A_531] {strides = array<i32>} : memref<125x80xi32, #tpu.memory_space<vmem>>, vector<1x16xi32>,
        %get3A_533 = vector.shape_cast %get3A_532 : vector<1x16xi32> to vector<16xi32>
        %shift_right_logical3A_534 = arith.constant 14 : i32
        %shift_right_logical3A_535 = vector.broadcast %shift_right_logical3A_534 : i32 to vector<16xi32>
        %shift_right_logical3A_536 = arith.shrui %get3A_533, %shift_right_logical3A_535 : vector<16xi32>
        %swap3A_537 = arith.constant 1 : i32
        %swap3A_538 = arith.index_cast %swap3A_537 : i32 to index
        %swap3A_539 = arith.constant 64 : index
        %swap3A_540 = tpu.vector_load %arg7[%swap3A_538, %swap3A_539] {strides = array<i32>} : memref<3x80xi32, #tpu.memory_space<vmem>>, vector<1x16xi32>,
        %swap3A_541 = vector.shape_cast %swap3A_540 : vector<1x16xi32> to vector<16xi32>
        %swap3A_542 = vector.shape_cast %shift_right_logical3A_536 : vector<16xi32> to vector<1x16xi32>
        tpu.vector_store %arg7[%swap3A_538, %swap3A_539], %swap3A_542 {strides = array<i32>} : memref<3x80xi32, #tpu.memory_space<vmem>>, vector<1x16xi32>,
        %and3A_543 = arith.constant 16383 : i32
        %and3A_544 = vector.broadcast %and3A_543 : i32 to vector<16xi32>
        %and3A_545 = arith.andi %get3A_533, %and3A_544 : vector<16xi32>
        %swap3A_546 = arith.constant 1 : i32
        %swap3A_547 = arith.index_cast %swap3A_546 : i32 to index
        %swap3A_548 = arith.constant 64 : index
        %swap3A_549 = tpu.vector_load %arg8[%swap3A_547, %swap3A_548] {strides = array<i32>} : memref<3x80xi32, #tpu.memory_space<vmem>>, vector<1x16xi32>,
        %swap3A_550 = vector.shape_cast %swap3A_549 : vector<1x16xi32> to vector<16xi32>
        %swap3A_551 = vector.shape_cast %and3A_545 : vector<16xi32> to vector<1x16xi32>
        tpu.vector_store %arg8[%swap3A_547, %swap3A_548], %swap3A_551 {strides = array<i32>} : memref<3x80xi32, #tpu.memory_space<vmem>>, vector<1x16xi32>,
        %dma_start3A_552 = arith.constant 1 : i32
        %dma_start3A_553 = arith.constant 0 : i32
        %dma_start3A_554 = tpu.memref_slice %arg7[%dma_start3A_552, %dma_start3A_553] : memref<3x80xi32, #tpu.memory_space<vmem>> -> memref<1x80xi32, #tpu.memory_space<vmem>>
        %dma_start3A_555 = tpu.memref_squeeze %dma_start3A_554 : memref<1x80xi32, #tpu.memory_space<vmem>> -> memref<80xi32, #tpu.memory_space<vmem>>
        %dma_start3A_556 = arith.constant 0 : i32
        %dma_start3A_557 = arith.constant 0 : i32
        %dma_start3A_558 = tpu.memref_slice %arg2[%dma_start3A_556, %dma_start3A_557] : memref<10240x128xf32, #tpu.memory_space<hbm>> -> memref<10240x128xf32, #tpu.memory_space<hbm>>
        tpu.enqueue_indirect_dma source(%dma_start3A_558 : memref<10240x128xf32, #tpu.memory_space<hbm>>) target(%arg10 : memref<80x128xf32, #tpu.memory_space<vmem>>) offsets(%dma_start3A_555 : memref<80xi32, #tpu.memory_space<vmem>>) semaphore(%arg14 : memref<!tpu.dma_semaphore, #tpu.memory_space<semaphore_mem>>)
      } else {
      }
      %mul3A_422 = arith.constant 3 : i32
      %mul3A_423 = arith.muli %scan3A_388, %mul3A_422 : i32
      %add3A_424 = arith.constant 2 : i32
      %add3A_425 = arith.addi %mul3A_423, %add3A_424 : i32
      %dma_wait3A_426 = arith.constant 0 : i32
      %dma_wait3A_427 = arith.constant 0 : i32
      %dma_wait3A_428 = tpu.memref_slice %arg2[%dma_wait3A_426, %dma_wait3A_427] : memref<10240x128xf32, #tpu.memory_space<hbm>> -> memref<80x128xf32, #tpu.memory_space<hbm>>
      %dma_wait3A_429 = arith.constant 0 : i32
      %dma_wait3A_430 = arith.constant 0 : i32
      %dma_wait3A_431 = tpu.memref_slice %arg2[%dma_wait3A_429, %dma_wait3A_430] : memref<10240x128xf32, #tpu.memory_space<hbm>> -> memref<80x128xf32, #tpu.memory_space<hbm>>
      tpu.wait_dma2 semaphore(%arg15 : memref<!tpu.dma_semaphore, #tpu.memory_space<semaphore_mem>>) src(%dma_wait3A_431 : memref<80x128xf32, #tpu.memory_space<hbm>>) dst(%arg11 : memref<80x128xf32, #tpu.memory_space<vmem>>)
      %run_scoped3A_432 = arith.constant 2 : i32
      "tpu.region"() ({
        %run_scoped3A_440 = tpu.sem_alloc : memref<!tpu.dma_semaphore, #tpu.memory_space<semaphore_mem>>
        %dma_start3A_441 = arith.constant 0 : i32
        %dma_start3A_442 = tpu.memref_slice %arg8[%run_scoped3A_432, %dma_start3A_441] : memref<3x80xi32, #tpu.memory_space<vmem>> -> memref<1x80xi32, #tpu.memory_space<vmem>>
        %dma_start3A_443 = tpu.memref_squeeze %dma_start3A_442 : memref<1x80xi32, #tpu.memory_space<vmem>> -> memref<80xi32, #tpu.memory_space<vmem>>
        %dma_start3A_444 = arith.constant 0 : i32
        %dma_start3A_445 = arith.constant 0 : i32
        %dma_start3A_446 = tpu.memref_slice %arg12[%dma_start3A_444, %dma_start3A_445] : memref<10240x128xf32, #tpu.memory_space<vmem_shared>> -> memref<10240x128xf32, #tpu.memory_space<vmem_shared>>
        tpu.enqueue_indirect_dma source(%arg11 : memref<80x128xf32, #tpu.memory_space<vmem>>) target(%dma_start3A_446 : memref<10240x128xf32, #tpu.memory_space<vmem_shared>>) offsets(%dma_start3A_443 : memref<80xi32, #tpu.memory_space<vmem>>) semaphore(%run_scoped3A_440 : memref<!tpu.dma_semaphore, #tpu.memory_space<semaphore_mem>>) {add = true}
        %dma_wait3A_447 = arith.constant 0 : i32
        %dma_wait3A_448 = tpu.memref_slice %arg8[%run_scoped3A_432, %dma_wait3A_447] : memref<3x80xi32, #tpu.memory_space<vmem>> -> memref<1x80xi32, #tpu.memory_space<vmem>>
        %dma_wait3A_449 = tpu.memref_squeeze %dma_wait3A_448 : memref<1x80xi32, #tpu.memory_space<vmem>> -> memref<80xi32, #tpu.memory_space<vmem>>
        %dma_wait3A_450 = arith.constant 0 : i32
        %dma_wait3A_451 = arith.constant 0 : i32
        %dma_wait3A_452 = tpu.memref_slice %arg12[%dma_wait3A_450, %dma_wait3A_451] : memref<10240x128xf32, #tpu.memory_space<vmem_shared>> -> memref<10240x128xf32, #tpu.memory_space<vmem_shared>>
        tpu.wait_indirect_dma semaphore(%run_scoped3A_440 : memref<!tpu.dma_semaphore, #tpu.memory_space<semaphore_mem>>) src(%arg11 : memref<80x128xf32, #tpu.memory_space<vmem>>) dst(%dma_wait3A_452 : memref<10240x128xf32, #tpu.memory_space<vmem_shared>>)
        tpu.yield
      }) : () -> ()
      %add3A_433 = arith.constant 3 : i32
      %add3A_434 = arith.addi %add3A_425, %add3A_433 : i32
      %lt3A_435 = arith.constant 125 : i32
      %lt3A_436 = arith.cmpi slt, %add3A_434, %lt3A_435 : i32
      %convert_element_type3A_437 = arith.extui %lt3A_436 : i1 to i32
      %cond3A_438 = arith.constant 0 : i32
      %cond3A_439 = arith.cmpi ne, %convert_element_type3A_437, %cond3A_438 : i32
      scf.if %cond3A_439 {
        %add3A_440 = arith.constant 3 : i32
        %add3A_441 = arith.addi %add3A_425, %add3A_440 : i32
        %get3A_442 = arith.index_cast %add3A_441 : i32 to index
        %get3A_443 = arith.constant 0 : index
        %get3A_444 = tpu.vector_load %arg6[%get3A_442, %get3A_443] {strides = array<i32>} : memref<125x80xi32, #tpu.memory_space<vmem>>, vector<1x16xi32>,
        %get3A_445 = vector.shape_cast %get3A_444 : vector<1x16xi32> to vector<16xi32>
        %shift_right_logical3A_446 = arith.constant 14 : i32
        %shift_right_logical3A_447 = vector.broadcast %shift_right_logical3A_446 : i32 to vector<16xi32>
        %shift_right_logical3A_448 = arith.shrui %get3A_445, %shift_right_logical3A_447 : vector<16xi32>
        %swap3A_449 = arith.constant 2 : i32
        %swap3A_450 = arith.index_cast %swap3A_449 : i32 to index
        %swap3A_451 = arith.constant 0 : index
        %swap3A_452 = tpu.vector_load %arg7[%swap3A_450, %swap3A_451] {strides = array<i32>} : memref<3x80xi32, #tpu.memory_space<vmem>>, vector<1x16xi32>,
        %swap3A_453 = vector.shape_cast %swap3A_452 : vector<1x16xi32> to vector<16xi32>
        %swap3A_454 = vector.shape_cast %shift_right_logical3A_448 : vector<16xi32> to vector<1x16xi32>
        tpu.vector_store %arg7[%swap3A_450, %swap3A_451], %swap3A_454 {strides = array<i32>} : memref<3x80xi32, #tpu.memory_space<vmem>>, vector<1x16xi32>,
        %and3A_455 = arith.constant 16383 : i32
        %and3A_456 = vector.broadcast %and3A_455 : i32 to vector<16xi32>
        %and3A_457 = arith.andi %get3A_445, %and3A_456 : vector<16xi32>
        %swap3A_458 = arith.constant 2 : i32
        %swap3A_459 = arith.index_cast %swap3A_458 : i32 to index
        %swap3A_460 = arith.constant 0 : index
        %swap3A_461 = tpu.vector_load %arg8[%swap3A_459, %swap3A_460] {strides = array<i32>} : memref<3x80xi32, #tpu.memory_space<vmem>>, vector<1x16xi32>,
        %swap3A_462 = vector.shape_cast %swap3A_461 : vector<1x16xi32> to vector<16xi32>
        %swap3A_463 = vector.shape_cast %and3A_457 : vector<16xi32> to vector<1x16xi32>
        tpu.vector_store %arg8[%swap3A_459, %swap3A_460], %swap3A_463 {strides = array<i32>} : memref<3x80xi32, #tpu.memory_space<vmem>>, vector<1x16xi32>,
        %get3A_464 = arith.index_cast %add3A_441 : i32 to index
        %get3A_465 = arith.constant 16 : index
        %get3A_466 = tpu.vector_load %arg6[%get3A_464, %get3A_465] {strides = array<i32>} : memref<125x80xi32, #tpu.memory_space<vmem>>, vector<1x16xi32>,
        %get3A_467 = vector.shape_cast %get3A_466 : vector<1x16xi32> to vector<16xi32>
        %shift_right_logical3A_468 = arith.constant 14 : i32
        %shift_right_logical3A_469 = vector.broadcast %shift_right_logical3A_468 : i32 to vector<16xi32>
        %shift_right_logical3A_470 = arith.shrui %get3A_467, %shift_right_logical3A_469 : vector<16xi32>
        %swap3A_471 = arith.constant 2 : i32
        %swap3A_472 = arith.index_cast %swap3A_471 : i32 to index
        %swap3A_473 = arith.constant 16 : index
        %swap3A_474 = tpu.vector_load %arg7[%swap3A_472, %swap3A_473] {strides = array<i32>} : memref<3x80xi32, #tpu.memory_space<vmem>>, vector<1x16xi32>,
        %swap3A_475 = vector.shape_cast %swap3A_474 : vector<1x16xi32> to vector<16xi32>
        %swap3A_476 = vector.shape_cast %shift_right_logical3A_470 : vector<16xi32> to vector<1x16xi32>
        tpu.vector_store %arg7[%swap3A_472, %swap3A_473], %swap3A_476 {strides = array<i32>} : memref<3x80xi32, #tpu.memory_space<vmem>>, vector<1x16xi32>,
        %and3A_477 = arith.constant 16383 : i32
        %and3A_478 = vector.broadcast %and3A_477 : i32 to vector<16xi32>
        %and3A_479 = arith.andi %get3A_467, %and3A_478 : vector<16xi32>
        %swap3A_480 = arith.constant 2 : i32
        %swap3A_481 = arith.index_cast %swap3A_480 : i32 to index
        %swap3A_482 = arith.constant 16 : index
        %swap3A_483 = tpu.vector_load %arg8[%swap3A_481, %swap3A_482] {strides = array<i32>} : memref<3x80xi32, #tpu.memory_space<vmem>>, vector<1x16xi32>,
        %swap3A_484 = vector.shape_cast %swap3A_483 : vector<1x16xi32> to vector<16xi32>
        %swap3A_485 = vector.shape_cast %and3A_479 : vector<16xi32> to vector<1x16xi32>
        tpu.vector_store %arg8[%swap3A_481, %swap3A_482], %swap3A_485 {strides = array<i32>} : memref<3x80xi32, #tpu.memory_space<vmem>>, vector<1x16xi32>,
        %get3A_486 = arith.index_cast %add3A_441 : i32 to index
        %get3A_487 = arith.constant 32 : index
        %get3A_488 = tpu.vector_load %arg6[%get3A_486, %get3A_487] {strides = array<i32>} : memref<125x80xi32, #tpu.memory_space<vmem>>, vector<1x16xi32>,
        %get3A_489 = vector.shape_cast %get3A_488 : vector<1x16xi32> to vector<16xi32>
        %shift_right_logical3A_490 = arith.constant 14 : i32
        %shift_right_logical3A_491 = vector.broadcast %shift_right_logical3A_490 : i32 to vector<16xi32>
        %shift_right_logical3A_492 = arith.shrui %get3A_489, %shift_right_logical3A_491 : vector<16xi32>
        %swap3A_493 = arith.constant 2 : i32
        %swap3A_494 = arith.index_cast %swap3A_493 : i32 to index
        %swap3A_495 = arith.constant 32 : index
        %swap3A_496 = tpu.vector_load %arg7[%swap3A_494, %swap3A_495] {strides = array<i32>} : memref<3x80xi32, #tpu.memory_space<vmem>>, vector<1x16xi32>,
        %swap3A_497 = vector.shape_cast %swap3A_496 : vector<1x16xi32> to vector<16xi32>
        %swap3A_498 = vector.shape_cast %shift_right_logical3A_492 : vector<16xi32> to vector<1x16xi32>
        tpu.vector_store %arg7[%swap3A_494, %swap3A_495], %swap3A_498 {strides = array<i32>} : memref<3x80xi32, #tpu.memory_space<vmem>>, vector<1x16xi32>,
        %and3A_499 = arith.constant 16383 : i32
        %and3A_500 = vector.broadcast %and3A_499 : i32 to vector<16xi32>
        %and3A_501 = arith.andi %get3A_489, %and3A_500 : vector<16xi32>
        %swap3A_502 = arith.constant 2 : i32
        %swap3A_503 = arith.index_cast %swap3A_502 : i32 to index
        %swap3A_504 = arith.constant 32 : index
        %swap3A_505 = tpu.vector_load %arg8[%swap3A_503, %swap3A_504] {strides = array<i32>} : memref<3x80xi32, #tpu.memory_space<vmem>>, vector<1x16xi32>,
        %swap3A_506 = vector.shape_cast %swap3A_505 : vector<1x16xi32> to vector<16xi32>
        %swap3A_507 = vector.shape_cast %and3A_501 : vector<16xi32> to vector<1x16xi32>
        tpu.vector_store %arg8[%swap3A_503, %swap3A_504], %swap3A_507 {strides = array<i32>} : memref<3x80xi32, #tpu.memory_space<vmem>>, vector<1x16xi32>,
        %get3A_508 = arith.index_cast %add3A_441 : i32 to index
        %get3A_509 = arith.constant 48 : index
        %get3A_510 = tpu.vector_load %arg6[%get3A_508, %get3A_509] {strides = array<i32>} : memref<125x80xi32, #tpu.memory_space<vmem>>, vector<1x16xi32>,
        %get3A_511 = vector.shape_cast %get3A_510 : vector<1x16xi32> to vector<16xi32>
        %shift_right_logical3A_512 = arith.constant 14 : i32
        %shift_right_logical3A_513 = vector.broadcast %shift_right_logical3A_512 : i32 to vector<16xi32>
        %shift_right_logical3A_514 = arith.shrui %get3A_511, %shift_right_logical3A_513 : vector<16xi32>
        %swap3A_515 = arith.constant 2 : i32
        %swap3A_516 = arith.index_cast %swap3A_515 : i32 to index
        %swap3A_517 = arith.constant 48 : index
        %swap3A_518 = tpu.vector_load %arg7[%swap3A_516, %swap3A_517] {strides = array<i32>} : memref<3x80xi32, #tpu.memory_space<vmem>>, vector<1x16xi32>,
        %swap3A_519 = vector.shape_cast %swap3A_518 : vector<1x16xi32> to vector<16xi32>
        %swap3A_520 = vector.shape_cast %shift_right_logical3A_514 : vector<16xi32> to vector<1x16xi32>
        tpu.vector_store %arg7[%swap3A_516, %swap3A_517], %swap3A_520 {strides = array<i32>} : memref<3x80xi32, #tpu.memory_space<vmem>>, vector<1x16xi32>,
        %and3A_521 = arith.constant 16383 : i32
        %and3A_522 = vector.broadcast %and3A_521 : i32 to vector<16xi32>
        %and3A_523 = arith.andi %get3A_511, %and3A_522 : vector<16xi32>
        %swap3A_524 = arith.constant 2 : i32
        %swap3A_525 = arith.index_cast %swap3A_524 : i32 to index
        %swap3A_526 = arith.constant 48 : index
        %swap3A_527 = tpu.vector_load %arg8[%swap3A_525, %swap3A_526] {strides = array<i32>} : memref<3x80xi32, #tpu.memory_space<vmem>>, vector<1x16xi32>,
        %swap3A_528 = vector.shape_cast %swap3A_527 : vector<1x16xi32> to vector<16xi32>
        %swap3A_529 = vector.shape_cast %and3A_523 : vector<16xi32> to vector<1x16xi32>
        tpu.vector_store %arg8[%swap3A_525, %swap3A_526], %swap3A_529 {strides = array<i32>} : memref<3x80xi32, #tpu.memory_space<vmem>>, vector<1x16xi32>,
        %get3A_530 = arith.index_cast %add3A_441 : i32 to index
        %get3A_531 = arith.constant 64 : index
        %get3A_532 = tpu.vector_load %arg6[%get3A_530, %get3A_531] {strides = array<i32>} : memref<125x80xi32, #tpu.memory_space<vmem>>, vector<1x16xi32>,
        %get3A_533 = vector.shape_cast %get3A_532 : vector<1x16xi32> to vector<16xi32>
        %shift_right_logical3A_534 = arith.constant 14 : i32
        %shift_right_logical3A_535 = vector.broadcast %shift_right_logical3A_534 : i32 to vector<16xi32>
        %shift_right_logical3A_536 = arith.shrui %get3A_533, %shift_right_logical3A_535 : vector<16xi32>
        %swap3A_537 = arith.constant 2 : i32
        %swap3A_538 = arith.index_cast %swap3A_537 : i32 to index
        %swap3A_539 = arith.constant 64 : index
        %swap3A_540 = tpu.vector_load %arg7[%swap3A_538, %swap3A_539] {strides = array<i32>} : memref<3x80xi32, #tpu.memory_space<vmem>>, vector<1x16xi32>,
        %swap3A_541 = vector.shape_cast %swap3A_540 : vector<1x16xi32> to vector<16xi32>
        %swap3A_542 = vector.shape_cast %shift_right_logical3A_536 : vector<16xi32> to vector<1x16xi32>
        tpu.vector_store %arg7[%swap3A_538, %swap3A_539], %swap3A_542 {strides = array<i32>} : memref<3x80xi32, #tpu.memory_space<vmem>>, vector<1x16xi32>,
        %and3A_543 = arith.constant 16383 : i32
        %and3A_544 = vector.broadcast %and3A_543 : i32 to vector<16xi32>
        %and3A_545 = arith.andi %get3A_533, %and3A_544 : vector<16xi32>
        %swap3A_546 = arith.constant 2 : i32
        %swap3A_547 = arith.index_cast %swap3A_546 : i32 to index
        %swap3A_548 = arith.constant 64 : index
        %swap3A_549 = tpu.vector_load %arg8[%swap3A_547, %swap3A_548] {strides = array<i32>} : memref<3x80xi32, #tpu.memory_space<vmem>>, vector<1x16xi32>,
        %swap3A_550 = vector.shape_cast %swap3A_549 : vector<1x16xi32> to vector<16xi32>
        %swap3A_551 = vector.shape_cast %and3A_545 : vector<16xi32> to vector<1x16xi32>
        tpu.vector_store %arg8[%swap3A_547, %swap3A_548], %swap3A_551 {strides = array<i32>} : memref<3x80xi32, #tpu.memory_space<vmem>>, vector<1x16xi32>,
        %dma_start3A_552 = arith.constant 2 : i32
        %dma_start3A_553 = arith.constant 0 : i32
        %dma_start3A_554 = tpu.memref_slice %arg7[%dma_start3A_552, %dma_start3A_553] : memref<3x80xi32, #tpu.memory_space<vmem>> -> memref<1x80xi32, #tpu.memory_space<vmem>>
        %dma_start3A_555 = tpu.memref_squeeze %dma_start3A_554 : memref<1x80xi32, #tpu.memory_space<vmem>> -> memref<80xi32, #tpu.memory_space<vmem>>
        %dma_start3A_556 = arith.constant 0 : i32
        %dma_start3A_557 = arith.constant 0 : i32
        %dma_start3A_558 = tpu.memref_slice %arg2[%dma_start3A_556, %dma_start3A_557] : memref<10240x128xf32, #tpu.memory_space<hbm>> -> memref<10240x128xf32, #tpu.memory_space<hbm>>
        tpu.enqueue_indirect_dma source(%dma_start3A_558 : memref<10240x128xf32, #tpu.memory_space<hbm>>) target(%arg11 : memref<80x128xf32, #tpu.memory_space<vmem>>) offsets(%dma_start3A_555 : memref<80xi32, #tpu.memory_space<vmem>>) semaphore(%arg15 : memref<!tpu.dma_semaphore, #tpu.memory_space<semaphore_mem>>)
      } else {
      }
    }
    %scan3A_370 = arith.constant 41 : i32
    %dma_wait3A = arith.constant 0 : i32
    %dma_wait3A_371 = arith.constant 0 : i32
    %dma_wait3A_372 = tpu.memref_slice %arg2[%dma_wait3A, %dma_wait3A_371] : memref<10240x128xf32, #tpu.memory_space<hbm>> -> memref<80x128xf32, #tpu.memory_space<hbm>>
    %dma_wait3A_373 = arith.constant 0 : i32
    %dma_wait3A_374 = arith.constant 0 : i32
    %dma_wait3A_375 = tpu.memref_slice %arg2[%dma_wait3A_373, %dma_wait3A_374] : memref<10240x128xf32, #tpu.memory_space<hbm>> -> memref<80x128xf32, #tpu.memory_space<hbm>>
    tpu.wait_dma2 semaphore(%arg13 : memref<!tpu.dma_semaphore, #tpu.memory_space<semaphore_mem>>) src(%dma_wait3A_375 : memref<80x128xf32, #tpu.memory_space<hbm>>) dst(%arg9 : memref<80x128xf32, #tpu.memory_space<vmem>>)
    %run_scoped3A = arith.constant 0 : i32
    "tpu.region"() ({
      %run_scoped3A_388 = tpu.sem_alloc : memref<!tpu.dma_semaphore, #tpu.memory_space<semaphore_mem>>
      %dma_start3A_389 = arith.constant 0 : i32
      %dma_start3A_390 = tpu.memref_slice %arg8[%run_scoped3A, %dma_start3A_389] : memref<3x80xi32, #tpu.memory_space<vmem>> -> memref<1x80xi32, #tpu.memory_space<vmem>>
      %dma_start3A_391 = tpu.memref_squeeze %dma_start3A_390 : memref<1x80xi32, #tpu.memory_space<vmem>> -> memref<80xi32, #tpu.memory_space<vmem>>
      %dma_start3A_392 = arith.constant 0 : i32
      %dma_start3A_393 = arith.constant 0 : i32
      %dma_start3A_394 = tpu.memref_slice %arg12[%dma_start3A_392, %dma_start3A_393] : memref<10240x128xf32, #tpu.memory_space<vmem_shared>> -> memref<10240x128xf32, #tpu.memory_space<vmem_shared>>
      tpu.enqueue_indirect_dma source(%arg9 : memref<80x128xf32, #tpu.memory_space<vmem>>) target(%dma_start3A_394 : memref<10240x128xf32, #tpu.memory_space<vmem_shared>>) offsets(%dma_start3A_391 : memref<80xi32, #tpu.memory_space<vmem>>) semaphore(%run_scoped3A_388 : memref<!tpu.dma_semaphore, #tpu.memory_space<semaphore_mem>>) {add = true}
      %dma_wait3A_395 = arith.constant 0 : i32
      %dma_wait3A_396 = tpu.memref_slice %arg8[%run_scoped3A, %dma_wait3A_395] : memref<3x80xi32, #tpu.memory_space<vmem>> -> memref<1x80xi32, #tpu.memory_space<vmem>>
      %dma_wait3A_397 = tpu.memref_squeeze %dma_wait3A_396 : memref<1x80xi32, #tpu.memory_space<vmem>> -> memref<80xi32, #tpu.memory_space<vmem>>
      %dma_wait3A_398 = arith.constant 0 : i32
      %dma_wait3A_399 = arith.constant 0 : i32
      %dma_wait3A_400 = tpu.memref_slice %arg12[%dma_wait3A_398, %dma_wait3A_399] : memref<10240x128xf32, #tpu.memory_space<vmem_shared>> -> memref<10240x128xf32, #tpu.memory_space<vmem_shared>>
      tpu.wait_indirect_dma semaphore(%run_scoped3A_388 : memref<!tpu.dma_semaphore, #tpu.memory_space<semaphore_mem>>) src(%arg9 : memref<80x128xf32, #tpu.memory_space<vmem>>) dst(%dma_wait3A_400 : memref<10240x128xf32, #tpu.memory_space<vmem_shared>>)
      tpu.yield
    }) : () -> ()
    %dma_wait3A_376 = arith.constant 0 : i32
    %dma_wait3A_377 = arith.constant 0 : i32
    %dma_wait3A_378 = tpu.memref_slice %arg2[%dma_wait3A_376, %dma_wait3A_377] : memref<10240x128xf32, #tpu.memory_space<hbm>> -> memref<80x128xf32, #tpu.memory_space<hbm>>
    %dma_wait3A_379 = arith.constant 0 : i32
    %dma_wait3A_380 = arith.constant 0 : i32
    %dma_wait3A_381 = tpu.memref_slice %arg2[%dma_wait3A_379, %dma_wait3A_380] : memref<10240x128xf32, #tpu.memory_space<hbm>> -> memref<80x128xf32, #tpu.memory_space<hbm>>
    tpu.wait_dma2 semaphore(%arg14 : memref<!tpu.dma_semaphore, #tpu.memory_space<semaphore_mem>>) src(%dma_wait3A_381 : memref<80x128xf32, #tpu.memory_space<hbm>>) dst(%arg10 : memref<80x128xf32, #tpu.memory_space<vmem>>)
    %run_scoped3A_382 = arith.constant 1 : i32
    "tpu.region"() ({
      %run_scoped3A_388 = tpu.sem_alloc : memref<!tpu.dma_semaphore, #tpu.memory_space<semaphore_mem>>
      %dma_start3A_389 = arith.constant 0 : i32
      %dma_start3A_390 = tpu.memref_slice %arg8[%run_scoped3A_382, %dma_start3A_389] : memref<3x80xi32, #tpu.memory_space<vmem>> -> memref<1x80xi32, #tpu.memory_space<vmem>>
      %dma_start3A_391 = tpu.memref_squeeze %dma_start3A_390 : memref<1x80xi32, #tpu.memory_space<vmem>> -> memref<80xi32, #tpu.memory_space<vmem>>
      %dma_start3A_392 = arith.constant 0 : i32
      %dma_start3A_393 = arith.constant 0 : i32
      %dma_start3A_394 = tpu.memref_slice %arg12[%dma_start3A_392, %dma_start3A_393] : memref<10240x128xf32, #tpu.memory_space<vmem_shared>> -> memref<10240x128xf32, #tpu.memory_space<vmem_shared>>
      tpu.enqueue_indirect_dma source(%arg10 : memref<80x128xf32, #tpu.memory_space<vmem>>) target(%dma_start3A_394 : memref<10240x128xf32, #tpu.memory_space<vmem_shared>>) offsets(%dma_start3A_391 : memref<80xi32, #tpu.memory_space<vmem>>) semaphore(%run_scoped3A_388 : memref<!tpu.dma_semaphore, #tpu.memory_space<semaphore_mem>>) {add = true}
      %dma_wait3A_395 = arith.constant 0 : i32
      %dma_wait3A_396 = tpu.memref_slice %arg8[%run_scoped3A_382, %dma_wait3A_395] : memref<3x80xi32, #tpu.memory_space<vmem>> -> memref<1x80xi32, #tpu.memory_space<vmem>>
      %dma_wait3A_397 = tpu.memref_squeeze %dma_wait3A_396 : memref<1x80xi32, #tpu.memory_space<vmem>> -> memref<80xi32, #tpu.memory_space<vmem>>
      %dma_wait3A_398 = arith.constant 0 : i32
      %dma_wait3A_399 = arith.constant 0 : i32
      %dma_wait3A_400 = tpu.memref_slice %arg12[%dma_wait3A_398, %dma_wait3A_399] : memref<10240x128xf32, #tpu.memory_space<vmem_shared>> -> memref<10240x128xf32, #tpu.memory_space<vmem_shared>>
      tpu.wait_indirect_dma semaphore(%run_scoped3A_388 : memref<!tpu.dma_semaphore, #tpu.memory_space<semaphore_mem>>) src(%arg10 : memref<80x128xf32, #tpu.memory_space<vmem>>) dst(%dma_wait3A_400 : memref<10240x128xf32, #tpu.memory_space<vmem_shared>>)
      tpu.yield
    }) : () -> ()
    %barrier3A_383 = arith.constant 0 : index
    tpu.barrier barrier_id(%barrier3A_383)
    %mul3A_384 = arith.constant 640 : i32
    %mul3A_385 = arith.muli %arg1, %mul3A_384 : i32
    %mul3A_386 = arith.constant 640 : i32
    %mul3A_387 = arith.muli %arg1, %mul3A_386 : i32
    "tpu.region"() ({
      %run_scoped3A_388 = tpu.sem_alloc : memref<!tpu.dma_semaphore, #tpu.memory_space<semaphore_mem>>
      %dma_start3A_389 = arith.constant 0 : i32
      %dma_start3A_390 = tpu.memref_slice %arg5[%arg0, %mul3A_387, %dma_start3A_389] : memref<2x10240x128xf32, #tpu.memory_space<hbm>> -> memref<1x640x128xf32, #tpu.memory_space<hbm>>
      %dma_start3A_391 = tpu.memref_squeeze %dma_start3A_390 : memref<1x640x128xf32, #tpu.memory_space<hbm>> -> memref<640x128xf32, #tpu.memory_space<hbm>>
      %dma_start3A_392 = arith.constant 0 : i32
      %dma_start3A_393 = tpu.memref_slice %arg12[%mul3A_385, %dma_start3A_392] : memref<10240x128xf32, #tpu.memory_space<vmem_shared>> -> memref<640x128xf32, #tpu.memory_space<vmem_shared>>
      tpu.enqueue_dma source(%dma_start3A_393 : memref<640x128xf32, #tpu.memory_space<vmem_shared>>) target(%dma_start3A_391 : memref<640x128xf32, #tpu.memory_space<hbm>>) target_semaphore(%run_scoped3A_388 : memref<!tpu.dma_semaphore, #tpu.memory_space<semaphore_mem>>)
      %dma_wait3A_394 = arith.constant 0 : i32
      %dma_wait3A_395 = tpu.memref_slice %arg5[%arg0, %mul3A_387, %dma_wait3A_394] : memref<2x10240x128xf32, #tpu.memory_space<hbm>> -> memref<1x640x128xf32, #tpu.memory_space<hbm>>
      %dma_wait3A_396 = tpu.memref_squeeze %dma_wait3A_395 : memref<1x640x128xf32, #tpu.memory_space<hbm>> -> memref<640x128xf32, #tpu.memory_space<hbm>>
      %dma_wait3A_397 = arith.constant 0 : i32
      %dma_wait3A_398 = tpu.memref_slice %arg12[%mul3A_385, %dma_wait3A_397] : memref<10240x128xf32, #tpu.memory_space<vmem_shared>> -> memref<640x128xf32, #tpu.memory_space<vmem_shared>>
      tpu.wait_dma2 semaphore(%run_scoped3A_388 : memref<!tpu.dma_semaphore, #tpu.memory_space<semaphore_mem>>) src(%dma_wait3A_398 : memref<640x128xf32, #tpu.memory_space<vmem_shared>>) dst(%dma_wait3A_396 : memref<640x128xf32, #tpu.memory_space<hbm>>)
      tpu.yield
    }) : () -> ()
    return
  }
}

#map = affine_map<(d0, d1) -> (0, 0)>
#map1 = affine_map<(d0, d1) -> (0)>
module attributes {stable_mosaic.version = 14 : i64} {
  func.func @_deg_kernel(%arg0: i32, %arg1: i32, %arg2: memref<32x10000xi32, #tpu.memory_space<hbm>>, %arg3: memref<10000xf32, #tpu.memory_space<hbm>>, %arg4: memref<10240xf32, #tpu.memory_space<hbm>>, %arg5: memref<2x10240xf32, #tpu.memory_space<hbm>>, %arg6: memref<10000xi32, #tpu.memory_space<vmem>>, %arg7: memref<10000xf32, #tpu.memory_space<vmem>>, %arg8: memref<10240xf32, #tpu.memory_space<vmem_shared>>) attributes {dimension_semantics = [#tpu.dimension_semantics<core_parallel>, #tpu.dimension_semantics<subcore_parallel>], iteration_bounds = array<i64: 2, 16>, scalar_prefetch = 0 : i64, scratch_operands = 3 : i64, tpu.core_type = #tpu.core_type<sc_vector_subcore>, window_params = [{transform_indices = #map}, {transform_indices = #map1}, {transform_indices = #map1}, {transform_indices = #map}]} {
    %mul3A = arith.constant 16 : i32
    %mul3A_0 = arith.muli %arg0, %mul3A : i32
    %add3A = arith.addi %mul3A_0, %arg1 : i32
    "tpu.region"() ({
      %run_scoped3A = tpu.sem_alloc : memref<!tpu.dma_semaphore, #tpu.memory_space<semaphore_mem>>
      %dma_start3A = arith.constant 0 : i32
      %dma_start3A_8 = tpu.memref_slice %arg2[%add3A, %dma_start3A] : memref<32x10000xi32, #tpu.memory_space<hbm>> -> memref<1x10000xi32, #tpu.memory_space<hbm>>
      %dma_start3A_9 = tpu.memref_squeeze %dma_start3A_8 : memref<1x10000xi32, #tpu.memory_space<hbm>> -> memref<10000xi32, #tpu.memory_space<hbm>>
      %dma_start3A_10 = arith.constant 0 : i32
      %dma_start3A_11 = tpu.memref_slice %arg2[%add3A, %dma_start3A_10] : memref<32x10000xi32, #tpu.memory_space<hbm>> -> memref<1x10000xi32, #tpu.memory_space<hbm>>
      %dma_start3A_12 = tpu.memref_squeeze %dma_start3A_11 : memref<1x10000xi32, #tpu.memory_space<hbm>> -> memref<10000xi32, #tpu.memory_space<hbm>>
      tpu.enqueue_dma source(%dma_start3A_12 : memref<10000xi32, #tpu.memory_space<hbm>>) target(%arg6 : memref<10000xi32, #tpu.memory_space<vmem>>) target_semaphore(%run_scoped3A : memref<!tpu.dma_semaphore, #tpu.memory_space<semaphore_mem>>)
      %dma_wait3A = arith.constant 0 : i32
      %dma_wait3A_13 = tpu.memref_slice %arg2[%add3A, %dma_wait3A] : memref<32x10000xi32, #tpu.memory_space<hbm>> -> memref<1x10000xi32, #tpu.memory_space<hbm>>
      %dma_wait3A_14 = tpu.memref_squeeze %dma_wait3A_13 : memref<1x10000xi32, #tpu.memory_space<hbm>> -> memref<10000xi32, #tpu.memory_space<hbm>>
      %dma_wait3A_15 = arith.constant 0 : i32
      %dma_wait3A_16 = tpu.memref_slice %arg2[%add3A, %dma_wait3A_15] : memref<32x10000xi32, #tpu.memory_space<hbm>> -> memref<1x10000xi32, #tpu.memory_space<hbm>>
      %dma_wait3A_17 = tpu.memref_squeeze %dma_wait3A_16 : memref<1x10000xi32, #tpu.memory_space<hbm>> -> memref<10000xi32, #tpu.memory_space<hbm>>
      tpu.wait_dma2 semaphore(%run_scoped3A : memref<!tpu.dma_semaphore, #tpu.memory_space<semaphore_mem>>) src(%dma_wait3A_17 : memref<10000xi32, #tpu.memory_space<hbm>>) dst(%arg6 : memref<10000xi32, #tpu.memory_space<vmem>>)
      tpu.yield
    }) : () -> ()
    "tpu.region"() ({
      %run_scoped3A = tpu.sem_alloc : memref<!tpu.dma_semaphore, #tpu.memory_space<semaphore_mem>>
      tpu.enqueue_dma source(%arg3 : memref<10000xf32, #tpu.memory_space<hbm>>) target(%arg7 : memref<10000xf32, #tpu.memory_space<vmem>>) target_semaphore(%run_scoped3A : memref<!tpu.dma_semaphore, #tpu.memory_space<semaphore_mem>>)
      tpu.wait_dma2 semaphore(%run_scoped3A : memref<!tpu.dma_semaphore, #tpu.memory_space<semaphore_mem>>) src(%arg3 : memref<10000xf32, #tpu.memory_space<hbm>>) dst(%arg7 : memref<10000xf32, #tpu.memory_space<vmem>>)
      tpu.yield
    }) : () -> ()
    %mul3A_1 = arith.constant 640 : i32
    %mul3A_2 = arith.muli %arg1, %mul3A_1 : i32
    %mul3A_3 = arith.constant 640 : i32
    %mul3A_4 = arith.muli %arg1, %mul3A_3 : i32
    "tpu.region"() ({
      %run_scoped3A = tpu.sem_alloc : memref<!tpu.dma_semaphore, #tpu.memory_space<semaphore_mem>>
      %dma_start3A = tpu.memref_slice %arg8[%mul3A_4] : memref<10240xf32, #tpu.memory_space<vmem_shared>> -> memref<640xf32, #tpu.memory_space<vmem_shared>>
      %dma_start3A_8 = tpu.memref_slice %arg4[%mul3A_2] : memref<10240xf32, #tpu.memory_space<hbm>> -> memref<640xf32, #tpu.memory_space<hbm>>
      tpu.enqueue_dma source(%dma_start3A_8 : memref<640xf32, #tpu.memory_space<hbm>>) target(%dma_start3A : memref<640xf32, #tpu.memory_space<vmem_shared>>) target_semaphore(%run_scoped3A : memref<!tpu.dma_semaphore, #tpu.memory_space<semaphore_mem>>)
      %dma_wait3A = tpu.memref_slice %arg8[%mul3A_4] : memref<10240xf32, #tpu.memory_space<vmem_shared>> -> memref<640xf32, #tpu.memory_space<vmem_shared>>
      %dma_wait3A_9 = tpu.memref_slice %arg4[%mul3A_2] : memref<10240xf32, #tpu.memory_space<hbm>> -> memref<640xf32, #tpu.memory_space<hbm>>
      tpu.wait_dma2 semaphore(%run_scoped3A : memref<!tpu.dma_semaphore, #tpu.memory_space<semaphore_mem>>) src(%dma_wait3A_9 : memref<640xf32, #tpu.memory_space<hbm>>) dst(%dma_wait3A : memref<640xf32, #tpu.memory_space<vmem_shared>>)
      tpu.yield
    }) : () -> ()
    %barrier3A = arith.constant 0 : index
    tpu.barrier barrier_id(%barrier3A)
    "tpu.region"() ({
      %run_scoped3A = tpu.sem_alloc : memref<!tpu.dma_semaphore, #tpu.memory_space<semaphore_mem>>
      %dma_start3A = arith.constant 0 : i32
      %dma_start3A_8 = tpu.memref_slice %arg8[%dma_start3A] : memref<10240xf32, #tpu.memory_space<vmem_shared>> -> memref<10240xf32, #tpu.memory_space<vmem_shared>>
      tpu.enqueue_indirect_dma source(%arg7 : memref<10000xf32, #tpu.memory_space<vmem>>) target(%dma_start3A_8 : memref<10240xf32, #tpu.memory_space<vmem_shared>>) offsets(%arg6 : memref<10000xi32, #tpu.memory_space<vmem>>) semaphore(%run_scoped3A : memref<!tpu.dma_semaphore, #tpu.memory_space<semaphore_mem>>) {add = true}
      %dma_wait3A = arith.constant 0 : i32
      %dma_wait3A_9 = tpu.memref_slice %arg8[%dma_wait3A] : memref<10240xf32, #tpu.memory_space<vmem_shared>> -> memref<10240xf32, #tpu.memory_space<vmem_shared>>
      tpu.wait_indirect_dma semaphore(%run_scoped3A : memref<!tpu.dma_semaphore, #tpu.memory_space<semaphore_mem>>) src(%arg7 : memref<10000xf32, #tpu.memory_space<vmem>>) dst(%dma_wait3A_9 : memref<10240xf32, #tpu.memory_space<vmem_shared>>)
      tpu.yield
    }) : () -> ()
    %barrier3A_5 = arith.constant 0 : index
    tpu.barrier barrier_id(%barrier3A_5)
    %eq3A = arith.constant 0 : i32
    %eq3A_6 = arith.cmpi eq, %arg1, %eq3A : i32
    %convert_element_type3A = arith.extui %eq3A_6 : i1 to i32
    %cond3A = arith.constant 0 : i32
    %cond3A_7 = arith.cmpi ne, %convert_element_type3A, %cond3A : i32
    scf.if %cond3A_7 {
      "tpu.region"() ({
        %run_scoped3A = tpu.sem_alloc : memref<!tpu.dma_semaphore, #tpu.memory_space<semaphore_mem>>
        %dma_start3A = arith.constant 0 : i32
        %dma_start3A_8 = tpu.memref_slice %arg5[%arg0, %dma_start3A] : memref<2x10240xf32, #tpu.memory_space<hbm>> -> memref<1x10240xf32, #tpu.memory_space<hbm>>
        %dma_start3A_9 = tpu.memref_squeeze %dma_start3A_8 : memref<1x10240xf32, #tpu.memory_space<hbm>> -> memref<10240xf32, #tpu.memory_space<hbm>>
        tpu.enqueue_dma source(%arg8 : memref<10240xf32, #tpu.memory_space<vmem_shared>>) target(%dma_start3A_9 : memref<10240xf32, #tpu.memory_space<hbm>>) target_semaphore(%run_scoped3A : memref<!tpu.dma_semaphore, #tpu.memory_space<semaphore_mem>>)
        %dma_wait3A = arith.constant 0 : i32
        %dma_wait3A_10 = tpu.memref_slice %arg5[%arg0, %dma_wait3A] : memref<2x10240xf32, #tpu.memory_space<hbm>> -> memref<1x10240xf32, #tpu.memory_space<hbm>>
        %dma_wait3A_11 = tpu.memref_squeeze %dma_wait3A_10 : memref<1x10240xf32, #tpu.memory_space<hbm>> -> memref<10240xf32, #tpu.memory_space<hbm>>
        tpu.wait_dma2 semaphore(%run_scoped3A : memref<!tpu.dma_semaphore, #tpu.memory_space<semaphore_mem>>) src(%arg8 : memref<10240xf32, #tpu.memory_space<vmem_shared>>) dst(%dma_wait3A_11 : memref<10240xf32, #tpu.memory_space<hbm>>)
        tpu.yield
      }) : () -> ()
    } else {
    }
    return
  }
}

#map = affine_map<(d0, d1) -> (0, 0)>
#map1 = affine_map<(d0, d1) -> (0, 0, 0)>
module attributes {stable_mosaic.version = 14 : i64} {
  func.func @_agg_kernel(%arg0: i32, %arg1: i32, %arg2: memref<10240x128xf32, #tpu.memory_space<hbm>>, %arg3: memref<32x125x80xi32, #tpu.memory_space<hbm>>, %arg4: memref<10240x128xf32, #tpu.memory_space<hbm>>, %arg5: memref<2x10240x128xf32, #tpu.memory_space<hbm>>, %arg6: memref<125x80xi32, #tpu.memory_space<vmem>>, %arg7: memref<3x80xi32, #tpu.memory_space<vmem>>, %arg8: memref<3x80xi32, #tpu.memory_space<vmem>>, %arg9: memref<80x128xf32, #tpu.memory_space<vmem>>, %arg10: memref<80x128xf32, #tpu.memory_space<vmem>>, %arg11: memref<80x128xf32, #tpu.memory_space<vmem>>, %arg12: memref<10240x128xf32, #tpu.memory_space<vmem_shared>>, %arg13: memref<!tpu.dma_semaphore, #tpu.memory_space<semaphore_mem>>, %arg14: memref<!tpu.dma_semaphore, #tpu.memory_space<semaphore_mem>>, %arg15: memref<!tpu.dma_semaphore, #tpu.memory_space<semaphore_mem>>) attributes {dimension_semantics = [#tpu.dimension_semantics<core_parallel>, #tpu.dimension_semantics<subcore_parallel>], iteration_bounds = array<i64: 2, 16>, scalar_prefetch = 0 : i64, scratch_operands = 10 : i64, tpu.core_type = #tpu.core_type<sc_vector_subcore>, window_params = [{transform_indices = #map}, {transform_indices = #map1}, {transform_indices = #map}, {transform_indices = #map1}]} {
    %mul3A = arith.constant 16 : i32
    %mul3A_0 = arith.muli %arg0, %mul3A : i32
    %add3A = arith.addi %mul3A_0, %arg1 : i32
    "tpu.region"() ({
      %run_scoped3A_388 = tpu.sem_alloc : memref<!tpu.dma_semaphore, #tpu.memory_space<semaphore_mem>>
      %dma_start3A_389 = arith.constant 0 : i32
      %dma_start3A_390 = arith.constant 0 : i32
      %dma_start3A_391 = tpu.memref_slice %arg3[%add3A, %dma_start3A_389, %dma_start3A_390] : memref<32x125x80xi32, #tpu.memory_space<hbm>> -> memref<1x125x80xi32, #tpu.memory_space<hbm>>
      %dma_start3A_392 = tpu.memref_squeeze %dma_start3A_391 : memref<1x125x80xi32, #tpu.memory_space<hbm>> -> memref<125x80xi32, #tpu.memory_space<hbm>>
      %dma_start3A_393 = arith.constant 0 : i32
      %dma_start3A_394 = arith.constant 0 : i32
      %dma_start3A_395 = tpu.memref_slice %arg3[%add3A, %dma_start3A_393, %dma_start3A_394] : memref<32x125x80xi32, #tpu.memory_space<hbm>> -> memref<1x125x80xi32, #tpu.memory_space<hbm>>
      %dma_start3A_396 = tpu.memref_squeeze %dma_start3A_395 : memref<1x125x80xi32, #tpu.memory_space<hbm>> -> memref<125x80xi32, #tpu.memory_space<hbm>>
      tpu.enqueue_dma source(%dma_start3A_396 : memref<125x80xi32, #tpu.memory_space<hbm>>) target(%arg6 : memref<125x80xi32, #tpu.memory_space<vmem>>) target_semaphore(%run_scoped3A_388 : memref<!tpu.dma_semaphore, #tpu.memory_space<semaphore_mem>>)
      %dma_wait3A_397 = arith.constant 0 : i32
      %dma_wait3A_398 = arith.constant 0 : i32
      %dma_wait3A_399 = tpu.memref_slice %arg3[%add3A, %dma_wait3A_397, %dma_wait3A_398] : memref<32x125x80xi32, #tpu.memory_space<hbm>> -> memref<1x125x80xi32, #tpu.memory_space<hbm>>
      %dma_wait3A_400 = tpu.memref_squeeze %dma_wait3A_399 : memref<1x125x80xi32, #tpu.memory_space<hbm>> -> memref<125x80xi32, #tpu.memory_space<hbm>>
      %dma_wait3A_401 = arith.constant 0 : i32
      %dma_wait3A_402 = arith.constant 0 : i32
      %dma_wait3A_403 = tpu.memref_slice %arg3[%add3A, %dma_wait3A_401, %dma_wait3A_402] : memref<32x125x80xi32, #tpu.memory_space<hbm>> -> memref<1x125x80xi32, #tpu.memory_space<hbm>>
      %dma_wait3A_404 = tpu.memref_squeeze %dma_wait3A_403 : memref<1x125x80xi32, #tpu.memory_space<hbm>> -> memref<125x80xi32, #tpu.memory_space<hbm>>
      tpu.wait_dma2 semaphore(%run_scoped3A_388 : memref<!tpu.dma_semaphore, #tpu.memory_space<semaphore_mem>>) src(%dma_wait3A_404 : memref<125x80xi32, #tpu.memory_space<hbm>>) dst(%arg6 : memref<125x80xi32, #tpu.memory_space<vmem>>)
      tpu.yield
    }) : () -> ()
    %mul3A_1 = arith.constant 640 : i32
    %mul3A_2 = arith.muli %arg1, %mul3A_1 : i32
    %mul3A_3 = arith.constant 640 : i32
    %mul3A_4 = arith.muli %arg1, %mul3A_3 : i32
    "tpu.region"() ({
      %run_scoped3A_388 = tpu.sem_alloc : memref<!tpu.dma_semaphore, #tpu.memory_space<semaphore_mem>>
      %dma_start3A_389 = arith.constant 0 : i32
      %dma_start3A_390 = tpu.memref_slice %arg12[%mul3A_4, %dma_start3A_389] : memref<10240x128xf32, #tpu.memory_space<vmem_shared>> -> memref<640x128xf32, #tpu.memory_space<vmem_shared>>
      %dma_start3A_391 = arith.constant 0 : i32
      %dma_start3A_392 = tpu.memref_slice %arg4[%mul3A_2, %dma_start3A_391] : memref<10240x128xf32, #tpu.memory_space<hbm>> -> memref<640x128xf32, #tpu.memory_space<hbm>>
      tpu.enqueue_dma source(%dma_start3A_392 : memref<640x128xf32, #tpu.memory_space<hbm>>) target(%dma_start3A_390 : memref<640x128xf32, #tpu.memory_space<vmem_shared>>) target_semaphore(%run_scoped3A_388 : memref<!tpu.dma_semaphore, #tpu.memory_space<semaphore_mem>>)
      %dma_wait3A_393 = arith.constant 0 : i32
      %dma_wait3A_394 = tpu.memref_slice %arg12[%mul3A_4, %dma_wait3A_393] : memref<10240x128xf32, #tpu.memory_space<vmem_shared>> -> memref<640x128xf32, #tpu.memory_space<vmem_shared>>
      %dma_wait3A_395 = arith.constant 0 : i32
      %dma_wait3A_396 = tpu.memref_slice %arg4[%mul3A_2, %dma_wait3A_395] : memref<10240x128xf32, #tpu.memory_space<hbm>> -> memref<640x128xf32, #tpu.memory_space<hbm>>
      tpu.wait_dma2 semaphore(%run_scoped3A_388 : memref<!tpu.dma_semaphore, #tpu.memory_space<semaphore_mem>>) src(%dma_wait3A_396 : memref<640x128xf32, #tpu.memory_space<hbm>>) dst(%dma_wait3A_394 : memref<640x128xf32, #tpu.memory_space<vmem_shared>>)
      tpu.yield
    }) : () -> ()
    %barrier3A = arith.constant 0 : index
    tpu.barrier barrier_id(%barrier3A)
    %get3A = arith.constant 0 : i32
    %get3A_5 = arith.index_cast %get3A : i32 to index
    %get3A_6 = arith.constant 0 : index
    %get3A_7 = tpu.vector_load %arg6[%get3A_5, %get3A_6] {strides = array<i32>} : memref<125x80xi32, #tpu.memory_space<vmem>>, vector<1x16xi32>,
    %get3A_8 = vector.shape_cast %get3A_7 : vector<1x16xi32> to vector<16xi32>
    %shift_right_logical3A = arith.constant 14 : i32
    %shift_right_logical3A_9 = vector.broadcast %shift_right_logical3A : i32 to vector<16xi32>
    %shift_right_logical3A_10 = arith.shrui %get3A_8, %shift_right_logical3A_9 : vector<16xi32>
    %swap3A = arith.constant 0 : i32
    %swap3A_11 = arith.index_cast %swap3A : i32 to index
    %swap3A_12 = arith.constant 0 : index
    %swap3A_13 = tpu.vector_load %arg7[%swap3A_11, %swap3A_12] {strides = array<i32>} : memref<3x80xi32, #tpu.memory_space<vmem>>, vector<1x16xi32>,
    %swap3A_14 = vector.shape_cast %swap3A_13 : vector<1x16xi32> to vector<16xi32>
    %swap3A_15 = vector.shape_cast %shift_right_logical3A_10 : vector<16xi32> to vector<1x16xi32>
    tpu.vector_store %arg7[%swap3A_11, %swap3A_12], %swap3A_15 {strides = array<i32>} : memref<3x80xi32, #tpu.memory_space<vmem>>, vector<1x16xi32>,
    %and3A = arith.constant 16383 : i32
    %and3A_16 = vector.broadcast %and3A : i32 to vector<16xi32>
    %and3A_17 = arith.andi %get3A_8, %and3A_16 : vector<16xi32>
    %swap3A_18 = arith.constant 0 : i32
    %swap3A_19 = arith.index_cast %swap3A_18 : i32 to index
    %swap3A_20 = arith.constant 0 : index
    %swap3A_21 = tpu.vector_load %arg8[%swap3A_19, %swap3A_20] {strides = array<i32>} : memref<3x80xi32, #tpu.memory_space<vmem>>, vector<1x16xi32>,
    %swap3A_22 = vector.shape_cast %swap3A_21 : vector<1x16xi32> to vector<16xi32>
    %swap3A_23 = vector.shape_cast %and3A_17 : vector<16xi32> to vector<1x16xi32>
    tpu.vector_store %arg8[%swap3A_19, %swap3A_20], %swap3A_23 {strides = array<i32>} : memref<3x80xi32, #tpu.memory_space<vmem>>, vector<1x16xi32>,
    %get3A_24 = arith.constant 0 : i32
    %get3A_25 = arith.index_cast %get3A_24 : i32 to index
    %get3A_26 = arith.constant 16 : index
    %get3A_27 = tpu.vector_load %arg6[%get3A_25, %get3A_26] {strides = array<i32>} : memref<125x80xi32, #tpu.memory_space<vmem>>, vector<1x16xi32>,
    %get3A_28 = vector.shape_cast %get3A_27 : vector<1x16xi32> to vector<16xi32>
    %shift_right_logical3A_29 = arith.constant 14 : i32
    %shift_right_logical3A_30 = vector.broadcast %shift_right_logical3A_29 : i32 to vector<16xi32>
    %shift_right_logical3A_31 = arith.shrui %get3A_28, %shift_right_logical3A_30 : vector<16xi32>
    %swap3A_32 = arith.constant 0 : i32
    %swap3A_33 = arith.index_cast %swap3A_32 : i32 to index
    %swap3A_34 = arith.constant 16 : index
    %swap3A_35 = tpu.vector_load %arg7[%swap3A_33, %swap3A_34] {strides = array<i32>} : memref<3x80xi32, #tpu.memory_space<vmem>>, vector<1x16xi32>,
    %swap3A_36 = vector.shape_cast %swap3A_35 : vector<1x16xi32> to vector<16xi32>
    %swap3A_37 = vector.shape_cast %shift_right_logical3A_31 : vector<16xi32> to vector<1x16xi32>
    tpu.vector_store %arg7[%swap3A_33, %swap3A_34], %swap3A_37 {strides = array<i32>} : memref<3x80xi32, #tpu.memory_space<vmem>>, vector<1x16xi32>,
    %and3A_38 = arith.constant 16383 : i32
    %and3A_39 = vector.broadcast %and3A_38 : i32 to vector<16xi32>
    %and3A_40 = arith.andi %get3A_28, %and3A_39 : vector<16xi32>
    %swap3A_41 = arith.constant 0 : i32
    %swap3A_42 = arith.index_cast %swap3A_41 : i32 to index
    %swap3A_43 = arith.constant 16 : index
    %swap3A_44 = tpu.vector_load %arg8[%swap3A_42, %swap3A_43] {strides = array<i32>} : memref<3x80xi32, #tpu.memory_space<vmem>>, vector<1x16xi32>,
    %swap3A_45 = vector.shape_cast %swap3A_44 : vector<1x16xi32> to vector<16xi32>
    %swap3A_46 = vector.shape_cast %and3A_40 : vector<16xi32> to vector<1x16xi32>
    tpu.vector_store %arg8[%swap3A_42, %swap3A_43], %swap3A_46 {strides = array<i32>} : memref<3x80xi32, #tpu.memory_space<vmem>>, vector<1x16xi32>,
    %get3A_47 = arith.constant 0 : i32
    %get3A_48 = arith.index_cast %get3A_47 : i32 to index
    %get3A_49 = arith.constant 32 : index
    %get3A_50 = tpu.vector_load %arg6[%get3A_48, %get3A_49] {strides = array<i32>} : memref<125x80xi32, #tpu.memory_space<vmem>>, vector<1x16xi32>,
    %get3A_51 = vector.shape_cast %get3A_50 : vector<1x16xi32> to vector<16xi32>
    %shift_right_logical3A_52 = arith.constant 14 : i32
    %shift_right_logical3A_53 = vector.broadcast %shift_right_logical3A_52 : i32 to vector<16xi32>
    %shift_right_logical3A_54 = arith.shrui %get3A_51, %shift_right_logical3A_53 : vector<16xi32>
    %swap3A_55 = arith.constant 0 : i32
    %swap3A_56 = arith.index_cast %swap3A_55 : i32 to index
    %swap3A_57 = arith.constant 32 : index
    %swap3A_58 = tpu.vector_load %arg7[%swap3A_56, %swap3A_57] {strides = array<i32>} : memref<3x80xi32, #tpu.memory_space<vmem>>, vector<1x16xi32>,
    %swap3A_59 = vector.shape_cast %swap3A_58 : vector<1x16xi32> to vector<16xi32>
    %swap3A_60 = vector.shape_cast %shift_right_logical3A_54 : vector<16xi32> to vector<1x16xi32>
    tpu.vector_store %arg7[%swap3A_56, %swap3A_57], %swap3A_60 {strides = array<i32>} : memref<3x80xi32, #tpu.memory_space<vmem>>, vector<1x16xi32>,
    %and3A_61 = arith.constant 16383 : i32
    %and3A_62 = vector.broadcast %and3A_61 : i32 to vector<16xi32>
    %and3A_63 = arith.andi %get3A_51, %and3A_62 : vector<16xi32>
    %swap3A_64 = arith.constant 0 : i32
    %swap3A_65 = arith.index_cast %swap3A_64 : i32 to index
    %swap3A_66 = arith.constant 32 : index
    %swap3A_67 = tpu.vector_load %arg8[%swap3A_65, %swap3A_66] {strides = array<i32>} : memref<3x80xi32, #tpu.memory_space<vmem>>, vector<1x16xi32>,
    %swap3A_68 = vector.shape_cast %swap3A_67 : vector<1x16xi32> to vector<16xi32>
    %swap3A_69 = vector.shape_cast %and3A_63 : vector<16xi32> to vector<1x16xi32>
    tpu.vector_store %arg8[%swap3A_65, %swap3A_66], %swap3A_69 {strides = array<i32>} : memref<3x80xi32, #tpu.memory_space<vmem>>, vector<1x16xi32>,
    %get3A_70 = arith.constant 0 : i32
    %get3A_71 = arith.index_cast %get3A_70 : i32 to index
    %get3A_72 = arith.constant 48 : index
    %get3A_73 = tpu.vector_load %arg6[%get3A_71, %get3A_72] {strides = array<i32>} : memref<125x80xi32, #tpu.memory_space<vmem>>, vector<1x16xi32>,
    %get3A_74 = vector.shape_cast %get3A_73 : vector<1x16xi32> to vector<16xi32>
    %shift_right_logical3A_75 = arith.constant 14 : i32
    %shift_right_logical3A_76 = vector.broadcast %shift_right_logical3A_75 : i32 to vector<16xi32>
    %shift_right_logical3A_77 = arith.shrui %get3A_74, %shift_right_logical3A_76 : vector<16xi32>
    %swap3A_78 = arith.constant 0 : i32
    %swap3A_79 = arith.index_cast %swap3A_78 : i32 to index
    %swap3A_80 = arith.constant 48 : index
    %swap3A_81 = tpu.vector_load %arg7[%swap3A_79, %swap3A_80] {strides = array<i32>} : memref<3x80xi32, #tpu.memory_space<vmem>>, vector<1x16xi32>,
    %swap3A_82 = vector.shape_cast %swap3A_81 : vector<1x16xi32> to vector<16xi32>
    %swap3A_83 = vector.shape_cast %shift_right_logical3A_77 : vector<16xi32> to vector<1x16xi32>
    tpu.vector_store %arg7[%swap3A_79, %swap3A_80], %swap3A_83 {strides = array<i32>} : memref<3x80xi32, #tpu.memory_space<vmem>>, vector<1x16xi32>,
    %and3A_84 = arith.constant 16383 : i32
    %and3A_85 = vector.broadcast %and3A_84 : i32 to vector<16xi32>
    %and3A_86 = arith.andi %get3A_74, %and3A_85 : vector<16xi32>
    %swap3A_87 = arith.constant 0 : i32
    %swap3A_88 = arith.index_cast %swap3A_87 : i32 to index
    %swap3A_89 = arith.constant 48 : index
    %swap3A_90 = tpu.vector_load %arg8[%swap3A_88, %swap3A_89] {strides = array<i32>} : memref<3x80xi32, #tpu.memory_space<vmem>>, vector<1x16xi32>,
    %swap3A_91 = vector.shape_cast %swap3A_90 : vector<1x16xi32> to vector<16xi32>
    %swap3A_92 = vector.shape_cast %and3A_86 : vector<16xi32> to vector<1x16xi32>
    tpu.vector_store %arg8[%swap3A_88, %swap3A_89], %swap3A_92 {strides = array<i32>} : memref<3x80xi32, #tpu.memory_space<vmem>>, vector<1x16xi32>,
    %get3A_93 = arith.constant 0 : i32
    %get3A_94 = arith.index_cast %get3A_93 : i32 to index
    %get3A_95 = arith.constant 64 : index
    %get3A_96 = tpu.vector_load %arg6[%get3A_94, %get3A_95] {strides = array<i32>} : memref<125x80xi32, #tpu.memory_space<vmem>>, vector<1x16xi32>,
    %get3A_97 = vector.shape_cast %get3A_96 : vector<1x16xi32> to vector<16xi32>
    %shift_right_logical3A_98 = arith.constant 14 : i32
    %shift_right_logical3A_99 = vector.broadcast %shift_right_logical3A_98 : i32 to vector<16xi32>
    %shift_right_logical3A_100 = arith.shrui %get3A_97, %shift_right_logical3A_99 : vector<16xi32>
    %swap3A_101 = arith.constant 0 : i32
    %swap3A_102 = arith.index_cast %swap3A_101 : i32 to index
    %swap3A_103 = arith.constant 64 : index
    %swap3A_104 = tpu.vector_load %arg7[%swap3A_102, %swap3A_103] {strides = array<i32>} : memref<3x80xi32, #tpu.memory_space<vmem>>, vector<1x16xi32>,
    %swap3A_105 = vector.shape_cast %swap3A_104 : vector<1x16xi32> to vector<16xi32>
    %swap3A_106 = vector.shape_cast %shift_right_logical3A_100 : vector<16xi32> to vector<1x16xi32>
    tpu.vector_store %arg7[%swap3A_102, %swap3A_103], %swap3A_106 {strides = array<i32>} : memref<3x80xi32, #tpu.memory_space<vmem>>, vector<1x16xi32>,
    %and3A_107 = arith.constant 16383 : i32
    %and3A_108 = vector.broadcast %and3A_107 : i32 to vector<16xi32>
    %and3A_109 = arith.andi %get3A_97, %and3A_108 : vector<16xi32>
    %swap3A_110 = arith.constant 0 : i32
    %swap3A_111 = arith.index_cast %swap3A_110 : i32 to index
    %swap3A_112 = arith.constant 64 : index
    %swap3A_113 = tpu.vector_load %arg8[%swap3A_111, %swap3A_112] {strides = array<i32>} : memref<3x80xi32, #tpu.memory_space<vmem>>, vector<1x16xi32>,
    %swap3A_114 = vector.shape_cast %swap3A_113 : vector<1x16xi32> to vector<16xi32>
    %swap3A_115 = vector.shape_cast %and3A_109 : vector<16xi32> to vector<1x16xi32>
    tpu.vector_store %arg8[%swap3A_111, %swap3A_112], %swap3A_115 {strides = array<i32>} : memref<3x80xi32, #tpu.memory_space<vmem>>, vector<1x16xi32>,
    %dma_start3A = arith.constant 0 : i32
    %dma_start3A_116 = arith.constant 0 : i32
    %dma_start3A_117 = tpu.memref_slice %arg7[%dma_start3A, %dma_start3A_116] : memref<3x80xi32, #tpu.memory_space<vmem>> -> memref<1x80xi32, #tpu.memory_space<vmem>>
    %dma_start3A_118 = tpu.memref_squeeze %dma_start3A_117 : memref<1x80xi32, #tpu.memory_space<vmem>> -> memref<80xi32, #tpu.memory_space<vmem>>
    %dma_start3A_119 = arith.constant 0 : i32
    %dma_start3A_120 = arith.constant 0 : i32
    %dma_start3A_121 = tpu.memref_slice %arg2[%dma_start3A_119, %dma_start3A_120] : memref<10240x128xf32, #tpu.memory_space<hbm>> -> memref<10240x128xf32, #tpu.memory_space<hbm>>
    tpu.enqueue_indirect_dma source(%dma_start3A_121 : memref<10240x128xf32, #tpu.memory_space<hbm>>) target(%arg9 : memref<80x128xf32, #tpu.memory_space<vmem>>) offsets(%dma_start3A_118 : memref<80xi32, #tpu.memory_space<vmem>>) semaphore(%arg13 : memref<!tpu.dma_semaphore, #tpu.memory_space<semaphore_mem>>)
    %get3A_122 = arith.constant 1 : i32
    %get3A_123 = arith.index_cast %get3A_122 : i32 to index
    %get3A_124 = arith.constant 0 : index
    %get3A_125 = tpu.vector_load %arg6[%get3A_123, %get3A_124] {strides = array<i32>} : memref<125x80xi32, #tpu.memory_space<vmem>>, vector<1x16xi32>,
    %get3A_126 = vector.shape_cast %get3A_125 : vector<1x16xi32> to vector<16xi32>
    %shift_right_logical3A_127 = arith.constant 14 : i32
    %shift_right_logical3A_128 = vector.broadcast %shift_right_logical3A_127 : i32 to vector<16xi32>
    %shift_right_logical3A_129 = arith.shrui %get3A_126, %shift_right_logical3A_128 : vector<16xi32>
    %swap3A_130 = arith.constant 1 : i32
    %swap3A_131 = arith.index_cast %swap3A_130 : i32 to index
    %swap3A_132 = arith.constant 0 : index
    %swap3A_133 = tpu.vector_load %arg7[%swap3A_131, %swap3A_132] {strides = array<i32>} : memref<3x80xi32, #tpu.memory_space<vmem>>, vector<1x16xi32>,
    %swap3A_134 = vector.shape_cast %swap3A_133 : vector<1x16xi32> to vector<16xi32>
    %swap3A_135 = vector.shape_cast %shift_right_logical3A_129 : vector<16xi32> to vector<1x16xi32>
    tpu.vector_store %arg7[%swap3A_131, %swap3A_132], %swap3A_135 {strides = array<i32>} : memref<3x80xi32, #tpu.memory_space<vmem>>, vector<1x16xi32>,
    %and3A_136 = arith.constant 16383 : i32
    %and3A_137 = vector.broadcast %and3A_136 : i32 to vector<16xi32>
    %and3A_138 = arith.andi %get3A_126, %and3A_137 : vector<16xi32>
    %swap3A_139 = arith.constant 1 : i32
    %swap3A_140 = arith.index_cast %swap3A_139 : i32 to index
    %swap3A_141 = arith.constant 0 : index
    %swap3A_142 = tpu.vector_load %arg8[%swap3A_140, %swap3A_141] {strides = array<i32>} : memref<3x80xi32, #tpu.memory_space<vmem>>, vector<1x16xi32>,
    %swap3A_143 = vector.shape_cast %swap3A_142 : vector<1x16xi32> to vector<16xi32>
    %swap3A_144 = vector.shape_cast %and3A_138 : vector<16xi32> to vector<1x16xi32>
    tpu.vector_store %arg8[%swap3A_140, %swap3A_141], %swap3A_144 {strides = array<i32>} : memref<3x80xi32, #tpu.memory_space<vmem>>, vector<1x16xi32>,
    %get3A_145 = arith.constant 1 : i32
    %get3A_146 = arith.index_cast %get3A_145 : i32 to index
    %get3A_147 = arith.constant 16 : index
    %get3A_148 = tpu.vector_load %arg6[%get3A_146, %get3A_147] {strides = array<i32>} : memref<125x80xi32, #tpu.memory_space<vmem>>, vector<1x16xi32>,
    %get3A_149 = vector.shape_cast %get3A_148 : vector<1x16xi32> to vector<16xi32>
    %shift_right_logical3A_150 = arith.constant 14 : i32
    %shift_right_logical3A_151 = vector.broadcast %shift_right_logical3A_150 : i32 to vector<16xi32>
    %shift_right_logical3A_152 = arith.shrui %get3A_149, %shift_right_logical3A_151 : vector<16xi32>
    %swap3A_153 = arith.constant 1 : i32
    %swap3A_154 = arith.index_cast %swap3A_153 : i32 to index
    %swap3A_155 = arith.constant 16 : index
    %swap3A_156 = tpu.vector_load %arg7[%swap3A_154, %swap3A_155] {strides = array<i32>} : memref<3x80xi32, #tpu.memory_space<vmem>>, vector<1x16xi32>,
    %swap3A_157 = vector.shape_cast %swap3A_156 : vector<1x16xi32> to vector<16xi32>
    %swap3A_158 = vector.shape_cast %shift_right_logical3A_152 : vector<16xi32> to vector<1x16xi32>
    tpu.vector_store %arg7[%swap3A_154, %swap3A_155], %swap3A_158 {strides = array<i32>} : memref<3x80xi32, #tpu.memory_space<vmem>>, vector<1x16xi32>,
    %and3A_159 = arith.constant 16383 : i32
    %and3A_160 = vector.broadcast %and3A_159 : i32 to vector<16xi32>
    %and3A_161 = arith.andi %get3A_149, %and3A_160 : vector<16xi32>
    %swap3A_162 = arith.constant 1 : i32
    %swap3A_163 = arith.index_cast %swap3A_162 : i32 to index
    %swap3A_164 = arith.constant 16 : index
    %swap3A_165 = tpu.vector_load %arg8[%swap3A_163, %swap3A_164] {strides = array<i32>} : memref<3x80xi32, #tpu.memory_space<vmem>>, vector<1x16xi32>,
    %swap3A_166 = vector.shape_cast %swap3A_165 : vector<1x16xi32> to vector<16xi32>
    %swap3A_167 = vector.shape_cast %and3A_161 : vector<16xi32> to vector<1x16xi32>
    tpu.vector_store %arg8[%swap3A_163, %swap3A_164], %swap3A_167 {strides = array<i32>} : memref<3x80xi32, #tpu.memory_space<vmem>>, vector<1x16xi32>,
    %get3A_168 = arith.constant 1 : i32
    %get3A_169 = arith.index_cast %get3A_168 : i32 to index
    %get3A_170 = arith.constant 32 : index
    %get3A_171 = tpu.vector_load %arg6[%get3A_169, %get3A_170] {strides = array<i32>} : memref<125x80xi32, #tpu.memory_space<vmem>>, vector<1x16xi32>,
    %get3A_172 = vector.shape_cast %get3A_171 : vector<1x16xi32> to vector<16xi32>
    %shift_right_logical3A_173 = arith.constant 14 : i32
    %shift_right_logical3A_174 = vector.broadcast %shift_right_logical3A_173 : i32 to vector<16xi32>
    %shift_right_logical3A_175 = arith.shrui %get3A_172, %shift_right_logical3A_174 : vector<16xi32>
    %swap3A_176 = arith.constant 1 : i32
    %swap3A_177 = arith.index_cast %swap3A_176 : i32 to index
    %swap3A_178 = arith.constant 32 : index
    %swap3A_179 = tpu.vector_load %arg7[%swap3A_177, %swap3A_178] {strides = array<i32>} : memref<3x80xi32, #tpu.memory_space<vmem>>, vector<1x16xi32>,
    %swap3A_180 = vector.shape_cast %swap3A_179 : vector<1x16xi32> to vector<16xi32>
    %swap3A_181 = vector.shape_cast %shift_right_logical3A_175 : vector<16xi32> to vector<1x16xi32>
    tpu.vector_store %arg7[%swap3A_177, %swap3A_178], %swap3A_181 {strides = array<i32>} : memref<3x80xi32, #tpu.memory_space<vmem>>, vector<1x16xi32>,
    %and3A_182 = arith.constant 16383 : i32
    %and3A_183 = vector.broadcast %and3A_182 : i32 to vector<16xi32>
    %and3A_184 = arith.andi %get3A_172, %and3A_183 : vector<16xi32>
    %swap3A_185 = arith.constant 1 : i32
    %swap3A_186 = arith.index_cast %swap3A_185 : i32 to index
    %swap3A_187 = arith.constant 32 : index
    %swap3A_188 = tpu.vector_load %arg8[%swap3A_186, %swap3A_187] {strides = array<i32>} : memref<3x80xi32, #tpu.memory_space<vmem>>, vector<1x16xi32>,
    %swap3A_189 = vector.shape_cast %swap3A_188 : vector<1x16xi32> to vector<16xi32>
    %swap3A_190 = vector.shape_cast %and3A_184 : vector<16xi32> to vector<1x16xi32>
    tpu.vector_store %arg8[%swap3A_186, %swap3A_187], %swap3A_190 {strides = array<i32>} : memref<3x80xi32, #tpu.memory_space<vmem>>, vector<1x16xi32>,
    %get3A_191 = arith.constant 1 : i32
    %get3A_192 = arith.index_cast %get3A_191 : i32 to index
    %get3A_193 = arith.constant 48 : index
    %get3A_194 = tpu.vector_load %arg6[%get3A_192, %get3A_193] {strides = array<i32>} : memref<125x80xi32, #tpu.memory_space<vmem>>, vector<1x16xi32>,
    %get3A_195 = vector.shape_cast %get3A_194 : vector<1x16xi32> to vector<16xi32>
    %shift_right_logical3A_196 = arith.constant 14 : i32
    %shift_right_logical3A_197 = vector.broadcast %shift_right_logical3A_196 : i32 to vector<16xi32>
    %shift_right_logical3A_198 = arith.shrui %get3A_195, %shift_right_logical3A_197 : vector<16xi32>
    %swap3A_199 = arith.constant 1 : i32
    %swap3A_200 = arith.index_cast %swap3A_199 : i32 to index
    %swap3A_201 = arith.constant 48 : index
    %swap3A_202 = tpu.vector_load %arg7[%swap3A_200, %swap3A_201] {strides = array<i32>} : memref<3x80xi32, #tpu.memory_space<vmem>>, vector<1x16xi32>,
    %swap3A_203 = vector.shape_cast %swap3A_202 : vector<1x16xi32> to vector<16xi32>
    %swap3A_204 = vector.shape_cast %shift_right_logical3A_198 : vector<16xi32> to vector<1x16xi32>
    tpu.vector_store %arg7[%swap3A_200, %swap3A_201], %swap3A_204 {strides = array<i32>} : memref<3x80xi32, #tpu.memory_space<vmem>>, vector<1x16xi32>,
    %and3A_205 = arith.constant 16383 : i32
    %and3A_206 = vector.broadcast %and3A_205 : i32 to vector<16xi32>
    %and3A_207 = arith.andi %get3A_195, %and3A_206 : vector<16xi32>
    %swap3A_208 = arith.constant 1 : i32
    %swap3A_209 = arith.index_cast %swap3A_208 : i32 to index
    %swap3A_210 = arith.constant 48 : index
    %swap3A_211 = tpu.vector_load %arg8[%swap3A_209, %swap3A_210] {strides = array<i32>} : memref<3x80xi32, #tpu.memory_space<vmem>>, vector<1x16xi32>,
    %swap3A_212 = vector.shape_cast %swap3A_211 : vector<1x16xi32> to vector<16xi32>
    %swap3A_213 = vector.shape_cast %and3A_207 : vector<16xi32> to vector<1x16xi32>
    tpu.vector_store %arg8[%swap3A_209, %swap3A_210], %swap3A_213 {strides = array<i32>} : memref<3x80xi32, #tpu.memory_space<vmem>>, vector<1x16xi32>,
    %get3A_214 = arith.constant 1 : i32
    %get3A_215 = arith.index_cast %get3A_214 : i32 to index
    %get3A_216 = arith.constant 64 : index
    %get3A_217 = tpu.vector_load %arg6[%get3A_215, %get3A_216] {strides = array<i32>} : memref<125x80xi32, #tpu.memory_space<vmem>>, vector<1x16xi32>,
    %get3A_218 = vector.shape_cast %get3A_217 : vector<1x16xi32> to vector<16xi32>
    %shift_right_logical3A_219 = arith.constant 14 : i32
    %shift_right_logical3A_220 = vector.broadcast %shift_right_logical3A_219 : i32 to vector<16xi32>
    %shift_right_logical3A_221 = arith.shrui %get3A_218, %shift_right_logical3A_220 : vector<16xi32>
    %swap3A_222 = arith.constant 1 : i32
    %swap3A_223 = arith.index_cast %swap3A_222 : i32 to index
    %swap3A_224 = arith.constant 64 : index
    %swap3A_225 = tpu.vector_load %arg7[%swap3A_223, %swap3A_224] {strides = array<i32>} : memref<3x80xi32, #tpu.memory_space<vmem>>, vector<1x16xi32>,
    %swap3A_226 = vector.shape_cast %swap3A_225 : vector<1x16xi32> to vector<16xi32>
    %swap3A_227 = vector.shape_cast %shift_right_logical3A_221 : vector<16xi32> to vector<1x16xi32>
    tpu.vector_store %arg7[%swap3A_223, %swap3A_224], %swap3A_227 {strides = array<i32>} : memref<3x80xi32, #tpu.memory_space<vmem>>, vector<1x16xi32>,
    %and3A_228 = arith.constant 16383 : i32
    %and3A_229 = vector.broadcast %and3A_228 : i32 to vector<16xi32>
    %and3A_230 = arith.andi %get3A_218, %and3A_229 : vector<16xi32>
    %swap3A_231 = arith.constant 1 : i32
    %swap3A_232 = arith.index_cast %swap3A_231 : i32 to index
    %swap3A_233 = arith.constant 64 : index
    %swap3A_234 = tpu.vector_load %arg8[%swap3A_232, %swap3A_233] {strides = array<i32>} : memref<3x80xi32, #tpu.memory_space<vmem>>, vector<1x16xi32>,
    %swap3A_235 = vector.shape_cast %swap3A_234 : vector<1x16xi32> to vector<16xi32>
    %swap3A_236 = vector.shape_cast %and3A_230 : vector<16xi32> to vector<1x16xi32>
    tpu.vector_store %arg8[%swap3A_232, %swap3A_233], %swap3A_236 {strides = array<i32>} : memref<3x80xi32, #tpu.memory_space<vmem>>, vector<1x16xi32>,
    %dma_start3A_237 = arith.constant 1 : i32
    %dma_start3A_238 = arith.constant 0 : i32
    %dma_start3A_239 = tpu.memref_slice %arg7[%dma_start3A_237, %dma_start3A_238] : memref<3x80xi32, #tpu.memory_space<vmem>> -> memref<1x80xi32, #tpu.memory_space<vmem>>
    %dma_start3A_240 = tpu.memref_squeeze %dma_start3A_239 : memref<1x80xi32, #tpu.memory_space<vmem>> -> memref<80xi32, #tpu.memory_space<vmem>>
    %dma_start3A_241 = arith.constant 0 : i32
    %dma_start3A_242 = arith.constant 0 : i32
    %dma_start3A_243 = tpu.memref_slice %arg2[%dma_start3A_241, %dma_start3A_242] : memref<10240x128xf32, #tpu.memory_space<hbm>> -> memref<10240x128xf32, #tpu.memory_space<hbm>>
    tpu.enqueue_indirect_dma source(%dma_start3A_243 : memref<10240x128xf32, #tpu.memory_space<hbm>>) target(%arg10 : memref<80x128xf32, #tpu.memory_space<vmem>>) offsets(%dma_start3A_240 : memref<80xi32, #tpu.memory_space<vmem>>) semaphore(%arg14 : memref<!tpu.dma_semaphore, #tpu.memory_space<semaphore_mem>>)
    %get3A_244 = arith.constant 2 : i32
    %get3A_245 = arith.index_cast %get3A_244 : i32 to index
    %get3A_246 = arith.constant 0 : index
    %get3A_247 = tpu.vector_load %arg6[%get3A_245, %get3A_246] {strides = array<i32>} : memref<125x80xi32, #tpu.memory_space<vmem>>, vector<1x16xi32>,
    %get3A_248 = vector.shape_cast %get3A_247 : vector<1x16xi32> to vector<16xi32>
    %shift_right_logical3A_249 = arith.constant 14 : i32
    %shift_right_logical3A_250 = vector.broadcast %shift_right_logical3A_249 : i32 to vector<16xi32>
    %shift_right_logical3A_251 = arith.shrui %get3A_248, %shift_right_logical3A_250 : vector<16xi32>
    %swap3A_252 = arith.constant 2 : i32
    %swap3A_253 = arith.index_cast %swap3A_252 : i32 to index
    %swap3A_254 = arith.constant 0 : index
    %swap3A_255 = tpu.vector_load %arg7[%swap3A_253, %swap3A_254] {strides = array<i32>} : memref<3x80xi32, #tpu.memory_space<vmem>>, vector<1x16xi32>,
    %swap3A_256 = vector.shape_cast %swap3A_255 : vector<1x16xi32> to vector<16xi32>
    %swap3A_257 = vector.shape_cast %shift_right_logical3A_251 : vector<16xi32> to vector<1x16xi32>
    tpu.vector_store %arg7[%swap3A_253, %swap3A_254], %swap3A_257 {strides = array<i32>} : memref<3x80xi32, #tpu.memory_space<vmem>>, vector<1x16xi32>,
    %and3A_258 = arith.constant 16383 : i32
    %and3A_259 = vector.broadcast %and3A_258 : i32 to vector<16xi32>
    %and3A_260 = arith.andi %get3A_248, %and3A_259 : vector<16xi32>
    %swap3A_261 = arith.constant 2 : i32
    %swap3A_262 = arith.index_cast %swap3A_261 : i32 to index
    %swap3A_263 = arith.constant 0 : index
    %swap3A_264 = tpu.vector_load %arg8[%swap3A_262, %swap3A_263] {strides = array<i32>} : memref<3x80xi32, #tpu.memory_space<vmem>>, vector<1x16xi32>,
    %swap3A_265 = vector.shape_cast %swap3A_264 : vector<1x16xi32> to vector<16xi32>
    %swap3A_266 = vector.shape_cast %and3A_260 : vector<16xi32> to vector<1x16xi32>
    tpu.vector_store %arg8[%swap3A_262, %swap3A_263], %swap3A_266 {strides = array<i32>} : memref<3x80xi32, #tpu.memory_space<vmem>>, vector<1x16xi32>,
    %get3A_267 = arith.constant 2 : i32
    %get3A_268 = arith.index_cast %get3A_267 : i32 to index
    %get3A_269 = arith.constant 16 : index
    %get3A_270 = tpu.vector_load %arg6[%get3A_268, %get3A_269] {strides = array<i32>} : memref<125x80xi32, #tpu.memory_space<vmem>>, vector<1x16xi32>,
    %get3A_271 = vector.shape_cast %get3A_270 : vector<1x16xi32> to vector<16xi32>
    %shift_right_logical3A_272 = arith.constant 14 : i32
    %shift_right_logical3A_273 = vector.broadcast %shift_right_logical3A_272 : i32 to vector<16xi32>
    %shift_right_logical3A_274 = arith.shrui %get3A_271, %shift_right_logical3A_273 : vector<16xi32>
    %swap3A_275 = arith.constant 2 : i32
    %swap3A_276 = arith.index_cast %swap3A_275 : i32 to index
    %swap3A_277 = arith.constant 16 : index
    %swap3A_278 = tpu.vector_load %arg7[%swap3A_276, %swap3A_277] {strides = array<i32>} : memref<3x80xi32, #tpu.memory_space<vmem>>, vector<1x16xi32>,
    %swap3A_279 = vector.shape_cast %swap3A_278 : vector<1x16xi32> to vector<16xi32>
    %swap3A_280 = vector.shape_cast %shift_right_logical3A_274 : vector<16xi32> to vector<1x16xi32>
    tpu.vector_store %arg7[%swap3A_276, %swap3A_277], %swap3A_280 {strides = array<i32>} : memref<3x80xi32, #tpu.memory_space<vmem>>, vector<1x16xi32>,
    %and3A_281 = arith.constant 16383 : i32
    %and3A_282 = vector.broadcast %and3A_281 : i32 to vector<16xi32>
    %and3A_283 = arith.andi %get3A_271, %and3A_282 : vector<16xi32>
    %swap3A_284 = arith.constant 2 : i32
    %swap3A_285 = arith.index_cast %swap3A_284 : i32 to index
    %swap3A_286 = arith.constant 16 : index
    %swap3A_287 = tpu.vector_load %arg8[%swap3A_285, %swap3A_286] {strides = array<i32>} : memref<3x80xi32, #tpu.memory_space<vmem>>, vector<1x16xi32>,
    %swap3A_288 = vector.shape_cast %swap3A_287 : vector<1x16xi32> to vector<16xi32>
    %swap3A_289 = vector.shape_cast %and3A_283 : vector<16xi32> to vector<1x16xi32>
    tpu.vector_store %arg8[%swap3A_285, %swap3A_286], %swap3A_289 {strides = array<i32>} : memref<3x80xi32, #tpu.memory_space<vmem>>, vector<1x16xi32>,
    %get3A_290 = arith.constant 2 : i32
    %get3A_291 = arith.index_cast %get3A_290 : i32 to index
    %get3A_292 = arith.constant 32 : index
    %get3A_293 = tpu.vector_load %arg6[%get3A_291, %get3A_292] {strides = array<i32>} : memref<125x80xi32, #tpu.memory_space<vmem>>, vector<1x16xi32>,
    %get3A_294 = vector.shape_cast %get3A_293 : vector<1x16xi32> to vector<16xi32>
    %shift_right_logical3A_295 = arith.constant 14 : i32
    %shift_right_logical3A_296 = vector.broadcast %shift_right_logical3A_295 : i32 to vector<16xi32>
    %shift_right_logical3A_297 = arith.shrui %get3A_294, %shift_right_logical3A_296 : vector<16xi32>
    %swap3A_298 = arith.constant 2 : i32
    %swap3A_299 = arith.index_cast %swap3A_298 : i32 to index
    %swap3A_300 = arith.constant 32 : index
    %swap3A_301 = tpu.vector_load %arg7[%swap3A_299, %swap3A_300] {strides = array<i32>} : memref<3x80xi32, #tpu.memory_space<vmem>>, vector<1x16xi32>,
    %swap3A_302 = vector.shape_cast %swap3A_301 : vector<1x16xi32> to vector<16xi32>
    %swap3A_303 = vector.shape_cast %shift_right_logical3A_297 : vector<16xi32> to vector<1x16xi32>
    tpu.vector_store %arg7[%swap3A_299, %swap3A_300], %swap3A_303 {strides = array<i32>} : memref<3x80xi32, #tpu.memory_space<vmem>>, vector<1x16xi32>,
    %and3A_304 = arith.constant 16383 : i32
    %and3A_305 = vector.broadcast %and3A_304 : i32 to vector<16xi32>
    %and3A_306 = arith.andi %get3A_294, %and3A_305 : vector<16xi32>
    %swap3A_307 = arith.constant 2 : i32
    %swap3A_308 = arith.index_cast %swap3A_307 : i32 to index
    %swap3A_309 = arith.constant 32 : index
    %swap3A_310 = tpu.vector_load %arg8[%swap3A_308, %swap3A_309] {strides = array<i32>} : memref<3x80xi32, #tpu.memory_space<vmem>>, vector<1x16xi32>,
    %swap3A_311 = vector.shape_cast %swap3A_310 : vector<1x16xi32> to vector<16xi32>
    %swap3A_312 = vector.shape_cast %and3A_306 : vector<16xi32> to vector<1x16xi32>
    tpu.vector_store %arg8[%swap3A_308, %swap3A_309], %swap3A_312 {strides = array<i32>} : memref<3x80xi32, #tpu.memory_space<vmem>>, vector<1x16xi32>,
    %get3A_313 = arith.constant 2 : i32
    %get3A_314 = arith.index_cast %get3A_313 : i32 to index
    %get3A_315 = arith.constant 48 : index
    %get3A_316 = tpu.vector_load %arg6[%get3A_314, %get3A_315] {strides = array<i32>} : memref<125x80xi32, #tpu.memory_space<vmem>>, vector<1x16xi32>,
    %get3A_317 = vector.shape_cast %get3A_316 : vector<1x16xi32> to vector<16xi32>
    %shift_right_logical3A_318 = arith.constant 14 : i32
    %shift_right_logical3A_319 = vector.broadcast %shift_right_logical3A_318 : i32 to vector<16xi32>
    %shift_right_logical3A_320 = arith.shrui %get3A_317, %shift_right_logical3A_319 : vector<16xi32>
    %swap3A_321 = arith.constant 2 : i32
    %swap3A_322 = arith.index_cast %swap3A_321 : i32 to index
    %swap3A_323 = arith.constant 48 : index
    %swap3A_324 = tpu.vector_load %arg7[%swap3A_322, %swap3A_323] {strides = array<i32>} : memref<3x80xi32, #tpu.memory_space<vmem>>, vector<1x16xi32>,
    %swap3A_325 = vector.shape_cast %swap3A_324 : vector<1x16xi32> to vector<16xi32>
    %swap3A_326 = vector.shape_cast %shift_right_logical3A_320 : vector<16xi32> to vector<1x16xi32>
    tpu.vector_store %arg7[%swap3A_322, %swap3A_323], %swap3A_326 {strides = array<i32>} : memref<3x80xi32, #tpu.memory_space<vmem>>, vector<1x16xi32>,
    %and3A_327 = arith.constant 16383 : i32
    %and3A_328 = vector.broadcast %and3A_327 : i32 to vector<16xi32>
    %and3A_329 = arith.andi %get3A_317, %and3A_328 : vector<16xi32>
    %swap3A_330 = arith.constant 2 : i32
    %swap3A_331 = arith.index_cast %swap3A_330 : i32 to index
    %swap3A_332 = arith.constant 48 : index
    %swap3A_333 = tpu.vector_load %arg8[%swap3A_331, %swap3A_332] {strides = array<i32>} : memref<3x80xi32, #tpu.memory_space<vmem>>, vector<1x16xi32>,
    %swap3A_334 = vector.shape_cast %swap3A_333 : vector<1x16xi32> to vector<16xi32>
    %swap3A_335 = vector.shape_cast %and3A_329 : vector<16xi32> to vector<1x16xi32>
    tpu.vector_store %arg8[%swap3A_331, %swap3A_332], %swap3A_335 {strides = array<i32>} : memref<3x80xi32, #tpu.memory_space<vmem>>, vector<1x16xi32>,
    %get3A_336 = arith.constant 2 : i32
    %get3A_337 = arith.index_cast %get3A_336 : i32 to index
    %get3A_338 = arith.constant 64 : index
    %get3A_339 = tpu.vector_load %arg6[%get3A_337, %get3A_338] {strides = array<i32>} : memref<125x80xi32, #tpu.memory_space<vmem>>, vector<1x16xi32>,
    %get3A_340 = vector.shape_cast %get3A_339 : vector<1x16xi32> to vector<16xi32>
    %shift_right_logical3A_341 = arith.constant 14 : i32
    %shift_right_logical3A_342 = vector.broadcast %shift_right_logical3A_341 : i32 to vector<16xi32>
    %shift_right_logical3A_343 = arith.shrui %get3A_340, %shift_right_logical3A_342 : vector<16xi32>
    %swap3A_344 = arith.constant 2 : i32
    %swap3A_345 = arith.index_cast %swap3A_344 : i32 to index
    %swap3A_346 = arith.constant 64 : index
    %swap3A_347 = tpu.vector_load %arg7[%swap3A_345, %swap3A_346] {strides = array<i32>} : memref<3x80xi32, #tpu.memory_space<vmem>>, vector<1x16xi32>,
    %swap3A_348 = vector.shape_cast %swap3A_347 : vector<1x16xi32> to vector<16xi32>
    %swap3A_349 = vector.shape_cast %shift_right_logical3A_343 : vector<16xi32> to vector<1x16xi32>
    tpu.vector_store %arg7[%swap3A_345, %swap3A_346], %swap3A_349 {strides = array<i32>} : memref<3x80xi32, #tpu.memory_space<vmem>>, vector<1x16xi32>,
    %and3A_350 = arith.constant 16383 : i32
    %and3A_351 = vector.broadcast %and3A_350 : i32 to vector<16xi32>
    %and3A_352 = arith.andi %get3A_340, %and3A_351 : vector<16xi32>
    %swap3A_353 = arith.constant 2 : i32
    %swap3A_354 = arith.index_cast %swap3A_353 : i32 to index
    %swap3A_355 = arith.constant 64 : index
    %swap3A_356 = tpu.vector_load %arg8[%swap3A_354, %swap3A_355] {strides = array<i32>} : memref<3x80xi32, #tpu.memory_space<vmem>>, vector<1x16xi32>,
    %swap3A_357 = vector.shape_cast %swap3A_356 : vector<1x16xi32> to vector<16xi32>
    %swap3A_358 = vector.shape_cast %and3A_352 : vector<16xi32> to vector<1x16xi32>
    tpu.vector_store %arg8[%swap3A_354, %swap3A_355], %swap3A_358 {strides = array<i32>} : memref<3x80xi32, #tpu.memory_space<vmem>>, vector<1x16xi32>,
    %dma_start3A_359 = arith.constant 2 : i32
    %dma_start3A_360 = arith.constant 0 : i32
    %dma_start3A_361 = tpu.memref_slice %arg7[%dma_start3A_359, %dma_start3A_360] : memref<3x80xi32, #tpu.memory_space<vmem>> -> memref<1x80xi32, #tpu.memory_space<vmem>>
    %dma_start3A_362 = tpu.memref_squeeze %dma_start3A_361 : memref<1x80xi32, #tpu.memory_space<vmem>> -> memref<80xi32, #tpu.memory_space<vmem>>
    %dma_start3A_363 = arith.constant 0 : i32
    %dma_start3A_364 = arith.constant 0 : i32
    %dma_start3A_365 = tpu.memref_slice %arg2[%dma_start3A_363, %dma_start3A_364] : memref<10240x128xf32, #tpu.memory_space<hbm>> -> memref<10240x128xf32, #tpu.memory_space<hbm>>
    tpu.enqueue_indirect_dma source(%dma_start3A_365 : memref<10240x128xf32, #tpu.memory_space<hbm>>) target(%arg11 : memref<80x128xf32, #tpu.memory_space<vmem>>) offsets(%dma_start3A_362 : memref<80xi32, #tpu.memory_space<vmem>>) semaphore(%arg15 : memref<!tpu.dma_semaphore, #tpu.memory_space<semaphore_mem>>)
    %scan3A = arith.constant 0 : i32
    %scan3A_366 = arith.constant 0 : i32
    %scan3A_367 = arith.constant 41 : i32
    %scan3A_368 = arith.addi %scan3A_366, %scan3A_367 : i32
    %scan3A_369 = arith.constant 1 : i32
    scf.for %scan3A_388 = %scan3A_366 to %scan3A_368 step %scan3A_369  : i32 {
      %mul3A_389 = arith.constant 3 : i32
      %mul3A_390 = arith.muli %scan3A_388, %mul3A_389 : i32
      %add3A_391 = arith.constant 0 : i32
      %add3A_392 = arith.addi %mul3A_390, %add3A_391 : i32
      %dma_wait3A_393 = arith.constant 0 : i32
      %dma_wait3A_394 = arith.constant 0 : i32
      %dma_wait3A_395 = tpu.memref_slice %arg2[%dma_wait3A_393, %dma_wait3A_394] : memref<10240x128xf32, #tpu.memory_space<hbm>> -> memref<80x128xf32, #tpu.memory_space<hbm>>
      %dma_wait3A_396 = arith.constant 0 : i32
      %dma_wait3A_397 = arith.constant 0 : i32
      %dma_wait3A_398 = tpu.memref_slice %arg2[%dma_wait3A_396, %dma_wait3A_397] : memref<10240x128xf32, #tpu.memory_space<hbm>> -> memref<80x128xf32, #tpu.memory_space<hbm>>
      tpu.wait_dma2 semaphore(%arg13 : memref<!tpu.dma_semaphore, #tpu.memory_space<semaphore_mem>>) src(%dma_wait3A_398 : memref<80x128xf32, #tpu.memory_space<hbm>>) dst(%arg9 : memref<80x128xf32, #tpu.memory_space<vmem>>)
      %run_scoped3A_399 = arith.constant 0 : i32
      "tpu.region"() ({
        %run_scoped3A_440 = tpu.sem_alloc : memref<!tpu.dma_semaphore, #tpu.memory_space<semaphore_mem>>
        %dma_start3A_441 = arith.constant 0 : i32
        %dma_start3A_442 = tpu.memref_slice %arg8[%run_scoped3A_399, %dma_start3A_441] : memref<3x80xi32, #tpu.memory_space<vmem>> -> memref<1x80xi32, #tpu.memory_space<vmem>>
        %dma_start3A_443 = tpu.memref_squeeze %dma_start3A_442 : memref<1x80xi32, #tpu.memory_space<vmem>> -> memref<80xi32, #tpu.memory_space<vmem>>
        %dma_start3A_444 = arith.constant 0 : i32
        %dma_start3A_445 = arith.constant 0 : i32
        %dma_start3A_446 = tpu.memref_slice %arg12[%dma_start3A_444, %dma_start3A_445] : memref<10240x128xf32, #tpu.memory_space<vmem_shared>> -> memref<10240x128xf32, #tpu.memory_space<vmem_shared>>
        tpu.enqueue_indirect_dma source(%arg9 : memref<80x128xf32, #tpu.memory_space<vmem>>) target(%dma_start3A_446 : memref<10240x128xf32, #tpu.memory_space<vmem_shared>>) offsets(%dma_start3A_443 : memref<80xi32, #tpu.memory_space<vmem>>) semaphore(%run_scoped3A_440 : memref<!tpu.dma_semaphore, #tpu.memory_space<semaphore_mem>>) {add = true}
        %dma_wait3A_447 = arith.constant 0 : i32
        %dma_wait3A_448 = tpu.memref_slice %arg8[%run_scoped3A_399, %dma_wait3A_447] : memref<3x80xi32, #tpu.memory_space<vmem>> -> memref<1x80xi32, #tpu.memory_space<vmem>>
        %dma_wait3A_449 = tpu.memref_squeeze %dma_wait3A_448 : memref<1x80xi32, #tpu.memory_space<vmem>> -> memref<80xi32, #tpu.memory_space<vmem>>
        %dma_wait3A_450 = arith.constant 0 : i32
        %dma_wait3A_451 = arith.constant 0 : i32
        %dma_wait3A_452 = tpu.memref_slice %arg12[%dma_wait3A_450, %dma_wait3A_451] : memref<10240x128xf32, #tpu.memory_space<vmem_shared>> -> memref<10240x128xf32, #tpu.memory_space<vmem_shared>>
        tpu.wait_indirect_dma semaphore(%run_scoped3A_440 : memref<!tpu.dma_semaphore, #tpu.memory_space<semaphore_mem>>) src(%arg9 : memref<80x128xf32, #tpu.memory_space<vmem>>) dst(%dma_wait3A_452 : memref<10240x128xf32, #tpu.memory_space<vmem_shared>>)
        tpu.yield
      }) : () -> ()
      %add3A_400 = arith.constant 3 : i32
      %add3A_401 = arith.addi %add3A_392, %add3A_400 : i32
      %lt3A = arith.constant 125 : i32
      %lt3A_402 = arith.cmpi slt, %add3A_401, %lt3A : i32
      %convert_element_type3A = arith.extui %lt3A_402 : i1 to i32
      %cond3A = arith.constant 0 : i32
      %cond3A_403 = arith.cmpi ne, %convert_element_type3A, %cond3A : i32
      scf.if %cond3A_403 {
        %add3A_440 = arith.constant 3 : i32
        %add3A_441 = arith.addi %add3A_392, %add3A_440 : i32
        %get3A_442 = arith.index_cast %add3A_441 : i32 to index
        %get3A_443 = arith.constant 0 : index
        %get3A_444 = tpu.vector_load %arg6[%get3A_442, %get3A_443] {strides = array<i32>} : memref<125x80xi32, #tpu.memory_space<vmem>>, vector<1x16xi32>,
        %get3A_445 = vector.shape_cast %get3A_444 : vector<1x16xi32> to vector<16xi32>
        %shift_right_logical3A_446 = arith.constant 14 : i32
        %shift_right_logical3A_447 = vector.broadcast %shift_right_logical3A_446 : i32 to vector<16xi32>
        %shift_right_logical3A_448 = arith.shrui %get3A_445, %shift_right_logical3A_447 : vector<16xi32>
        %swap3A_449 = arith.constant 0 : i32
        %swap3A_450 = arith.index_cast %swap3A_449 : i32 to index
        %swap3A_451 = arith.constant 0 : index
        %swap3A_452 = tpu.vector_load %arg7[%swap3A_450, %swap3A_451] {strides = array<i32>} : memref<3x80xi32, #tpu.memory_space<vmem>>, vector<1x16xi32>,
        %swap3A_453 = vector.shape_cast %swap3A_452 : vector<1x16xi32> to vector<16xi32>
        %swap3A_454 = vector.shape_cast %shift_right_logical3A_448 : vector<16xi32> to vector<1x16xi32>
        tpu.vector_store %arg7[%swap3A_450, %swap3A_451], %swap3A_454 {strides = array<i32>} : memref<3x80xi32, #tpu.memory_space<vmem>>, vector<1x16xi32>,
        %and3A_455 = arith.constant 16383 : i32
        %and3A_456 = vector.broadcast %and3A_455 : i32 to vector<16xi32>
        %and3A_457 = arith.andi %get3A_445, %and3A_456 : vector<16xi32>
        %swap3A_458 = arith.constant 0 : i32
        %swap3A_459 = arith.index_cast %swap3A_458 : i32 to index
        %swap3A_460 = arith.constant 0 : index
        %swap3A_461 = tpu.vector_load %arg8[%swap3A_459, %swap3A_460] {strides = array<i32>} : memref<3x80xi32, #tpu.memory_space<vmem>>, vector<1x16xi32>,
        %swap3A_462 = vector.shape_cast %swap3A_461 : vector<1x16xi32> to vector<16xi32>
        %swap3A_463 = vector.shape_cast %and3A_457 : vector<16xi32> to vector<1x16xi32>
        tpu.vector_store %arg8[%swap3A_459, %swap3A_460], %swap3A_463 {strides = array<i32>} : memref<3x80xi32, #tpu.memory_space<vmem>>, vector<1x16xi32>,
        %get3A_464 = arith.index_cast %add3A_441 : i32 to index
        %get3A_465 = arith.constant 16 : index
        %get3A_466 = tpu.vector_load %arg6[%get3A_464, %get3A_465] {strides = array<i32>} : memref<125x80xi32, #tpu.memory_space<vmem>>, vector<1x16xi32>,
        %get3A_467 = vector.shape_cast %get3A_466 : vector<1x16xi32> to vector<16xi32>
        %shift_right_logical3A_468 = arith.constant 14 : i32
        %shift_right_logical3A_469 = vector.broadcast %shift_right_logical3A_468 : i32 to vector<16xi32>
        %shift_right_logical3A_470 = arith.shrui %get3A_467, %shift_right_logical3A_469 : vector<16xi32>
        %swap3A_471 = arith.constant 0 : i32
        %swap3A_472 = arith.index_cast %swap3A_471 : i32 to index
        %swap3A_473 = arith.constant 16 : index
        %swap3A_474 = tpu.vector_load %arg7[%swap3A_472, %swap3A_473] {strides = array<i32>} : memref<3x80xi32, #tpu.memory_space<vmem>>, vector<1x16xi32>,
        %swap3A_475 = vector.shape_cast %swap3A_474 : vector<1x16xi32> to vector<16xi32>
        %swap3A_476 = vector.shape_cast %shift_right_logical3A_470 : vector<16xi32> to vector<1x16xi32>
        tpu.vector_store %arg7[%swap3A_472, %swap3A_473], %swap3A_476 {strides = array<i32>} : memref<3x80xi32, #tpu.memory_space<vmem>>, vector<1x16xi32>,
        %and3A_477 = arith.constant 16383 : i32
        %and3A_478 = vector.broadcast %and3A_477 : i32 to vector<16xi32>
        %and3A_479 = arith.andi %get3A_467, %and3A_478 : vector<16xi32>
        %swap3A_480 = arith.constant 0 : i32
        %swap3A_481 = arith.index_cast %swap3A_480 : i32 to index
        %swap3A_482 = arith.constant 16 : index
        %swap3A_483 = tpu.vector_load %arg8[%swap3A_481, %swap3A_482] {strides = array<i32>} : memref<3x80xi32, #tpu.memory_space<vmem>>, vector<1x16xi32>,
        %swap3A_484 = vector.shape_cast %swap3A_483 : vector<1x16xi32> to vector<16xi32>
        %swap3A_485 = vector.shape_cast %and3A_479 : vector<16xi32> to vector<1x16xi32>
        tpu.vector_store %arg8[%swap3A_481, %swap3A_482], %swap3A_485 {strides = array<i32>} : memref<3x80xi32, #tpu.memory_space<vmem>>, vector<1x16xi32>,
        %get3A_486 = arith.index_cast %add3A_441 : i32 to index
        %get3A_487 = arith.constant 32 : index
        %get3A_488 = tpu.vector_load %arg6[%get3A_486, %get3A_487] {strides = array<i32>} : memref<125x80xi32, #tpu.memory_space<vmem>>, vector<1x16xi32>,
        %get3A_489 = vector.shape_cast %get3A_488 : vector<1x16xi32> to vector<16xi32>
        %shift_right_logical3A_490 = arith.constant 14 : i32
        %shift_right_logical3A_491 = vector.broadcast %shift_right_logical3A_490 : i32 to vector<16xi32>
        %shift_right_logical3A_492 = arith.shrui %get3A_489, %shift_right_logical3A_491 : vector<16xi32>
        %swap3A_493 = arith.constant 0 : i32
        %swap3A_494 = arith.index_cast %swap3A_493 : i32 to index
        %swap3A_495 = arith.constant 32 : index
        %swap3A_496 = tpu.vector_load %arg7[%swap3A_494, %swap3A_495] {strides = array<i32>} : memref<3x80xi32, #tpu.memory_space<vmem>>, vector<1x16xi32>,
        %swap3A_497 = vector.shape_cast %swap3A_496 : vector<1x16xi32> to vector<16xi32>
        %swap3A_498 = vector.shape_cast %shift_right_logical3A_492 : vector<16xi32> to vector<1x16xi32>
        tpu.vector_store %arg7[%swap3A_494, %swap3A_495], %swap3A_498 {strides = array<i32>} : memref<3x80xi32, #tpu.memory_space<vmem>>, vector<1x16xi32>,
        %and3A_499 = arith.constant 16383 : i32
        %and3A_500 = vector.broadcast %and3A_499 : i32 to vector<16xi32>
        %and3A_501 = arith.andi %get3A_489, %and3A_500 : vector<16xi32>
        %swap3A_502 = arith.constant 0 : i32
        %swap3A_503 = arith.index_cast %swap3A_502 : i32 to index
        %swap3A_504 = arith.constant 32 : index
        %swap3A_505 = tpu.vector_load %arg8[%swap3A_503, %swap3A_504] {strides = array<i32>} : memref<3x80xi32, #tpu.memory_space<vmem>>, vector<1x16xi32>,
        %swap3A_506 = vector.shape_cast %swap3A_505 : vector<1x16xi32> to vector<16xi32>
        %swap3A_507 = vector.shape_cast %and3A_501 : vector<16xi32> to vector<1x16xi32>
        tpu.vector_store %arg8[%swap3A_503, %swap3A_504], %swap3A_507 {strides = array<i32>} : memref<3x80xi32, #tpu.memory_space<vmem>>, vector<1x16xi32>,
        %get3A_508 = arith.index_cast %add3A_441 : i32 to index
        %get3A_509 = arith.constant 48 : index
        %get3A_510 = tpu.vector_load %arg6[%get3A_508, %get3A_509] {strides = array<i32>} : memref<125x80xi32, #tpu.memory_space<vmem>>, vector<1x16xi32>,
        %get3A_511 = vector.shape_cast %get3A_510 : vector<1x16xi32> to vector<16xi32>
        %shift_right_logical3A_512 = arith.constant 14 : i32
        %shift_right_logical3A_513 = vector.broadcast %shift_right_logical3A_512 : i32 to vector<16xi32>
        %shift_right_logical3A_514 = arith.shrui %get3A_511, %shift_right_logical3A_513 : vector<16xi32>
        %swap3A_515 = arith.constant 0 : i32
        %swap3A_516 = arith.index_cast %swap3A_515 : i32 to index
        %swap3A_517 = arith.constant 48 : index
        %swap3A_518 = tpu.vector_load %arg7[%swap3A_516, %swap3A_517] {strides = array<i32>} : memref<3x80xi32, #tpu.memory_space<vmem>>, vector<1x16xi32>,
        %swap3A_519 = vector.shape_cast %swap3A_518 : vector<1x16xi32> to vector<16xi32>
        %swap3A_520 = vector.shape_cast %shift_right_logical3A_514 : vector<16xi32> to vector<1x16xi32>
        tpu.vector_store %arg7[%swap3A_516, %swap3A_517], %swap3A_520 {strides = array<i32>} : memref<3x80xi32, #tpu.memory_space<vmem>>, vector<1x16xi32>,
        %and3A_521 = arith.constant 16383 : i32
        %and3A_522 = vector.broadcast %and3A_521 : i32 to vector<16xi32>
        %and3A_523 = arith.andi %get3A_511, %and3A_522 : vector<16xi32>
        %swap3A_524 = arith.constant 0 : i32
        %swap3A_525 = arith.index_cast %swap3A_524 : i32 to index
        %swap3A_526 = arith.constant 48 : index
        %swap3A_527 = tpu.vector_load %arg8[%swap3A_525, %swap3A_526] {strides = array<i32>} : memref<3x80xi32, #tpu.memory_space<vmem>>, vector<1x16xi32>,
        %swap3A_528 = vector.shape_cast %swap3A_527 : vector<1x16xi32> to vector<16xi32>
        %swap3A_529 = vector.shape_cast %and3A_523 : vector<16xi32> to vector<1x16xi32>
        tpu.vector_store %arg8[%swap3A_525, %swap3A_526], %swap3A_529 {strides = array<i32>} : memref<3x80xi32, #tpu.memory_space<vmem>>, vector<1x16xi32>,
        %get3A_530 = arith.index_cast %add3A_441 : i32 to index
        %get3A_531 = arith.constant 64 : index
        %get3A_532 = tpu.vector_load %arg6[%get3A_530, %get3A_531] {strides = array<i32>} : memref<125x80xi32, #tpu.memory_space<vmem>>, vector<1x16xi32>,
        %get3A_533 = vector.shape_cast %get3A_532 : vector<1x16xi32> to vector<16xi32>
        %shift_right_logical3A_534 = arith.constant 14 : i32
        %shift_right_logical3A_535 = vector.broadcast %shift_right_logical3A_534 : i32 to vector<16xi32>
        %shift_right_logical3A_536 = arith.shrui %get3A_533, %shift_right_logical3A_535 : vector<16xi32>
        %swap3A_537 = arith.constant 0 : i32
        %swap3A_538 = arith.index_cast %swap3A_537 : i32 to index
        %swap3A_539 = arith.constant 64 : index
        %swap3A_540 = tpu.vector_load %arg7[%swap3A_538, %swap3A_539] {strides = array<i32>} : memref<3x80xi32, #tpu.memory_space<vmem>>, vector<1x16xi32>,
        %swap3A_541 = vector.shape_cast %swap3A_540 : vector<1x16xi32> to vector<16xi32>
        %swap3A_542 = vector.shape_cast %shift_right_logical3A_536 : vector<16xi32> to vector<1x16xi32>
        tpu.vector_store %arg7[%swap3A_538, %swap3A_539], %swap3A_542 {strides = array<i32>} : memref<3x80xi32, #tpu.memory_space<vmem>>, vector<1x16xi32>,
        %and3A_543 = arith.constant 16383 : i32
        %and3A_544 = vector.broadcast %and3A_543 : i32 to vector<16xi32>
        %and3A_545 = arith.andi %get3A_533, %and3A_544 : vector<16xi32>
        %swap3A_546 = arith.constant 0 : i32
        %swap3A_547 = arith.index_cast %swap3A_546 : i32 to index
        %swap3A_548 = arith.constant 64 : index
        %swap3A_549 = tpu.vector_load %arg8[%swap3A_547, %swap3A_548] {strides = array<i32>} : memref<3x80xi32, #tpu.memory_space<vmem>>, vector<1x16xi32>,
        %swap3A_550 = vector.shape_cast %swap3A_549 : vector<1x16xi32> to vector<16xi32>
        %swap3A_551 = vector.shape_cast %and3A_545 : vector<16xi32> to vector<1x16xi32>
        tpu.vector_store %arg8[%swap3A_547, %swap3A_548], %swap3A_551 {strides = array<i32>} : memref<3x80xi32, #tpu.memory_space<vmem>>, vector<1x16xi32>,
        %dma_start3A_552 = arith.constant 0 : i32
        %dma_start3A_553 = arith.constant 0 : i32
        %dma_start3A_554 = tpu.memref_slice %arg7[%dma_start3A_552, %dma_start3A_553] : memref<3x80xi32, #tpu.memory_space<vmem>> -> memref<1x80xi32, #tpu.memory_space<vmem>>
        %dma_start3A_555 = tpu.memref_squeeze %dma_start3A_554 : memref<1x80xi32, #tpu.memory_space<vmem>> -> memref<80xi32, #tpu.memory_space<vmem>>
        %dma_start3A_556 = arith.constant 0 : i32
        %dma_start3A_557 = arith.constant 0 : i32
        %dma_start3A_558 = tpu.memref_slice %arg2[%dma_start3A_556, %dma_start3A_557] : memref<10240x128xf32, #tpu.memory_space<hbm>> -> memref<10240x128xf32, #tpu.memory_space<hbm>>
        tpu.enqueue_indirect_dma source(%dma_start3A_558 : memref<10240x128xf32, #tpu.memory_space<hbm>>) target(%arg9 : memref<80x128xf32, #tpu.memory_space<vmem>>) offsets(%dma_start3A_555 : memref<80xi32, #tpu.memory_space<vmem>>) semaphore(%arg13 : memref<!tpu.dma_semaphore, #tpu.memory_space<semaphore_mem>>)
      } else {
      }
      %mul3A_404 = arith.constant 3 : i32
      %mul3A_405 = arith.muli %scan3A_388, %mul3A_404 : i32
      %add3A_406 = arith.constant 1 : i32
      %add3A_407 = arith.addi %mul3A_405, %add3A_406 : i32
      %dma_wait3A_408 = arith.constant 0 : i32
      %dma_wait3A_409 = arith.constant 0 : i32
      %dma_wait3A_410 = tpu.memref_slice %arg2[%dma_wait3A_408, %dma_wait3A_409] : memref<10240x128xf32, #tpu.memory_space<hbm>> -> memref<80x128xf32, #tpu.memory_space<hbm>>
      %dma_wait3A_411 = arith.constant 0 : i32
      %dma_wait3A_412 = arith.constant 0 : i32
      %dma_wait3A_413 = tpu.memref_slice %arg2[%dma_wait3A_411, %dma_wait3A_412] : memref<10240x128xf32, #tpu.memory_space<hbm>> -> memref<80x128xf32, #tpu.memory_space<hbm>>
      tpu.wait_dma2 semaphore(%arg14 : memref<!tpu.dma_semaphore, #tpu.memory_space<semaphore_mem>>) src(%dma_wait3A_413 : memref<80x128xf32, #tpu.memory_space<hbm>>) dst(%arg10 : memref<80x128xf32, #tpu.memory_space<vmem>>)
      %run_scoped3A_414 = arith.constant 1 : i32
      "tpu.region"() ({
        %run_scoped3A_440 = tpu.sem_alloc : memref<!tpu.dma_semaphore, #tpu.memory_space<semaphore_mem>>
        %dma_start3A_441 = arith.constant 0 : i32
        %dma_start3A_442 = tpu.memref_slice %arg8[%run_scoped3A_414, %dma_start3A_441] : memref<3x80xi32, #tpu.memory_space<vmem>> -> memref<1x80xi32, #tpu.memory_space<vmem>>
        %dma_start3A_443 = tpu.memref_squeeze %dma_start3A_442 : memref<1x80xi32, #tpu.memory_space<vmem>> -> memref<80xi32, #tpu.memory_space<vmem>>
        %dma_start3A_444 = arith.constant 0 : i32
        %dma_start3A_445 = arith.constant 0 : i32
        %dma_start3A_446 = tpu.memref_slice %arg12[%dma_start3A_444, %dma_start3A_445] : memref<10240x128xf32, #tpu.memory_space<vmem_shared>> -> memref<10240x128xf32, #tpu.memory_space<vmem_shared>>
        tpu.enqueue_indirect_dma source(%arg10 : memref<80x128xf32, #tpu.memory_space<vmem>>) target(%dma_start3A_446 : memref<10240x128xf32, #tpu.memory_space<vmem_shared>>) offsets(%dma_start3A_443 : memref<80xi32, #tpu.memory_space<vmem>>) semaphore(%run_scoped3A_440 : memref<!tpu.dma_semaphore, #tpu.memory_space<semaphore_mem>>) {add = true}
        %dma_wait3A_447 = arith.constant 0 : i32
        %dma_wait3A_448 = tpu.memref_slice %arg8[%run_scoped3A_414, %dma_wait3A_447] : memref<3x80xi32, #tpu.memory_space<vmem>> -> memref<1x80xi32, #tpu.memory_space<vmem>>
        %dma_wait3A_449 = tpu.memref_squeeze %dma_wait3A_448 : memref<1x80xi32, #tpu.memory_space<vmem>> -> memref<80xi32, #tpu.memory_space<vmem>>
        %dma_wait3A_450 = arith.constant 0 : i32
        %dma_wait3A_451 = arith.constant 0 : i32
        %dma_wait3A_452 = tpu.memref_slice %arg12[%dma_wait3A_450, %dma_wait3A_451] : memref<10240x128xf32, #tpu.memory_space<vmem_shared>> -> memref<10240x128xf32, #tpu.memory_space<vmem_shared>>
        tpu.wait_indirect_dma semaphore(%run_scoped3A_440 : memref<!tpu.dma_semaphore, #tpu.memory_space<semaphore_mem>>) src(%arg10 : memref<80x128xf32, #tpu.memory_space<vmem>>) dst(%dma_wait3A_452 : memref<10240x128xf32, #tpu.memory_space<vmem_shared>>)
        tpu.yield
      }) : () -> ()
      %add3A_415 = arith.constant 3 : i32
      %add3A_416 = arith.addi %add3A_407, %add3A_415 : i32
      %lt3A_417 = arith.constant 125 : i32
      %lt3A_418 = arith.cmpi slt, %add3A_416, %lt3A_417 : i32
      %convert_element_type3A_419 = arith.extui %lt3A_418 : i1 to i32
      %cond3A_420 = arith.constant 0 : i32
      %cond3A_421 = arith.cmpi ne, %convert_element_type3A_419, %cond3A_420 : i32
      scf.if %cond3A_421 {
        %add3A_440 = arith.constant 3 : i32
        %add3A_441 = arith.addi %add3A_407, %add3A_440 : i32
        %get3A_442 = arith.index_cast %add3A_441 : i32 to index
        %get3A_443 = arith.constant 0 : index
        %get3A_444 = tpu.vector_load %arg6[%get3A_442, %get3A_443] {strides = array<i32>} : memref<125x80xi32, #tpu.memory_space<vmem>>, vector<1x16xi32>,
        %get3A_445 = vector.shape_cast %get3A_444 : vector<1x16xi32> to vector<16xi32>
        %shift_right_logical3A_446 = arith.constant 14 : i32
        %shift_right_logical3A_447 = vector.broadcast %shift_right_logical3A_446 : i32 to vector<16xi32>
        %shift_right_logical3A_448 = arith.shrui %get3A_445, %shift_right_logical3A_447 : vector<16xi32>
        %swap3A_449 = arith.constant 1 : i32
        %swap3A_450 = arith.index_cast %swap3A_449 : i32 to index
        %swap3A_451 = arith.constant 0 : index
        %swap3A_452 = tpu.vector_load %arg7[%swap3A_450, %swap3A_451] {strides = array<i32>} : memref<3x80xi32, #tpu.memory_space<vmem>>, vector<1x16xi32>,
        %swap3A_453 = vector.shape_cast %swap3A_452 : vector<1x16xi32> to vector<16xi32>
        %swap3A_454 = vector.shape_cast %shift_right_logical3A_448 : vector<16xi32> to vector<1x16xi32>
        tpu.vector_store %arg7[%swap3A_450, %swap3A_451], %swap3A_454 {strides = array<i32>} : memref<3x80xi32, #tpu.memory_space<vmem>>, vector<1x16xi32>,
        %and3A_455 = arith.constant 16383 : i32
        %and3A_456 = vector.broadcast %and3A_455 : i32 to vector<16xi32>
        %and3A_457 = arith.andi %get3A_445, %and3A_456 : vector<16xi32>
        %swap3A_458 = arith.constant 1 : i32
        %swap3A_459 = arith.index_cast %swap3A_458 : i32 to index
        %swap3A_460 = arith.constant 0 : index
        %swap3A_461 = tpu.vector_load %arg8[%swap3A_459, %swap3A_460] {strides = array<i32>} : memref<3x80xi32, #tpu.memory_space<vmem>>, vector<1x16xi32>,
        %swap3A_462 = vector.shape_cast %swap3A_461 : vector<1x16xi32> to vector<16xi32>
        %swap3A_463 = vector.shape_cast %and3A_457 : vector<16xi32> to vector<1x16xi32>
        tpu.vector_store %arg8[%swap3A_459, %swap3A_460], %swap3A_463 {strides = array<i32>} : memref<3x80xi32, #tpu.memory_space<vmem>>, vector<1x16xi32>,
        %get3A_464 = arith.index_cast %add3A_441 : i32 to index
        %get3A_465 = arith.constant 16 : index
        %get3A_466 = tpu.vector_load %arg6[%get3A_464, %get3A_465] {strides = array<i32>} : memref<125x80xi32, #tpu.memory_space<vmem>>, vector<1x16xi32>,
        %get3A_467 = vector.shape_cast %get3A_466 : vector<1x16xi32> to vector<16xi32>
        %shift_right_logical3A_468 = arith.constant 14 : i32
        %shift_right_logical3A_469 = vector.broadcast %shift_right_logical3A_468 : i32 to vector<16xi32>
        %shift_right_logical3A_470 = arith.shrui %get3A_467, %shift_right_logical3A_469 : vector<16xi32>
        %swap3A_471 = arith.constant 1 : i32
        %swap3A_472 = arith.index_cast %swap3A_471 : i32 to index
        %swap3A_473 = arith.constant 16 : index
        %swap3A_474 = tpu.vector_load %arg7[%swap3A_472, %swap3A_473] {strides = array<i32>} : memref<3x80xi32, #tpu.memory_space<vmem>>, vector<1x16xi32>,
        %swap3A_475 = vector.shape_cast %swap3A_474 : vector<1x16xi32> to vector<16xi32>
        %swap3A_476 = vector.shape_cast %shift_right_logical3A_470 : vector<16xi32> to vector<1x16xi32>
        tpu.vector_store %arg7[%swap3A_472, %swap3A_473], %swap3A_476 {strides = array<i32>} : memref<3x80xi32, #tpu.memory_space<vmem>>, vector<1x16xi32>,
        %and3A_477 = arith.constant 16383 : i32
        %and3A_478 = vector.broadcast %and3A_477 : i32 to vector<16xi32>
        %and3A_479 = arith.andi %get3A_467, %and3A_478 : vector<16xi32>
        %swap3A_480 = arith.constant 1 : i32
        %swap3A_481 = arith.index_cast %swap3A_480 : i32 to index
        %swap3A_482 = arith.constant 16 : index
        %swap3A_483 = tpu.vector_load %arg8[%swap3A_481, %swap3A_482] {strides = array<i32>} : memref<3x80xi32, #tpu.memory_space<vmem>>, vector<1x16xi32>,
        %swap3A_484 = vector.shape_cast %swap3A_483 : vector<1x16xi32> to vector<16xi32>
        %swap3A_485 = vector.shape_cast %and3A_479 : vector<16xi32> to vector<1x16xi32>
        tpu.vector_store %arg8[%swap3A_481, %swap3A_482], %swap3A_485 {strides = array<i32>} : memref<3x80xi32, #tpu.memory_space<vmem>>, vector<1x16xi32>,
        %get3A_486 = arith.index_cast %add3A_441 : i32 to index
        %get3A_487 = arith.constant 32 : index
        %get3A_488 = tpu.vector_load %arg6[%get3A_486, %get3A_487] {strides = array<i32>} : memref<125x80xi32, #tpu.memory_space<vmem>>, vector<1x16xi32>,
        %get3A_489 = vector.shape_cast %get3A_488 : vector<1x16xi32> to vector<16xi32>
        %shift_right_logical3A_490 = arith.constant 14 : i32
        %shift_right_logical3A_491 = vector.broadcast %shift_right_logical3A_490 : i32 to vector<16xi32>
        %shift_right_logical3A_492 = arith.shrui %get3A_489, %shift_right_logical3A_491 : vector<16xi32>
        %swap3A_493 = arith.constant 1 : i32
        %swap3A_494 = arith.index_cast %swap3A_493 : i32 to index
        %swap3A_495 = arith.constant 32 : index
        %swap3A_496 = tpu.vector_load %arg7[%swap3A_494, %swap3A_495] {strides = array<i32>} : memref<3x80xi32, #tpu.memory_space<vmem>>, vector<1x16xi32>,
        %swap3A_497 = vector.shape_cast %swap3A_496 : vector<1x16xi32> to vector<16xi32>
        %swap3A_498 = vector.shape_cast %shift_right_logical3A_492 : vector<16xi32> to vector<1x16xi32>
        tpu.vector_store %arg7[%swap3A_494, %swap3A_495], %swap3A_498 {strides = array<i32>} : memref<3x80xi32, #tpu.memory_space<vmem>>, vector<1x16xi32>,
        %and3A_499 = arith.constant 16383 : i32
        %and3A_500 = vector.broadcast %and3A_499 : i32 to vector<16xi32>
        %and3A_501 = arith.andi %get3A_489, %and3A_500 : vector<16xi32>
        %swap3A_502 = arith.constant 1 : i32
        %swap3A_503 = arith.index_cast %swap3A_502 : i32 to index
        %swap3A_504 = arith.constant 32 : index
        %swap3A_505 = tpu.vector_load %arg8[%swap3A_503, %swap3A_504] {strides = array<i32>} : memref<3x80xi32, #tpu.memory_space<vmem>>, vector<1x16xi32>,
        %swap3A_506 = vector.shape_cast %swap3A_505 : vector<1x16xi32> to vector<16xi32>
        %swap3A_507 = vector.shape_cast %and3A_501 : vector<16xi32> to vector<1x16xi32>
        tpu.vector_store %arg8[%swap3A_503, %swap3A_504], %swap3A_507 {strides = array<i32>} : memref<3x80xi32, #tpu.memory_space<vmem>>, vector<1x16xi32>,
        %get3A_508 = arith.index_cast %add3A_441 : i32 to index
        %get3A_509 = arith.constant 48 : index
        %get3A_510 = tpu.vector_load %arg6[%get3A_508, %get3A_509] {strides = array<i32>} : memref<125x80xi32, #tpu.memory_space<vmem>>, vector<1x16xi32>,
        %get3A_511 = vector.shape_cast %get3A_510 : vector<1x16xi32> to vector<16xi32>
        %shift_right_logical3A_512 = arith.constant 14 : i32
        %shift_right_logical3A_513 = vector.broadcast %shift_right_logical3A_512 : i32 to vector<16xi32>
        %shift_right_logical3A_514 = arith.shrui %get3A_511, %shift_right_logical3A_513 : vector<16xi32>
        %swap3A_515 = arith.constant 1 : i32
        %swap3A_516 = arith.index_cast %swap3A_515 : i32 to index
        %swap3A_517 = arith.constant 48 : index
        %swap3A_518 = tpu.vector_load %arg7[%swap3A_516, %swap3A_517] {strides = array<i32>} : memref<3x80xi32, #tpu.memory_space<vmem>>, vector<1x16xi32>,
        %swap3A_519 = vector.shape_cast %swap3A_518 : vector<1x16xi32> to vector<16xi32>
        %swap3A_520 = vector.shape_cast %shift_right_logical3A_514 : vector<16xi32> to vector<1x16xi32>
        tpu.vector_store %arg7[%swap3A_516, %swap3A_517], %swap3A_520 {strides = array<i32>} : memref<3x80xi32, #tpu.memory_space<vmem>>, vector<1x16xi32>,
        %and3A_521 = arith.constant 16383 : i32
        %and3A_522 = vector.broadcast %and3A_521 : i32 to vector<16xi32>
        %and3A_523 = arith.andi %get3A_511, %and3A_522 : vector<16xi32>
        %swap3A_524 = arith.constant 1 : i32
        %swap3A_525 = arith.index_cast %swap3A_524 : i32 to index
        %swap3A_526 = arith.constant 48 : index
        %swap3A_527 = tpu.vector_load %arg8[%swap3A_525, %swap3A_526] {strides = array<i32>} : memref<3x80xi32, #tpu.memory_space<vmem>>, vector<1x16xi32>,
        %swap3A_528 = vector.shape_cast %swap3A_527 : vector<1x16xi32> to vector<16xi32>
        %swap3A_529 = vector.shape_cast %and3A_523 : vector<16xi32> to vector<1x16xi32>
        tpu.vector_store %arg8[%swap3A_525, %swap3A_526], %swap3A_529 {strides = array<i32>} : memref<3x80xi32, #tpu.memory_space<vmem>>, vector<1x16xi32>,
        %get3A_530 = arith.index_cast %add3A_441 : i32 to index
        %get3A_531 = arith.constant 64 : index
        %get3A_532 = tpu.vector_load %arg6[%get3A_530, %get3A_531] {strides = array<i32>} : memref<125x80xi32, #tpu.memory_space<vmem>>, vector<1x16xi32>,
        %get3A_533 = vector.shape_cast %get3A_532 : vector<1x16xi32> to vector<16xi32>
        %shift_right_logical3A_534 = arith.constant 14 : i32
        %shift_right_logical3A_535 = vector.broadcast %shift_right_logical3A_534 : i32 to vector<16xi32>
        %shift_right_logical3A_536 = arith.shrui %get3A_533, %shift_right_logical3A_535 : vector<16xi32>
        %swap3A_537 = arith.constant 1 : i32
        %swap3A_538 = arith.index_cast %swap3A_537 : i32 to index
        %swap3A_539 = arith.constant 64 : index
        %swap3A_540 = tpu.vector_load %arg7[%swap3A_538, %swap3A_539] {strides = array<i32>} : memref<3x80xi32, #tpu.memory_space<vmem>>, vector<1x16xi32>,
        %swap3A_541 = vector.shape_cast %swap3A_540 : vector<1x16xi32> to vector<16xi32>
        %swap3A_542 = vector.shape_cast %shift_right_logical3A_536 : vector<16xi32> to vector<1x16xi32>
        tpu.vector_store %arg7[%swap3A_538, %swap3A_539], %swap3A_542 {strides = array<i32>} : memref<3x80xi32, #tpu.memory_space<vmem>>, vector<1x16xi32>,
        %and3A_543 = arith.constant 16383 : i32
        %and3A_544 = vector.broadcast %and3A_543 : i32 to vector<16xi32>
        %and3A_545 = arith.andi %get3A_533, %and3A_544 : vector<16xi32>
        %swap3A_546 = arith.constant 1 : i32
        %swap3A_547 = arith.index_cast %swap3A_546 : i32 to index
        %swap3A_548 = arith.constant 64 : index
        %swap3A_549 = tpu.vector_load %arg8[%swap3A_547, %swap3A_548] {strides = array<i32>} : memref<3x80xi32, #tpu.memory_space<vmem>>, vector<1x16xi32>,
        %swap3A_550 = vector.shape_cast %swap3A_549 : vector<1x16xi32> to vector<16xi32>
        %swap3A_551 = vector.shape_cast %and3A_545 : vector<16xi32> to vector<1x16xi32>
        tpu.vector_store %arg8[%swap3A_547, %swap3A_548], %swap3A_551 {strides = array<i32>} : memref<3x80xi32, #tpu.memory_space<vmem>>, vector<1x16xi32>,
        %dma_start3A_552 = arith.constant 1 : i32
        %dma_start3A_553 = arith.constant 0 : i32
        %dma_start3A_554 = tpu.memref_slice %arg7[%dma_start3A_552, %dma_start3A_553] : memref<3x80xi32, #tpu.memory_space<vmem>> -> memref<1x80xi32, #tpu.memory_space<vmem>>
        %dma_start3A_555 = tpu.memref_squeeze %dma_start3A_554 : memref<1x80xi32, #tpu.memory_space<vmem>> -> memref<80xi32, #tpu.memory_space<vmem>>
        %dma_start3A_556 = arith.constant 0 : i32
        %dma_start3A_557 = arith.constant 0 : i32
        %dma_start3A_558 = tpu.memref_slice %arg2[%dma_start3A_556, %dma_start3A_557] : memref<10240x128xf32, #tpu.memory_space<hbm>> -> memref<10240x128xf32, #tpu.memory_space<hbm>>
        tpu.enqueue_indirect_dma source(%dma_start3A_558 : memref<10240x128xf32, #tpu.memory_space<hbm>>) target(%arg10 : memref<80x128xf32, #tpu.memory_space<vmem>>) offsets(%dma_start3A_555 : memref<80xi32, #tpu.memory_space<vmem>>) semaphore(%arg14 : memref<!tpu.dma_semaphore, #tpu.memory_space<semaphore_mem>>)
      } else {
      }
      %mul3A_422 = arith.constant 3 : i32
      %mul3A_423 = arith.muli %scan3A_388, %mul3A_422 : i32
      %add3A_424 = arith.constant 2 : i32
      %add3A_425 = arith.addi %mul3A_423, %add3A_424 : i32
      %dma_wait3A_426 = arith.constant 0 : i32
      %dma_wait3A_427 = arith.constant 0 : i32
      %dma_wait3A_428 = tpu.memref_slice %arg2[%dma_wait3A_426, %dma_wait3A_427] : memref<10240x128xf32, #tpu.memory_space<hbm>> -> memref<80x128xf32, #tpu.memory_space<hbm>>
      %dma_wait3A_429 = arith.constant 0 : i32
      %dma_wait3A_430 = arith.constant 0 : i32
      %dma_wait3A_431 = tpu.memref_slice %arg2[%dma_wait3A_429, %dma_wait3A_430] : memref<10240x128xf32, #tpu.memory_space<hbm>> -> memref<80x128xf32, #tpu.memory_space<hbm>>
      tpu.wait_dma2 semaphore(%arg15 : memref<!tpu.dma_semaphore, #tpu.memory_space<semaphore_mem>>) src(%dma_wait3A_431 : memref<80x128xf32, #tpu.memory_space<hbm>>) dst(%arg11 : memref<80x128xf32, #tpu.memory_space<vmem>>)
      %run_scoped3A_432 = arith.constant 2 : i32
      "tpu.region"() ({
        %run_scoped3A_440 = tpu.sem_alloc : memref<!tpu.dma_semaphore, #tpu.memory_space<semaphore_mem>>
        %dma_start3A_441 = arith.constant 0 : i32
        %dma_start3A_442 = tpu.memref_slice %arg8[%run_scoped3A_432, %dma_start3A_441] : memref<3x80xi32, #tpu.memory_space<vmem>> -> memref<1x80xi32, #tpu.memory_space<vmem>>
        %dma_start3A_443 = tpu.memref_squeeze %dma_start3A_442 : memref<1x80xi32, #tpu.memory_space<vmem>> -> memref<80xi32, #tpu.memory_space<vmem>>
        %dma_start3A_444 = arith.constant 0 : i32
        %dma_start3A_445 = arith.constant 0 : i32
        %dma_start3A_446 = tpu.memref_slice %arg12[%dma_start3A_444, %dma_start3A_445] : memref<10240x128xf32, #tpu.memory_space<vmem_shared>> -> memref<10240x128xf32, #tpu.memory_space<vmem_shared>>
        tpu.enqueue_indirect_dma source(%arg11 : memref<80x128xf32, #tpu.memory_space<vmem>>) target(%dma_start3A_446 : memref<10240x128xf32, #tpu.memory_space<vmem_shared>>) offsets(%dma_start3A_443 : memref<80xi32, #tpu.memory_space<vmem>>) semaphore(%run_scoped3A_440 : memref<!tpu.dma_semaphore, #tpu.memory_space<semaphore_mem>>) {add = true}
        %dma_wait3A_447 = arith.constant 0 : i32
        %dma_wait3A_448 = tpu.memref_slice %arg8[%run_scoped3A_432, %dma_wait3A_447] : memref<3x80xi32, #tpu.memory_space<vmem>> -> memref<1x80xi32, #tpu.memory_space<vmem>>
        %dma_wait3A_449 = tpu.memref_squeeze %dma_wait3A_448 : memref<1x80xi32, #tpu.memory_space<vmem>> -> memref<80xi32, #tpu.memory_space<vmem>>
        %dma_wait3A_450 = arith.constant 0 : i32
        %dma_wait3A_451 = arith.constant 0 : i32
        %dma_wait3A_452 = tpu.memref_slice %arg12[%dma_wait3A_450, %dma_wait3A_451] : memref<10240x128xf32, #tpu.memory_space<vmem_shared>> -> memref<10240x128xf32, #tpu.memory_space<vmem_shared>>
        tpu.wait_indirect_dma semaphore(%run_scoped3A_440 : memref<!tpu.dma_semaphore, #tpu.memory_space<semaphore_mem>>) src(%arg11 : memref<80x128xf32, #tpu.memory_space<vmem>>) dst(%dma_wait3A_452 : memref<10240x128xf32, #tpu.memory_space<vmem_shared>>)
        tpu.yield
      }) : () -> ()
      %add3A_433 = arith.constant 3 : i32
      %add3A_434 = arith.addi %add3A_425, %add3A_433 : i32
      %lt3A_435 = arith.constant 125 : i32
      %lt3A_436 = arith.cmpi slt, %add3A_434, %lt3A_435 : i32
      %convert_element_type3A_437 = arith.extui %lt3A_436 : i1 to i32
      %cond3A_438 = arith.constant 0 : i32
      %cond3A_439 = arith.cmpi ne, %convert_element_type3A_437, %cond3A_438 : i32
      scf.if %cond3A_439 {
        %add3A_440 = arith.constant 3 : i32
        %add3A_441 = arith.addi %add3A_425, %add3A_440 : i32
        %get3A_442 = arith.index_cast %add3A_441 : i32 to index
        %get3A_443 = arith.constant 0 : index
        %get3A_444 = tpu.vector_load %arg6[%get3A_442, %get3A_443] {strides = array<i32>} : memref<125x80xi32, #tpu.memory_space<vmem>>, vector<1x16xi32>,
        %get3A_445 = vector.shape_cast %get3A_444 : vector<1x16xi32> to vector<16xi32>
        %shift_right_logical3A_446 = arith.constant 14 : i32
        %shift_right_logical3A_447 = vector.broadcast %shift_right_logical3A_446 : i32 to vector<16xi32>
        %shift_right_logical3A_448 = arith.shrui %get3A_445, %shift_right_logical3A_447 : vector<16xi32>
        %swap3A_449 = arith.constant 2 : i32
        %swap3A_450 = arith.index_cast %swap3A_449 : i32 to index
        %swap3A_451 = arith.constant 0 : index
        %swap3A_452 = tpu.vector_load %arg7[%swap3A_450, %swap3A_451] {strides = array<i32>} : memref<3x80xi32, #tpu.memory_space<vmem>>, vector<1x16xi32>,
        %swap3A_453 = vector.shape_cast %swap3A_452 : vector<1x16xi32> to vector<16xi32>
        %swap3A_454 = vector.shape_cast %shift_right_logical3A_448 : vector<16xi32> to vector<1x16xi32>
        tpu.vector_store %arg7[%swap3A_450, %swap3A_451], %swap3A_454 {strides = array<i32>} : memref<3x80xi32, #tpu.memory_space<vmem>>, vector<1x16xi32>,
        %and3A_455 = arith.constant 16383 : i32
        %and3A_456 = vector.broadcast %and3A_455 : i32 to vector<16xi32>
        %and3A_457 = arith.andi %get3A_445, %and3A_456 : vector<16xi32>
        %swap3A_458 = arith.constant 2 : i32
        %swap3A_459 = arith.index_cast %swap3A_458 : i32 to index
        %swap3A_460 = arith.constant 0 : index
        %swap3A_461 = tpu.vector_load %arg8[%swap3A_459, %swap3A_460] {strides = array<i32>} : memref<3x80xi32, #tpu.memory_space<vmem>>, vector<1x16xi32>,
        %swap3A_462 = vector.shape_cast %swap3A_461 : vector<1x16xi32> to vector<16xi32>
        %swap3A_463 = vector.shape_cast %and3A_457 : vector<16xi32> to vector<1x16xi32>
        tpu.vector_store %arg8[%swap3A_459, %swap3A_460], %swap3A_463 {strides = array<i32>} : memref<3x80xi32, #tpu.memory_space<vmem>>, vector<1x16xi32>,
        %get3A_464 = arith.index_cast %add3A_441 : i32 to index
        %get3A_465 = arith.constant 16 : index
        %get3A_466 = tpu.vector_load %arg6[%get3A_464, %get3A_465] {strides = array<i32>} : memref<125x80xi32, #tpu.memory_space<vmem>>, vector<1x16xi32>,
        %get3A_467 = vector.shape_cast %get3A_466 : vector<1x16xi32> to vector<16xi32>
        %shift_right_logical3A_468 = arith.constant 14 : i32
        %shift_right_logical3A_469 = vector.broadcast %shift_right_logical3A_468 : i32 to vector<16xi32>
        %shift_right_logical3A_470 = arith.shrui %get3A_467, %shift_right_logical3A_469 : vector<16xi32>
        %swap3A_471 = arith.constant 2 : i32
        %swap3A_472 = arith.index_cast %swap3A_471 : i32 to index
        %swap3A_473 = arith.constant 16 : index
        %swap3A_474 = tpu.vector_load %arg7[%swap3A_472, %swap3A_473] {strides = array<i32>} : memref<3x80xi32, #tpu.memory_space<vmem>>, vector<1x16xi32>,
        %swap3A_475 = vector.shape_cast %swap3A_474 : vector<1x16xi32> to vector<16xi32>
        %swap3A_476 = vector.shape_cast %shift_right_logical3A_470 : vector<16xi32> to vector<1x16xi32>
        tpu.vector_store %arg7[%swap3A_472, %swap3A_473], %swap3A_476 {strides = array<i32>} : memref<3x80xi32, #tpu.memory_space<vmem>>, vector<1x16xi32>,
        %and3A_477 = arith.constant 16383 : i32
        %and3A_478 = vector.broadcast %and3A_477 : i32 to vector<16xi32>
        %and3A_479 = arith.andi %get3A_467, %and3A_478 : vector<16xi32>
        %swap3A_480 = arith.constant 2 : i32
        %swap3A_481 = arith.index_cast %swap3A_480 : i32 to index
        %swap3A_482 = arith.constant 16 : index
        %swap3A_483 = tpu.vector_load %arg8[%swap3A_481, %swap3A_482] {strides = array<i32>} : memref<3x80xi32, #tpu.memory_space<vmem>>, vector<1x16xi32>,
        %swap3A_484 = vector.shape_cast %swap3A_483 : vector<1x16xi32> to vector<16xi32>
        %swap3A_485 = vector.shape_cast %and3A_479 : vector<16xi32> to vector<1x16xi32>
        tpu.vector_store %arg8[%swap3A_481, %swap3A_482], %swap3A_485 {strides = array<i32>} : memref<3x80xi32, #tpu.memory_space<vmem>>, vector<1x16xi32>,
        %get3A_486 = arith.index_cast %add3A_441 : i32 to index
        %get3A_487 = arith.constant 32 : index
        %get3A_488 = tpu.vector_load %arg6[%get3A_486, %get3A_487] {strides = array<i32>} : memref<125x80xi32, #tpu.memory_space<vmem>>, vector<1x16xi32>,
        %get3A_489 = vector.shape_cast %get3A_488 : vector<1x16xi32> to vector<16xi32>
        %shift_right_logical3A_490 = arith.constant 14 : i32
        %shift_right_logical3A_491 = vector.broadcast %shift_right_logical3A_490 : i32 to vector<16xi32>
        %shift_right_logical3A_492 = arith.shrui %get3A_489, %shift_right_logical3A_491 : vector<16xi32>
        %swap3A_493 = arith.constant 2 : i32
        %swap3A_494 = arith.index_cast %swap3A_493 : i32 to index
        %swap3A_495 = arith.constant 32 : index
        %swap3A_496 = tpu.vector_load %arg7[%swap3A_494, %swap3A_495] {strides = array<i32>} : memref<3x80xi32, #tpu.memory_space<vmem>>, vector<1x16xi32>,
        %swap3A_497 = vector.shape_cast %swap3A_496 : vector<1x16xi32> to vector<16xi32>
        %swap3A_498 = vector.shape_cast %shift_right_logical3A_492 : vector<16xi32> to vector<1x16xi32>
        tpu.vector_store %arg7[%swap3A_494, %swap3A_495], %swap3A_498 {strides = array<i32>} : memref<3x80xi32, #tpu.memory_space<vmem>>, vector<1x16xi32>,
        %and3A_499 = arith.constant 16383 : i32
        %and3A_500 = vector.broadcast %and3A_499 : i32 to vector<16xi32>
        %and3A_501 = arith.andi %get3A_489, %and3A_500 : vector<16xi32>
        %swap3A_502 = arith.constant 2 : i32
        %swap3A_503 = arith.index_cast %swap3A_502 : i32 to index
        %swap3A_504 = arith.constant 32 : index
        %swap3A_505 = tpu.vector_load %arg8[%swap3A_503, %swap3A_504] {strides = array<i32>} : memref<3x80xi32, #tpu.memory_space<vmem>>, vector<1x16xi32>,
        %swap3A_506 = vector.shape_cast %swap3A_505 : vector<1x16xi32> to vector<16xi32>
        %swap3A_507 = vector.shape_cast %and3A_501 : vector<16xi32> to vector<1x16xi32>
        tpu.vector_store %arg8[%swap3A_503, %swap3A_504], %swap3A_507 {strides = array<i32>} : memref<3x80xi32, #tpu.memory_space<vmem>>, vector<1x16xi32>,
        %get3A_508 = arith.index_cast %add3A_441 : i32 to index
        %get3A_509 = arith.constant 48 : index
        %get3A_510 = tpu.vector_load %arg6[%get3A_508, %get3A_509] {strides = array<i32>} : memref<125x80xi32, #tpu.memory_space<vmem>>, vector<1x16xi32>,
        %get3A_511 = vector.shape_cast %get3A_510 : vector<1x16xi32> to vector<16xi32>
        %shift_right_logical3A_512 = arith.constant 14 : i32
        %shift_right_logical3A_513 = vector.broadcast %shift_right_logical3A_512 : i32 to vector<16xi32>
        %shift_right_logical3A_514 = arith.shrui %get3A_511, %shift_right_logical3A_513 : vector<16xi32>
        %swap3A_515 = arith.constant 2 : i32
        %swap3A_516 = arith.index_cast %swap3A_515 : i32 to index
        %swap3A_517 = arith.constant 48 : index
        %swap3A_518 = tpu.vector_load %arg7[%swap3A_516, %swap3A_517] {strides = array<i32>} : memref<3x80xi32, #tpu.memory_space<vmem>>, vector<1x16xi32>,
        %swap3A_519 = vector.shape_cast %swap3A_518 : vector<1x16xi32> to vector<16xi32>
        %swap3A_520 = vector.shape_cast %shift_right_logical3A_514 : vector<16xi32> to vector<1x16xi32>
        tpu.vector_store %arg7[%swap3A_516, %swap3A_517], %swap3A_520 {strides = array<i32>} : memref<3x80xi32, #tpu.memory_space<vmem>>, vector<1x16xi32>,
        %and3A_521 = arith.constant 16383 : i32
        %and3A_522 = vector.broadcast %and3A_521 : i32 to vector<16xi32>
        %and3A_523 = arith.andi %get3A_511, %and3A_522 : vector<16xi32>
        %swap3A_524 = arith.constant 2 : i32
        %swap3A_525 = arith.index_cast %swap3A_524 : i32 to index
        %swap3A_526 = arith.constant 48 : index
        %swap3A_527 = tpu.vector_load %arg8[%swap3A_525, %swap3A_526] {strides = array<i32>} : memref<3x80xi32, #tpu.memory_space<vmem>>, vector<1x16xi32>,
        %swap3A_528 = vector.shape_cast %swap3A_527 : vector<1x16xi32> to vector<16xi32>
        %swap3A_529 = vector.shape_cast %and3A_523 : vector<16xi32> to vector<1x16xi32>
        tpu.vector_store %arg8[%swap3A_525, %swap3A_526], %swap3A_529 {strides = array<i32>} : memref<3x80xi32, #tpu.memory_space<vmem>>, vector<1x16xi32>,
        %get3A_530 = arith.index_cast %add3A_441 : i32 to index
        %get3A_531 = arith.constant 64 : index
        %get3A_532 = tpu.vector_load %arg6[%get3A_530, %get3A_531] {strides = array<i32>} : memref<125x80xi32, #tpu.memory_space<vmem>>, vector<1x16xi32>,
        %get3A_533 = vector.shape_cast %get3A_532 : vector<1x16xi32> to vector<16xi32>
        %shift_right_logical3A_534 = arith.constant 14 : i32
        %shift_right_logical3A_535 = vector.broadcast %shift_right_logical3A_534 : i32 to vector<16xi32>
        %shift_right_logical3A_536 = arith.shrui %get3A_533, %shift_right_logical3A_535 : vector<16xi32>
        %swap3A_537 = arith.constant 2 : i32
        %swap3A_538 = arith.index_cast %swap3A_537 : i32 to index
        %swap3A_539 = arith.constant 64 : index
        %swap3A_540 = tpu.vector_load %arg7[%swap3A_538, %swap3A_539] {strides = array<i32>} : memref<3x80xi32, #tpu.memory_space<vmem>>, vector<1x16xi32>,
        %swap3A_541 = vector.shape_cast %swap3A_540 : vector<1x16xi32> to vector<16xi32>
        %swap3A_542 = vector.shape_cast %shift_right_logical3A_536 : vector<16xi32> to vector<1x16xi32>
        tpu.vector_store %arg7[%swap3A_538, %swap3A_539], %swap3A_542 {strides = array<i32>} : memref<3x80xi32, #tpu.memory_space<vmem>>, vector<1x16xi32>,
        %and3A_543 = arith.constant 16383 : i32
        %and3A_544 = vector.broadcast %and3A_543 : i32 to vector<16xi32>
        %and3A_545 = arith.andi %get3A_533, %and3A_544 : vector<16xi32>
        %swap3A_546 = arith.constant 2 : i32
        %swap3A_547 = arith.index_cast %swap3A_546 : i32 to index
        %swap3A_548 = arith.constant 64 : index
        %swap3A_549 = tpu.vector_load %arg8[%swap3A_547, %swap3A_548] {strides = array<i32>} : memref<3x80xi32, #tpu.memory_space<vmem>>, vector<1x16xi32>,
        %swap3A_550 = vector.shape_cast %swap3A_549 : vector<1x16xi32> to vector<16xi32>
        %swap3A_551 = vector.shape_cast %and3A_545 : vector<16xi32> to vector<1x16xi32>
        tpu.vector_store %arg8[%swap3A_547, %swap3A_548], %swap3A_551 {strides = array<i32>} : memref<3x80xi32, #tpu.memory_space<vmem>>, vector<1x16xi32>,
        %dma_start3A_552 = arith.constant 2 : i32
        %dma_start3A_553 = arith.constant 0 : i32
        %dma_start3A_554 = tpu.memref_slice %arg7[%dma_start3A_552, %dma_start3A_553] : memref<3x80xi32, #tpu.memory_space<vmem>> -> memref<1x80xi32, #tpu.memory_space<vmem>>
        %dma_start3A_555 = tpu.memref_squeeze %dma_start3A_554 : memref<1x80xi32, #tpu.memory_space<vmem>> -> memref<80xi32, #tpu.memory_space<vmem>>
        %dma_start3A_556 = arith.constant 0 : i32
        %dma_start3A_557 = arith.constant 0 : i32
        %dma_start3A_558 = tpu.memref_slice %arg2[%dma_start3A_556, %dma_start3A_557] : memref<10240x128xf32, #tpu.memory_space<hbm>> -> memref<10240x128xf32, #tpu.memory_space<hbm>>
        tpu.enqueue_indirect_dma source(%dma_start3A_558 : memref<10240x128xf32, #tpu.memory_space<hbm>>) target(%arg11 : memref<80x128xf32, #tpu.memory_space<vmem>>) offsets(%dma_start3A_555 : memref<80xi32, #tpu.memory_space<vmem>>) semaphore(%arg15 : memref<!tpu.dma_semaphore, #tpu.memory_space<semaphore_mem>>)
      } else {
      }
    }
    %scan3A_370 = arith.constant 41 : i32
    %dma_wait3A = arith.constant 0 : i32
    %dma_wait3A_371 = arith.constant 0 : i32
    %dma_wait3A_372 = tpu.memref_slice %arg2[%dma_wait3A, %dma_wait3A_371] : memref<10240x128xf32, #tpu.memory_space<hbm>> -> memref<80x128xf32, #tpu.memory_space<hbm>>
    %dma_wait3A_373 = arith.constant 0 : i32
    %dma_wait3A_374 = arith.constant 0 : i32
    %dma_wait3A_375 = tpu.memref_slice %arg2[%dma_wait3A_373, %dma_wait3A_374] : memref<10240x128xf32, #tpu.memory_space<hbm>> -> memref<80x128xf32, #tpu.memory_space<hbm>>
    tpu.wait_dma2 semaphore(%arg13 : memref<!tpu.dma_semaphore, #tpu.memory_space<semaphore_mem>>) src(%dma_wait3A_375 : memref<80x128xf32, #tpu.memory_space<hbm>>) dst(%arg9 : memref<80x128xf32, #tpu.memory_space<vmem>>)
    %run_scoped3A = arith.constant 0 : i32
    "tpu.region"() ({
      %run_scoped3A_388 = tpu.sem_alloc : memref<!tpu.dma_semaphore, #tpu.memory_space<semaphore_mem>>
      %dma_start3A_389 = arith.constant 0 : i32
      %dma_start3A_390 = tpu.memref_slice %arg8[%run_scoped3A, %dma_start3A_389] : memref<3x80xi32, #tpu.memory_space<vmem>> -> memref<1x80xi32, #tpu.memory_space<vmem>>
      %dma_start3A_391 = tpu.memref_squeeze %dma_start3A_390 : memref<1x80xi32, #tpu.memory_space<vmem>> -> memref<80xi32, #tpu.memory_space<vmem>>
      %dma_start3A_392 = arith.constant 0 : i32
      %dma_start3A_393 = arith.constant 0 : i32
      %dma_start3A_394 = tpu.memref_slice %arg12[%dma_start3A_392, %dma_start3A_393] : memref<10240x128xf32, #tpu.memory_space<vmem_shared>> -> memref<10240x128xf32, #tpu.memory_space<vmem_shared>>
      tpu.enqueue_indirect_dma source(%arg9 : memref<80x128xf32, #tpu.memory_space<vmem>>) target(%dma_start3A_394 : memref<10240x128xf32, #tpu.memory_space<vmem_shared>>) offsets(%dma_start3A_391 : memref<80xi32, #tpu.memory_space<vmem>>) semaphore(%run_scoped3A_388 : memref<!tpu.dma_semaphore, #tpu.memory_space<semaphore_mem>>) {add = true}
      %dma_wait3A_395 = arith.constant 0 : i32
      %dma_wait3A_396 = tpu.memref_slice %arg8[%run_scoped3A, %dma_wait3A_395] : memref<3x80xi32, #tpu.memory_space<vmem>> -> memref<1x80xi32, #tpu.memory_space<vmem>>
      %dma_wait3A_397 = tpu.memref_squeeze %dma_wait3A_396 : memref<1x80xi32, #tpu.memory_space<vmem>> -> memref<80xi32, #tpu.memory_space<vmem>>
      %dma_wait3A_398 = arith.constant 0 : i32
      %dma_wait3A_399 = arith.constant 0 : i32
      %dma_wait3A_400 = tpu.memref_slice %arg12[%dma_wait3A_398, %dma_wait3A_399] : memref<10240x128xf32, #tpu.memory_space<vmem_shared>> -> memref<10240x128xf32, #tpu.memory_space<vmem_shared>>
      tpu.wait_indirect_dma semaphore(%run_scoped3A_388 : memref<!tpu.dma_semaphore, #tpu.memory_space<semaphore_mem>>) src(%arg9 : memref<80x128xf32, #tpu.memory_space<vmem>>) dst(%dma_wait3A_400 : memref<10240x128xf32, #tpu.memory_space<vmem_shared>>)
      tpu.yield
    }) : () -> ()
    %dma_wait3A_376 = arith.constant 0 : i32
    %dma_wait3A_377 = arith.constant 0 : i32
    %dma_wait3A_378 = tpu.memref_slice %arg2[%dma_wait3A_376, %dma_wait3A_377] : memref<10240x128xf32, #tpu.memory_space<hbm>> -> memref<80x128xf32, #tpu.memory_space<hbm>>
    %dma_wait3A_379 = arith.constant 0 : i32
    %dma_wait3A_380 = arith.constant 0 : i32
    %dma_wait3A_381 = tpu.memref_slice %arg2[%dma_wait3A_379, %dma_wait3A_380] : memref<10240x128xf32, #tpu.memory_space<hbm>> -> memref<80x128xf32, #tpu.memory_space<hbm>>
    tpu.wait_dma2 semaphore(%arg14 : memref<!tpu.dma_semaphore, #tpu.memory_space<semaphore_mem>>) src(%dma_wait3A_381 : memref<80x128xf32, #tpu.memory_space<hbm>>) dst(%arg10 : memref<80x128xf32, #tpu.memory_space<vmem>>)
    %run_scoped3A_382 = arith.constant 1 : i32
    "tpu.region"() ({
      %run_scoped3A_388 = tpu.sem_alloc : memref<!tpu.dma_semaphore, #tpu.memory_space<semaphore_mem>>
      %dma_start3A_389 = arith.constant 0 : i32
      %dma_start3A_390 = tpu.memref_slice %arg8[%run_scoped3A_382, %dma_start3A_389] : memref<3x80xi32, #tpu.memory_space<vmem>> -> memref<1x80xi32, #tpu.memory_space<vmem>>
      %dma_start3A_391 = tpu.memref_squeeze %dma_start3A_390 : memref<1x80xi32, #tpu.memory_space<vmem>> -> memref<80xi32, #tpu.memory_space<vmem>>
      %dma_start3A_392 = arith.constant 0 : i32
      %dma_start3A_393 = arith.constant 0 : i32
      %dma_start3A_394 = tpu.memref_slice %arg12[%dma_start3A_392, %dma_start3A_393] : memref<10240x128xf32, #tpu.memory_space<vmem_shared>> -> memref<10240x128xf32, #tpu.memory_space<vmem_shared>>
      tpu.enqueue_indirect_dma source(%arg10 : memref<80x128xf32, #tpu.memory_space<vmem>>) target(%dma_start3A_394 : memref<10240x128xf32, #tpu.memory_space<vmem_shared>>) offsets(%dma_start3A_391 : memref<80xi32, #tpu.memory_space<vmem>>) semaphore(%run_scoped3A_388 : memref<!tpu.dma_semaphore, #tpu.memory_space<semaphore_mem>>) {add = true}
      %dma_wait3A_395 = arith.constant 0 : i32
      %dma_wait3A_396 = tpu.memref_slice %arg8[%run_scoped3A_382, %dma_wait3A_395] : memref<3x80xi32, #tpu.memory_space<vmem>> -> memref<1x80xi32, #tpu.memory_space<vmem>>
      %dma_wait3A_397 = tpu.memref_squeeze %dma_wait3A_396 : memref<1x80xi32, #tpu.memory_space<vmem>> -> memref<80xi32, #tpu.memory_space<vmem>>
      %dma_wait3A_398 = arith.constant 0 : i32
      %dma_wait3A_399 = arith.constant 0 : i32
      %dma_wait3A_400 = tpu.memref_slice %arg12[%dma_wait3A_398, %dma_wait3A_399] : memref<10240x128xf32, #tpu.memory_space<vmem_shared>> -> memref<10240x128xf32, #tpu.memory_space<vmem_shared>>
      tpu.wait_indirect_dma semaphore(%run_scoped3A_388 : memref<!tpu.dma_semaphore, #tpu.memory_space<semaphore_mem>>) src(%arg10 : memref<80x128xf32, #tpu.memory_space<vmem>>) dst(%dma_wait3A_400 : memref<10240x128xf32, #tpu.memory_space<vmem_shared>>)
      tpu.yield
    }) : () -> ()
    %barrier3A_383 = arith.constant 0 : index
    tpu.barrier barrier_id(%barrier3A_383)
    %mul3A_384 = arith.constant 640 : i32
    %mul3A_385 = arith.muli %arg1, %mul3A_384 : i32
    %mul3A_386 = arith.constant 640 : i32
    %mul3A_387 = arith.muli %arg1, %mul3A_386 : i32
    "tpu.region"() ({
      %run_scoped3A_388 = tpu.sem_alloc : memref<!tpu.dma_semaphore, #tpu.memory_space<semaphore_mem>>
      %dma_start3A_389 = arith.constant 0 : i32
      %dma_start3A_390 = tpu.memref_slice %arg5[%arg0, %mul3A_387, %dma_start3A_389] : memref<2x10240x128xf32, #tpu.memory_space<hbm>> -> memref<1x640x128xf32, #tpu.memory_space<hbm>>
      %dma_start3A_391 = tpu.memref_squeeze %dma_start3A_390 : memref<1x640x128xf32, #tpu.memory_space<hbm>> -> memref<640x128xf32, #tpu.memory_space<hbm>>
      %dma_start3A_392 = arith.constant 0 : i32
      %dma_start3A_393 = tpu.memref_slice %arg12[%mul3A_385, %dma_start3A_392] : memref<10240x128xf32, #tpu.memory_space<vmem_shared>> -> memref<640x128xf32, #tpu.memory_space<vmem_shared>>
      tpu.enqueue_dma source(%dma_start3A_393 : memref<640x128xf32, #tpu.memory_space<vmem_shared>>) target(%dma_start3A_391 : memref<640x128xf32, #tpu.memory_space<hbm>>) target_semaphore(%run_scoped3A_388 : memref<!tpu.dma_semaphore, #tpu.memory_space<semaphore_mem>>)
      %dma_wait3A_394 = arith.constant 0 : i32
      %dma_wait3A_395 = tpu.memref_slice %arg5[%arg0, %mul3A_387, %dma_wait3A_394] : memref<2x10240x128xf32, #tpu.memory_space<hbm>> -> memref<1x640x128xf32, #tpu.memory_space<hbm>>
      %dma_wait3A_396 = tpu.memref_squeeze %dma_wait3A_395 : memref<1x640x128xf32, #tpu.memory_space<hbm>> -> memref<640x128xf32, #tpu.memory_space<hbm>>
      %dma_wait3A_397 = arith.constant 0 : i32
      %dma_wait3A_398 = tpu.memref_slice %arg12[%mul3A_385, %dma_wait3A_397] : memref<10240x128xf32, #tpu.memory_space<vmem_shared>> -> memref<640x128xf32, #tpu.memory_space<vmem_shared>>
      tpu.wait_dma2 semaphore(%run_scoped3A_388 : memref<!tpu.dma_semaphore, #tpu.memory_space<semaphore_mem>>) src(%dma_wait3A_398 : memref<640x128xf32, #tpu.memory_space<vmem_shared>>) dst(%dma_wait3A_396 : memref<640x128xf32, #tpu.memory_space<hbm>>)
      tpu.yield
    }) : () -> ()
    return
  }
}

module attributes {stable_mosaic.version = 14 : i64} {
  func.func @_scale_body(%arg0: i32, %arg1: memref<512x2xf32, #tpu.memory_space<vmem>>, %arg2: memref<512x128xf32, #tpu.memory_space<vmem>>, %arg3: memref<512x128xf32, #tpu.memory_space<vmem>>) attributes {dimension_semantics = [#tpu.dimension_semantics<arbitrary>], iteration_bounds = array<i64: 20>, scalar_prefetch = 0 : i64, scratch_operands = 0 : i64, tpu.core_type = #tpu.core_type<tc>, window_params = [{transform_indices = @transform_0, window_bounds = array<i64: 512, 2>}, {transform_indices = @transform_1, window_bounds = array<i64: 512, 128>}, {transform_indices = @transform_2, window_bounds = array<i64: 512, 128>}]} {
    %get3A = arith.constant 0 : index
    %get3A_0 = arith.constant 0 : index
    %get3A_1 = vector.load %arg2[%get3A, %get3A_0] : memref<512x128xf32, #tpu.memory_space<vmem>>, vector<512x128xf32>
    %get3A_2 = arith.constant 0 : index
    %get3A_3 = arith.constant 0 : index
    %get3A_4 = vector.load %arg1[%get3A_2, %get3A_3] : memref<512x2xf32, #tpu.memory_space<vmem>>, vector<512x1xf32>
    %get3A_5 = arith.constant 0 : index
    %get3A_6 = arith.constant 1 : index
    %get3A_7 = vector.load %arg1[%get3A_5, %get3A_6] : memref<512x2xf32, #tpu.memory_space<vmem>>, vector<512x1xf32>
    %add3A = arith.addf %get3A_4, %get3A_7 : vector<512x1xf32>
    %add3A_8 = arith.constant 1.000000e+00 : f32
    %add3A_9 = vector.broadcast %add3A_8 : f32 to vector<512x1xf32>
    %add3A_10 = arith.addf %add3A, %add3A_9 : vector<512x1xf32>
    %rsqrt3A = math.rsqrt %add3A_10 : vector<512x1xf32>
    %mul3A = vector.broadcast %rsqrt3A : vector<512x1xf32> to vector<512x128xf32>
    %mul3A_11 = arith.mulf %get3A_1, %mul3A : vector<512x128xf32>
    %swap3A = arith.constant 0 : index
    %swap3A_12 = arith.constant 0 : index
    %swap3A_13 = vector.load %arg3[%swap3A, %swap3A_12] : memref<512x128xf32, #tpu.memory_space<vmem>>, vector<512x128xf32>
    tpu.vector_store %arg3[%swap3A, %swap3A_12], %mul3A_11 {strides = array<i32>} : memref<512x128xf32, #tpu.memory_space<vmem>>, vector<512x128xf32>,
    return
  }
  func.func @transform_0(%arg0: i32) -> (i32, i32) {
    %c0_i32 = arith.constant 0 : i32
    %c0_i32_0 = arith.constant 0 : i32
    return %arg0, %c0_i32 : i32, i32
  }
  func.func @transform_1(%arg0: i32) -> (i32, i32) {
    %c0_i32 = arith.constant 0 : i32
    %c0_i32_0 = arith.constant 0 : i32
    return %arg0, %c0_i32 : i32, i32
  }
  func.func @transform_2(%arg0: i32) -> (i32, i32) {
    %c0_i32 = arith.constant 0 : i32
    %c0_i32_0 = arith.constant 0 : i32
    return %arg0, %c0_i32 : i32, i32
  }
}

module attributes {stable_mosaic.version = 14 : i64} {
  func.func @_mm_body(%arg0: i32, %arg1: memref<512x2xf32, #tpu.memory_space<vmem>>, %arg2: memref<512x128xf32, #tpu.memory_space<vmem>>, %arg3: memref<512x128xf32, #tpu.memory_space<vmem>>, %arg4: memref<512x128xf32, #tpu.memory_space<vmem>>, %arg5: memref<128x256xf32, #tpu.memory_space<vmem>>, %arg6: memref<1x256xf32, #tpu.memory_space<vmem>>, %arg7: memref<256x128xf32, #tpu.memory_space<vmem>>, %arg8: memref<512x128xf32, #tpu.memory_space<vmem>>) attributes {dimension_semantics = [#tpu.dimension_semantics<arbitrary>], iteration_bounds = array<i64: 20>, scalar_prefetch = 0 : i64, scratch_operands = 0 : i64, tpu.core_type = #tpu.core_type<tc>, window_params = [{transform_indices = @transform_0, window_bounds = array<i64: 512, 2>}, {transform_indices = @transform_1, window_bounds = array<i64: 512, 128>}, {transform_indices = @transform_2, window_bounds = array<i64: 512, 128>}, {transform_indices = @transform_3, window_bounds = array<i64: 512, 128>}, {pipeline_mode = #tpu.pipeline_mode<synchronous>, transform_indices = @transform_4, window_bounds = array<i64: 128, 256>}, {pipeline_mode = #tpu.pipeline_mode<synchronous>, transform_indices = @transform_5, window_bounds = array<i64: 1, 256>}, {pipeline_mode = #tpu.pipeline_mode<synchronous>, transform_indices = @transform_6, window_bounds = array<i64: 256, 128>}, {transform_indices = @transform_7, window_bounds = array<i64: 512, 128>}]} {
    %get3A = arith.constant 0 : index
    %get3A_0 = arith.constant 0 : index
    %get3A_1 = vector.load %arg1[%get3A, %get3A_0] : memref<512x2xf32, #tpu.memory_space<vmem>>, vector<512x1xf32>
    %get3A_2 = arith.constant 0 : index
    %get3A_3 = arith.constant 1 : index
    %get3A_4 = vector.load %arg1[%get3A_2, %get3A_3] : memref<512x2xf32, #tpu.memory_space<vmem>>, vector<512x1xf32>
    %add3A = arith.addf %get3A_1, %get3A_4 : vector<512x1xf32>
    %add3A_5 = arith.constant 1.000000e+00 : f32
    %add3A_6 = vector.broadcast %add3A_5 : f32 to vector<512x1xf32>
    %add3A_7 = arith.addf %add3A, %add3A_6 : vector<512x1xf32>
    %rsqrt3A = math.rsqrt %add3A_7 : vector<512x1xf32>
    %get3A_8 = arith.constant 0 : index
    %get3A_9 = arith.constant 0 : index
    %get3A_10 = vector.load %arg2[%get3A_8, %get3A_9] : memref<512x128xf32, #tpu.memory_space<vmem>>, vector<512x128xf32>
    %get3A_11 = arith.constant 0 : index
    %get3A_12 = arith.constant 0 : index
    %get3A_13 = vector.load %arg3[%get3A_11, %get3A_12] : memref<512x128xf32, #tpu.memory_space<vmem>>, vector<512x128xf32>
    %add3A_14 = arith.addf %get3A_10, %get3A_13 : vector<512x128xf32>
    %get3A_15 = arith.constant 0 : index
    %get3A_16 = arith.constant 0 : index
    %get3A_17 = vector.load %arg4[%get3A_15, %get3A_16] : memref<512x128xf32, #tpu.memory_space<vmem>>, vector<512x128xf32>
    %add3A_18 = arith.addf %add3A_14, %get3A_17 : vector<512x128xf32>
    %mul3A = vector.broadcast %rsqrt3A : vector<512x1xf32> to vector<512x128xf32>
    %mul3A_19 = arith.mulf %add3A_18, %mul3A : vector<512x128xf32>
    %get3A_20 = arith.constant 0 : index
    %get3A_21 = arith.constant 0 : index
    %get3A_22 = vector.load %arg5[%get3A_20, %get3A_21] : memref<128x256xf32, #tpu.memory_space<vmem>>, vector<128x256xf32>
    %dot_general3A = arith.constant dense<0.000000e+00> : vector<512x256xf32>
    %dot_general3A_23 = tpu.matmul %mul3A_19, %get3A_22, %dot_general3A {dimension_numbers = #tpu.dot_dimension_numbers<[1], [0], [0], [1], [0, 0, 1, 1], [], []>, transpose_lhs_hint = false} : vector<512x128xf32>, vector<128x256xf32>, vector<512x256xf32> -> vector<512x256xf32>
    %get3A_24 = arith.constant 0 : index
    %get3A_25 = arith.constant 0 : index
    %get3A_26 = vector.load %arg6[%get3A_24, %get3A_25] : memref<1x256xf32, #tpu.memory_space<vmem>>, vector<1x256xf32>
    %add3A_27 = vector.broadcast %get3A_26 : vector<1x256xf32> to vector<512x256xf32>
    %add3A_28 = arith.addf %dot_general3A_23, %add3A_27 : vector<512x256xf32>
    %max3A = arith.constant 0.000000e+00 : f32
    %max3A_29 = vector.broadcast %max3A : f32 to vector<512x256xf32>
    %max3A_30 = arith.maximumf %add3A_28, %max3A_29 : vector<512x256xf32>
    %get3A_31 = arith.constant 0 : index
    %get3A_32 = arith.constant 0 : index
    %get3A_33 = vector.load %arg7[%get3A_31, %get3A_32] : memref<256x128xf32, #tpu.memory_space<vmem>>, vector<256x128xf32>
    %dot_general3A_34 = arith.constant dense<0.000000e+00> : vector<512x128xf32>
    %dot_general3A_35 = tpu.matmul %max3A_30, %get3A_33, %dot_general3A_34 {dimension_numbers = #tpu.dot_dimension_numbers<[1], [0], [0], [1], [0, 0, 1, 1], [], []>, transpose_lhs_hint = false} : vector<512x256xf32>, vector<256x128xf32>, vector<512x128xf32> -> vector<512x128xf32>
    %mul3A_36 = vector.broadcast %rsqrt3A : vector<512x1xf32> to vector<512x128xf32>
    %mul3A_37 = arith.mulf %dot_general3A_35, %mul3A_36 : vector<512x128xf32>
    %swap3A = arith.constant 0 : index
    %swap3A_38 = arith.constant 0 : index
    %swap3A_39 = vector.load %arg8[%swap3A, %swap3A_38] : memref<512x128xf32, #tpu.memory_space<vmem>>, vector<512x128xf32>
    tpu.vector_store %arg8[%swap3A, %swap3A_38], %mul3A_37 {strides = array<i32>} : memref<512x128xf32, #tpu.memory_space<vmem>>, vector<512x128xf32>,
    return
  }
  func.func @transform_0(%arg0: i32) -> (i32, i32) {
    %c0_i32 = arith.constant 0 : i32
    %c0_i32_0 = arith.constant 0 : i32
    return %arg0, %c0_i32 : i32, i32
  }
  func.func @transform_1(%arg0: i32) -> (i32, i32) {
    %c0_i32 = arith.constant 0 : i32
    %c0_i32_0 = arith.constant 0 : i32
    return %arg0, %c0_i32 : i32, i32
  }
  func.func @transform_2(%arg0: i32) -> (i32, i32) {
    %c0_i32 = arith.constant 0 : i32
    %c0_i32_0 = arith.constant 0 : i32
    return %arg0, %c0_i32 : i32, i32
  }
  func.func @transform_3(%arg0: i32) -> (i32, i32) {
    %c0_i32 = arith.constant 0 : i32
    %c0_i32_0 = arith.constant 0 : i32
    return %arg0, %c0_i32 : i32, i32
  }
  func.func @transform_4(%arg0: i32) -> (i32, i32) {
    %c0_i32 = arith.constant 0 : i32
    %c0_i32_0 = arith.constant 0 : i32
    %c0_i32_1 = arith.constant 0 : i32
    return %c0_i32, %c0_i32_0 : i32, i32
  }
  func.func @transform_5(%arg0: i32) -> (i32, i32) {
    %c0_i32 = arith.constant 0 : i32
    %c0_i32_0 = arith.constant 0 : i32
    %c0_i32_1 = arith.constant 0 : i32
    return %c0_i32, %c0_i32_0 : i32, i32
  }
  func.func @transform_6(%arg0: i32) -> (i32, i32) {
    %c0_i32 = arith.constant 0 : i32
    %c0_i32_0 = arith.constant 0 : i32
    %c0_i32_1 = arith.constant 0 : i32
    return %c0_i32, %c0_i32_0 : i32, i32
  }
  func.func @transform_7(%arg0: i32) -> (i32, i32) {
    %c0_i32 = arith.constant 0 : i32
    %c0_i32_0 = arith.constant 0 : i32
    return %arg0, %c0_i32 : i32, i32
  }
}

module attributes {stable_mosaic.version = 14 : i64} {
  func.func @_fin_body(%arg0: i32, %arg1: memref<512x2xf32, #tpu.memory_space<vmem>>, %arg2: memref<512x128xf32, #tpu.memory_space<vmem>>, %arg3: memref<512x128xf32, #tpu.memory_space<vmem>>, %arg4: memref<512x128xf32, #tpu.memory_space<vmem>>, %arg5: memref<1x128xf32, #tpu.memory_space<vmem>>, %arg6: memref<512x128xf32, #tpu.memory_space<vmem>>) attributes {dimension_semantics = [#tpu.dimension_semantics<arbitrary>], iteration_bounds = array<i64: 20>, scalar_prefetch = 0 : i64, scratch_operands = 0 : i64, tpu.core_type = #tpu.core_type<tc>, window_params = [{transform_indices = @transform_0, window_bounds = array<i64: 512, 2>}, {transform_indices = @transform_1, window_bounds = array<i64: 512, 128>}, {transform_indices = @transform_2, window_bounds = array<i64: 512, 128>}, {transform_indices = @transform_3, window_bounds = array<i64: 512, 128>}, {pipeline_mode = #tpu.pipeline_mode<synchronous>, transform_indices = @transform_4, window_bounds = array<i64: 1, 128>}, {transform_indices = @transform_5, window_bounds = array<i64: 512, 128>}]} {
    %get3A = arith.constant 0 : index
    %get3A_0 = arith.constant 0 : index
    %get3A_1 = vector.load %arg1[%get3A, %get3A_0] : memref<512x2xf32, #tpu.memory_space<vmem>>, vector<512x1xf32>
    %get3A_2 = arith.constant 0 : index
    %get3A_3 = arith.constant 1 : index
    %get3A_4 = vector.load %arg1[%get3A_2, %get3A_3] : memref<512x2xf32, #tpu.memory_space<vmem>>, vector<512x1xf32>
    %add3A = arith.addf %get3A_1, %get3A_4 : vector<512x1xf32>
    %add3A_5 = arith.constant 1.000000e+00 : f32
    %add3A_6 = vector.broadcast %add3A_5 : f32 to vector<512x1xf32>
    %add3A_7 = arith.addf %add3A, %add3A_6 : vector<512x1xf32>
    %rsqrt3A = math.rsqrt %add3A_7 : vector<512x1xf32>
    %get3A_8 = arith.constant 0 : index
    %get3A_9 = arith.constant 0 : index
    %get3A_10 = vector.load %arg2[%get3A_8, %get3A_9] : memref<512x128xf32, #tpu.memory_space<vmem>>, vector<512x128xf32>
    %get3A_11 = arith.constant 0 : index
    %get3A_12 = arith.constant 0 : index
    %get3A_13 = vector.load %arg3[%get3A_11, %get3A_12] : memref<512x128xf32, #tpu.memory_space<vmem>>, vector<512x128xf32>
    %add3A_14 = arith.addf %get3A_10, %get3A_13 : vector<512x128xf32>
    %get3A_15 = arith.constant 0 : index
    %get3A_16 = arith.constant 0 : index
    %get3A_17 = vector.load %arg4[%get3A_15, %get3A_16] : memref<512x128xf32, #tpu.memory_space<vmem>>, vector<512x128xf32>
    %add3A_18 = arith.addf %add3A_14, %get3A_17 : vector<512x128xf32>
    %mul3A = vector.broadcast %rsqrt3A : vector<512x1xf32> to vector<512x128xf32>
    %mul3A_19 = arith.mulf %add3A_18, %mul3A : vector<512x128xf32>
    %get3A_20 = arith.constant 0 : index
    %get3A_21 = arith.constant 0 : index
    %get3A_22 = vector.load %arg5[%get3A_20, %get3A_21] : memref<1x128xf32, #tpu.memory_space<vmem>>, vector<1x128xf32>
    %add3A_23 = vector.broadcast %get3A_22 : vector<1x128xf32> to vector<512x128xf32>
    %add3A_24 = arith.addf %mul3A_19, %add3A_23 : vector<512x128xf32>
    %swap3A = arith.constant 0 : index
    %swap3A_25 = arith.constant 0 : index
    %swap3A_26 = vector.load %arg6[%swap3A, %swap3A_25] : memref<512x128xf32, #tpu.memory_space<vmem>>, vector<512x128xf32>
    tpu.vector_store %arg6[%swap3A, %swap3A_25], %add3A_24 {strides = array<i32>} : memref<512x128xf32, #tpu.memory_space<vmem>>, vector<512x128xf32>,
    return
  }
  func.func @transform_0(%arg0: i32) -> (i32, i32) {
    %c0_i32 = arith.constant 0 : i32
    %c0_i32_0 = arith.constant 0 : i32
    return %arg0, %c0_i32 : i32, i32
  }
  func.func @transform_1(%arg0: i32) -> (i32, i32) {
    %c0_i32 = arith.constant 0 : i32
    %c0_i32_0 = arith.constant 0 : i32
    return %arg0, %c0_i32 : i32, i32
  }
  func.func @transform_2(%arg0: i32) -> (i32, i32) {
    %c0_i32 = arith.constant 0 : i32
    %c0_i32_0 = arith.constant 0 : i32
    return %arg0, %c0_i32 : i32, i32
  }
  func.func @transform_3(%arg0: i32) -> (i32, i32) {
    %c0_i32 = arith.constant 0 : i32
    %c0_i32_0 = arith.constant 0 : i32
    return %arg0, %c0_i32 : i32, i32
  }
  func.func @transform_4(%arg0: i32) -> (i32, i32) {
    %c0_i32 = arith.constant 0 : i32
    %c0_i32_0 = arith.constant 0 : i32
    %c0_i32_1 = arith.constant 0 : i32
    return %c0_i32, %c0_i32_0 : i32, i32
  }
  func.func @transform_5(%arg0: i32) -> (i32, i32) {
    %c0_i32 = arith.constant 0 : i32
    %c0_i32_0 = arith.constant 0 : i32
    return %arg0, %c0_i32 : i32, i32
  }
}

</mosaic_0001>

<sc_bundles>
// kernel: kernel.11.cloned.1.call-start
scs
__scs_entry_jumppad:
0x0: {  	(pc) =	sbr.rel $0x88, $3  }
0x1: {  	(tag) =	ssettag $0x0;
	lr =	simm.s32 $0x1  }
0x2: {  	[smem:$0x3F9B] =	sst lr;
	_ =	strace $0xD0000000  }
0x3: {  	_ = 	snop  }
0x4: {  	_ = 	snop  }
0x5: {  	_ = 	snop  }
0x6: {  	_ = 	snop  }
0x7: {  	_ = 	snop  }
__scs_overlays_trampoline_lowered:
0x8: {  	[smem:$0x3FAA] =	sst s0  }
0x9: {  	[smem:$0x3FAB] =	sst s1  }
0xa: {  	[smem:$0x3FAC] =	sst s2  }
0xb: {  	[smem:$0x3FAD] =	sst s3  }
0xc: {  	[smem:$0x3FAE] =	sst s4  }
0xd: {  	[smem:$0x3FAF] =	sst s5  }
0xe: {  	[smem:$0x3FB0] =	sst s6  }
0xf: {  	[smem:$0x3FB1] =	sst s7  }
0x10: {  	[smem:$0x3FB2] =	sst s8  }
0x11: {  	[smem:$0x3FB3] =	sst s9;
	s0 =	simm.s32 @!p0 $0x0  }
0x12: {  	s1 =	sld [smem:$0x3F99];
	s0 =	simm.s32 @p0 $0x1  }
0x13: {  	[smem:$0x3FB4] =	sst s0;
	s0 =	simm.s32 @!p1 $0x0  }
0x14: {  	s2 =	sld [smem:$0x3F98];
	s0 =	simm.s32 @p1 $0x1  }
0x15: {  	[smem:$0x3FB5] =	sst s0;
	s0 =	simm.s32 @!p2 $0x0  }
0x16: {  	s3 =	sld [smem:$0x3FDB];
	s0 =	simm.s32 @p2 $0x1  }
0x17: {  	s4 =	simm.s32 $0x1BF5;
	[smem:$0x3FB7] =	sst s0  }
0x18: {  	s0 =	sld [smem:$0x3F9A];
	_ =	swait.ge [sflag:s4], $0x0  }
0x19: {  	s7 =	sld [smem:$0x3F9B]  }
0x1a: {  	s8 =	sadd.s32 $0xFFFFE003, lr  }
0x1b: {  	s9 =	sadd.s32 $0xFFFFFEF7, lr;
	s5 =	simm.s32 $0xFFFFFFFF;
	p2 =	slt.u32 s8, $0xFFFFF086  }
0x1c: {  	p1 =	slt.u32 s9, $0xF7A;
	s5 =	simm.s32 @!p2 $0x0  }
0x1d: {  	s5 =	simm.s32 @p1 $0x1;
	p0 =	seq.s32 s7, s2  }
0x1e: {  	s7 =	smul.u32 @!p0 $0xF7A, s2;
	p2 =	seq.s32 @!p0 s5, $0x0  }
0x1f: {  	s9 =	smul.u32 $0xF7A, s1;
	s8 =	simm.s32 @!p0 $0x1BF5;
	p2 =	por !p2, p0  }
0x20: {  	[sflag:s8] =	ssyncset.s32 @!p0 $0xFFFFF086;
	s6 =	sadd.s32 @!p0 s3, s7;
	s7 =	simm.s32 @!p0 $0x108  }
0x21: {  	s3 =	sadd.s32 s3, s9;
	s6 =	sadd.s32 @!p0 $0x88, s6;
	s7 =	simm.s32 @p2 $0x1082  }
0x22: {  	[simem:s7], [sflag:s8] =	dma.local @!p0 [hbm:s6], $0xF7A  }
0x23: {  	s9 =	sor.u32 $0xD0000000, s2;
	s6 =	simm.s32 $0x108;
	_ =	swait.ge @!p0 [sflag:s8], $0x0  }
0x24: {  	s3 =	sadd.s32 $0x88, s3;
	s6 =	simm.s32 @!p1 $0x1082;
	[sflag:s4] =	ssyncset.s32 $0xFFFFF086  }
0x25: {  	[simem:s6], [sflag:s4] =	dma.local [hbm:s3], $0xF7A  }
0x26: {  	[smem:$0x3F9B] =	sst s1;
	(tag) =	ssettag s2;
	_ =	strace s9  }
0x27: {  	s1 =	sld [smem:$0x3FAB]  }
0x28: {  	s2 =	sld [smem:$0x3FAC]  }
0x29: {  	s4 =	sld [smem:$0x3FAE]  }
0x2a: {  	p0 =	seq.s32 s5, $0x0;
	s5 =	sld [smem:$0x3FAF]  }
0x2b: {  	s6 =	sld [smem:$0x3FB0]  }
0x2c: {  	s7 =	sld [smem:$0x3FB1]  }
0x2d: {  	s3 =	simm.s32 $0x108;
	s8 =	sld [smem:$0x3FB2]  }
0x2e: {  	s3 =	simm.s32 @!p0 $0x1082;
	s9 =	sld [smem:$0x3FB3]  }
0x2f: {  	lr =	sadd.s32 s0, s3;
	s0 =	sld [smem:$0x3FAA]  }
0x30: {  	s3 =	sld [smem:$0x3FAD]  }
0x31: {  	[smem:$0x3FB6] =	sst s10  }
0x32: {  	s10 =	sld [smem:$0x3FB4];
	_ =	sdelay $0x3  }
0x33: {  	p0 =	seq.s32 s10, $0x1;
	s10 =	sld [smem:$0x3FB6];
	_ =	sdelay $0x3  }
0x34: {  	[smem:$0x3FB6] =	sst s10  }
0x35: {  	s10 =	sld [smem:$0x3FB5];
	_ =	sdelay $0x3  }
0x36: {  	p1 =	seq.s32 s10, $0x1;
	s10 =	sld [smem:$0x3FB6];
	_ =	sdelay $0x3  }
0x37: {  	[smem:$0x3FB6] =	sst s10  }
0x38: {  	s10 =	sld [smem:$0x3FB7]  }
0x39: {  	_ = 	snop;
	(pc) =	sbr.ind lr, $3  }
0x3a: {  	_ = 	snop  }
0x3b: {  	_ = 	snop  }
0x3c: {  	p2 =	seq.s32 s10, $0x1;
	s10 =	sld [smem:$0x3FB6]  }
0x3d: {  	_ =	shalt  }
0x3e: {  	_ =	shalt  }
0x3f: {  	_ =	shalt  }
0x40: {  	_ =	shalt  }
0x41: {  	_ =	shalt  }
0x42: {  	_ =	shalt  }
0x43: {  	_ =	shalt  }
0x44: {  	_ =	shalt  }
0x45: {  	_ =	shalt  }
0x46: {  	_ =	shalt  }
0x47: {  	_ =	shalt  }
0x48: {  	_ =	shalt  }
0x49: {  	_ =	shalt  }
0x4a: {  	_ =	shalt  }
0x4b: {  	_ =	shalt  }
0x4c: {  	_ =	shalt  }
0x4d: {  	_ =	shalt  }
0x4e: {  	_ =	shalt  }
0x4f: {  	_ =	shalt  }
0x50: {  	_ =	shalt  }
0x51: {  	_ =	shalt  }
0x52: {  	_ =	shalt  }
0x53: {  	_ =	shalt  }
0x54: {  	_ =	shalt  }
0x55: {  	_ =	shalt  }
0x56: {  	_ =	shalt  }
0x57: {  	_ =	shalt  }
0x58: {  	_ =	shalt  }
0x59: {  	_ =	shalt  }
0x5a: {  	_ =	shalt  }
0x5b: {  	_ =	shalt  }
0x5c: {  	_ =	shalt  }
0x5d: {  	_ =	shalt  }
0x5e: {  	_ =	shalt  }
0x5f: {  	_ =	shalt  }
0x60: {  	_ =	shalt  }
0x61: {  	_ =	shalt  }
0x62: {  	_ =	shalt  }
0x63: {  	_ =	shalt  }
0x64: {  	_ =	shalt  }
0x65: {  	_ =	shalt  }
0x66: {  	_ =	shalt  }
0x67: {  	_ =	shalt  }
0x68: {  	_ =	shalt  }
0x69: {  	_ =	shalt  }
0x6a: {  	_ =	shalt  }
0x6b: {  	_ =	shalt  }
0x6c: {  	_ =	shalt  }
0x6d: {  	_ =	shalt  }
0x6e: {  	_ =	shalt  }
0x6f: {  	_ =	shalt  }
0x70: {  	_ =	shalt  }
0x71: {  	_ =	shalt  }
0x72: {  	_ =	shalt  }
0x73: {  	_ =	shalt  }
0x74: {  	_ =	shalt  }
0x75: {  	_ =	shalt  }
0x76: {  	_ =	shalt  }
0x77: {  	_ =	shalt  }
0x78: {  	_ =	shalt  }
0x79: {  	_ =	shalt  }
0x7a: {  	_ =	shalt  }
0x7b: {  	_ =	shalt  }
0x7c: {  	_ =	shalt  }
0x7d: {  	_ =	shalt  }
0x7e: {  	_ =	shalt  }
0x7f: {  	_ =	shalt  }
0x80: {  	_ =	shalt  }
0x81: {  	_ =	shalt  }
0x82: {  	_ =	shalt  }
0x83: {  	_ =	shalt  }
0x84: {  	_ =	shalt  }
0x85: {  	_ =	shalt  }
0x86: {  	_ =	shalt  }
0x87: {  	_ =	shalt  }
.Lfunc_end0:
.L_simem_size_0:
called_computation.1_lowered:
.L_overlay_start_0:
0x88: {  	s2 =	sld [smem:$0x3FD9]  }
0x89: {  	s3 =	sld [smem:$0x3FFE];
	_ =	sdelay $0x1  }
0x8a: {  	s1 =	srdreg.scid  }
0x8b: {  	s0 =	sand.u32 $0x1, s1  }
0x8c: {  	s17 =	sshll.u32 s0, $0xA;
	s2 =	sadd.s32 s3, s2  }
0x8d: {  	s2 =	sadd.s32 s2, s17  }
0x8e: {  	[smem:$0x3FC2] =	sst s2  }
0x8f: {  	_ = 	snop  }
0x90: {  	s2 =	sld [smem:$0x3FD0];
	(tm) =	ssettm $0x1  }
0x91: {  	s18 =	sld [smem:$0x3FFB];
	_ =	sdelay $0x3  }
0x92: {  	_ =	strace s18  }
0x93: {  	s3 =	sld [smem:$0x3FFC];
	_ =	sdelay $0x3  }
0x94: {  	_ =	strace s3  }
0x95: {  	s3 =	sld [smem:$0x3FFD];
	_ =	sdelay $0x3  }
0x96: {  	_ =	strace s3  }
0x97: {  	_ =	strace $0x8FFFFFFF  }
0x98: {  	s19 =	sld [smem:$0x3FDB];
	_ =	sdelay $0x1  }
0x99: {  	s4 =	simm.s32 $_scs_section_size  }
0x9a: {  	s5 =	simm.s32 $_size__tile_overlayer_lowered;
	s6 =	simm.s32 $_tile_overlayer_lowered  }
0x9b: {  	s22 =	simm.s32 $0x1BFF;
	s21 =	sshll.u32 s6, $0x1;
	s3 =	sadd.s32 s4, s19  }
0x9c: {  	s7 =	simm.s32 $0x0;
	s20 =	sshll.u32 s5, $0x1;
	s5 =	sadd.s32 s21, s3  }
0x9d: {  	[timem:s7], [sflag:s22] =	dma.local [hbm:s5], s20  }
0x9e: {  	_ =	swait.ge [sflag:s22], s20  }
0x9f: {  	s4 =	ssub.s32 $0x0, s20;
	[sflag:s22] =	ssyncset.done $0x0  }
0xa0: {  	[sflag:s22] =	ssyncadd.s32 s4;
	_ =	sdelay $0x1  }
0xa1: {  	s23 =	simm.s32 $0x1B8B  }
0xa2: {  	_ =	swait.ge [sflag:s23], $0x1  }
0xa3: {  	[sflag:s23] =	ssyncset.done $0x0  }
0xa4: {  	s25 =	simm.s32 $0x1B8E;
	s24 =	sld [smem:$0x3FFE];
	[sflag:s23] =	ssyncadd.s32 $0xFFFFFFFF  }
0xa5: {  	s26 =	simm.s32 $execute0_lowered;
	[smem:$0x3FD2] =	sst s25  }
0xa6: {  	s5 =	sshll.u32 s26, $0x1;
	_ =	strace $0x80000049;
	[dreg:$0x1] =	wrdreg $0xFFFFFFFF  }
0xa7: {  	s28 =	simm.s32 $_size_execute0_lowered;
	s3 =	sadd.s32 s3, s5;
	[dreg:$0x0] =	wrdreg $0x0  }
0xa8: {  	s5 =	sshll.u32 s28, $0x1;
	[dreg:$0x2] =	wrdreg s3  }
0xa9: {  	[dreg:$0x3] =	wrdreg s5  }
0xaa: {  	[dreg:$0x4] =	wrdreg $0xC0  }
0xab: {  	_ =	task [dreg:s7], $0x5FFFF  }
0xac: {  	[dreg:$0x1] =	wrdreg $0xFFFFFFFF  }
0xad: {  	[dreg:$0x0] =	wrdreg $0x60  }
0xae: {  	[dreg:$0x2] =	wrdreg s24  }
0xaf: {  	[dreg:$0x3] =	wrdreg s2  }
0xb0: {  	[dreg:$0x4] =	wrdreg $0xBC000  }
0xb1: {  	[dreg:$0x5] =	wrdreg $0x9  }
0xb2: {  	_ =	task.clear_ibuf [dreg:s7], $0x6FFFF;
	_ =	strace $0x90000049  }
0xb3: {  	s29 =	simm.s32 $0x9;
	_ =	strace $0x8000004B  }
0xb4: {  	_ =	swait.ge [sflag:s29], $0x1  }
0xb5: {  	[sflag:s29] =	ssyncadd.s32 $0xFFFFFFFF  }
0xb6: {  	_ =	strace $0x9000004B  }
0xb7: {  	_ =	sfence  }
0xb8: {  	s30 =	sld [smem:$0x0];
	_ =	sdelay $0x2  }
0xb9: {  	s31 =	sshll.u32 s1, $0xD;
	s1 =	sshrl.u32 s1, $0x2  }
0xba: {  	s3 =	sand.u32 $0x4000, s31;
	s1 =	sadd.s32 s1, s30  }
0xbb: {  	s0 =	sor.u32 s3, s0;
	s1 =	sshll.u32 s1, $0x11  }
0xbc: {  	s0 =	sor.u32 s1, s0  }
0xbd: {  	s0 =	sadd.s32 $0x8F2B, s0  }
0xbe: {  	[sflag:s0] =	ssyncadd.remote.s32 $0x1  }
0xbf: {  	_ =	sfence.sel $0xFFFF  }
0xc0: {  	[dreg:$0x0] =	wrdreg $0xFFFFFFFF;
	(pc) =	sbr.abs _section_cstart, $3  }
0xc1: {  	[dreg:$0x1] =	wrdreg $0xFFFFFFFF  }
0xc2: {  	_ =	task.clear_ibuf [dreg:s7], $0x2FFFF;
	_ =	strace $0x9FFFFFFF  }
0xc3: {  	(tm) =	ssettm $0x7FFFFFFF  }
tec
execute0_lowered:
.L_overlay_start_1:
0x0: {  	(tag) =	ssettag $0x1  }
0x1: {  	s5 =	rddreg [dreg:$0x0]  }
0x2: {  	s6 =	rddreg [dreg:$0x1]  }
0x3: {  	s2 =	rddreg [dreg:$0x2]  }
0x4: {  	s0 =	rddreg [dreg:$0x3];
	s1 =	stileid.u32  }
0x5: {  	s4 =	srdreg.scid;
	s3 =	simm.s32 $0x0;
	s13 =	simm.s32 $0x4000  }
0x6: {  	s14 =	simm.s32 $0x4400;
	s15 =	simm.s32 $0x4080;
	s16 =	simm.s32 $0x6C00  }
0x7: {  	s17 =	simm.s32 $0x4100;
	s18 =	simm.s32 $0x9400;
	s19 =	simm.s32 $0x1  }
0x8: {  	s20 =	simm.s32 $0x4200;
	s21 =	simm.s32 $0x2;
	s22 =	simm.s32 $0x4280  }
0x9: {  	s23 =	simm.s32 $0x3;
	s24 =	simm.s32 $0x4300;
	s25 =	simm.s32 $0x0  }
0xa: {  	s7 =	smul.u32 $0x14000, s1;
	s8 =	sand.u32 $0x1, s4;
	[smem:$0x7FF] =	sst s3  }
0xb: {  	s4 =	sadd.s32 $0x1C00, s5;
	s11 =	smul.u32 $0x50000, s1;
	s12 =	sshll.u32 s1, $0xB  }
0xc: {  	s31 =	sshll.u32 s1, $0x6;
	s9 =	smul.u32 $0x140000, s8;
	_ =	strace $0x8000004A  }
0xd: {  	s29 =	ssub.s32 $0x2, s8;
	s8 =	sshll.u32 s8, $0xF;
	s6 =	sadd.s32 s6, s12  }
0xe: {  	s12 =	simm.s32 $0x50;
	s10 =	sshrl.u32 s7, $0x3;
	s30 =	sshrl.u32 s29, $0x1  }
.Ltmp0:
0xf: {  	s11 =	sshrl.u32 s11, $0x2;
	s7 =	sadd.s32 s7, s9;
	(pc) =	sbr.rel .LBB2_1-.Ltmp0, $4  }
0x10: {  	s10 =	sadd.s32 s10, s5;
	s11 =	sadd.s32 s11, s2;
	s7 =	sshrl.u32 s7, $0x3  }
0x11: {  	s9 =	ssub.s32 s29, s30;
	s11 =	sshrl.u32 s11, $0x3;
	s7 =	sadd.s32 s7, s5  }
0x12: {  	s5 =	sadd.s32 s8, s6;
	s6 =	sadd.s32 $0x29C00, s10;
	s8 =	smax.u32 s9, $0x1  }
0x13: {  	s9 =	simm.s32 $0x4;
	s10 =	sor.u32 $0x1C04, s31;
	s7 =	sadd.s32 $0x51C00, s7  }
.LBB2_4:
0x14: {  	_ =	swait.ge [sflag:s19], $0x2800  }
0x15: {  	[sflag:s19] =	ssyncset.done $0x0  }
0x16: {  	[sflag:s19] =	ssyncadd.s32 $0xFFFFD800  }
0x17: {  	[spmem:s2] =	stream.indirect.scatter.add.f32 [tilespmem:s14], [sflag:$0x4], $0x80, s20, s12, $0xb8;
	[tilespmem:$0x1FC00] =	vst v63  }
0x18: {  	_ =	swait.ge [sflag:s9], $0x2800  }
0x19: {  	[sflag:s9] =	ssyncset.done $0x0  }
0x1a: {  	[sflag:s9] =	ssyncadd.s32 $0xFFFFD800  }
0x1b: {  	_ =	swait.ge [sflag:s21], $0x2800  }
0x1c: {  	[sflag:s21] =	ssyncset.done $0x0  }
0x1d: {  	[sflag:s21] =	ssyncadd.s32 $0xFFFFD800  }
0x1e: {  	[spmem:s2] =	stream.indirect.scatter.add.f32 [tilespmem:s16], [sflag:$0x4], $0x80, s22, s12, $0xb8;
	[tilespmem:$0x1FC00] =	vst v63  }
0x1f: {  	_ =	swait.ge [sflag:s9], $0x2800  }
0x20: {  	s25 =	sadd.s32 $0x1, s25;
	[sflag:s9] =	ssyncset.done $0x0  }
0x21: {  	p0 =	sne.s32 s25, s8;
	[sflag:s9] =	ssyncadd.s32 $0xFFFFD800  }
.Ltmp1:
0x22: {  	[bflag:$0x0] =	sbarrier.arrive $0xFFFF;
	(pc) =	sbr.rel @!p0 .LBB2_5-.Ltmp1, $4  }
0x23: {  	[hbm:s7], [sflag:s10] =	dma.local [spmem:s11], $0x2800  }
0x24: {  	_ =	swait.ge [sflag:s9], $0x2800  }
0x25: {  	[sflag:s9] =	ssyncset.done $0x0  }
0x26: {  	[sflag:s9] =	ssyncadd.s32 $0xFFFFD800  }
.LBB2_1:
0x27: {  	[tilespmem:s3], [sflag:$0x4] =	stream.linear.gather [hbm4b:s5+s3], $0x3E80, $0x38;
	[tilespmem:$0x1FC00] =	vst v63  }
0x28: {  	_ =	swait.ge [sflag:s9], $0x3E80  }
0x29: {  	[sflag:s9] =	ssyncset.done $0x0  }
0x2a: {  	[sflag:s9] =	ssyncadd.s32 $0xFFFFC180  }
0x2b: {  	[spmem:s11], [sflag:s10] =	dma.local [hbm:s6], $0x2800  }
0x2c: {  	_ =	swait.ge [sflag:s9], $0x2800  }
0x2d: {  	[sflag:s9] =	ssyncset.done $0x0  }
0x2e: {  	[sflag:s9] =	ssyncadd.s32 $0xFFFFD800  }
0x2f: {  	[bflag:$0x0] =	sbarrier.arrive $0xFFFF  }
0x30: {  	v0 =	vld [tilespmem:$0x0];
	_ =	sdelay $0x1  }
0x31: {  	v1 =	vld [tilespmem:$0x10];
	_ =	sdelay $0x1  }
0x32: {  	v2 =	vld [tilespmem:$0x20]  }
0x33: {  	v3 =	vshrl.u32 v0, $0xE  }
0x34: {  	v26 =	vld [tilespmem:$0x30];
	v0 =	vand.u32 $0x3FFF, v0;
	[tilespmem:$0x4000] =	vst v3  }
0x35: {  	v27 =	vshrl.u32 v1, $0xE;
	[tilespmem:$0x4200] =	vst v0  }
0x36: {  	v29 =	vld [tilespmem:$0x40];
	v28 =	vand.u32 $0x3FFF, v1;
	[tilespmem:$0x4010] =	vst v27  }
0x37: {  	v30 =	vshrl.u32 v2, $0xE;
	[tilespmem:$0x4210] =	vst v28  }
0x38: {  	v31 =	vand.u32 $0x3FFF, v2;
	[tilespmem:$0x4020] =	vst v30  }
0x39: {  	v32 =	vshrl.u32 v26, $0xE;
	[tilespmem:$0x4220] =	vst v31  }
0x3a: {  	v33 =	vand.u32 $0x3FFF, v26;
	[tilespmem:$0x4030] =	vst v32  }
0x3b: {  	v34 =	vshrl.u32 v29, $0xE;
	[tilespmem:$0x4230] =	vst v33  }
0x3c: {  	v35 =	vand.u32 $0x3FFF, v29;
	[tilespmem:$0x4040] =	vst v34  }
0x3d: {  	[tilespmem:$0x4240] =	vst v35  }
0x3e: {  	[tilespmem:s14], [sflag:$0x1] =	stream.indirect.gather [hbm4b:s4+s12], $0x80, s13, s12, $0xb8;
	[tilespmem:$0x1FC00] =	vst v63  }
0x3f: {  	v36 =	vld [tilespmem:$0x80];
	_ =	sdelay $0x1  }
0x40: {  	v37 =	vld [tilespmem:$0x90];
	_ =	sdelay $0x1  }
0x41: {  	v38 =	vld [tilespmem:$0xA0]  }
0x42: {  	v39 =	vshrl.u32 v36, $0xE  }
0x43: {  	v40 =	vld [tilespmem:$0xB0];
	v0 =	vand.u32 $0x3FFF, v36;
	[tilespmem:$0x4080] =	vst v39  }
0x44: {  	v41 =	vshrl.u32 v37, $0xE;
	[tilespmem:$0x4280] =	vst v0  }
0x45: {  	v43 =	vld [tilespmem:$0xC0];
	v42 =	vand.u32 $0x3FFF, v37;
	[tilespmem:$0x4090] =	vst v41  }
0x46: {  	v44 =	vshrl.u32 v38, $0xE;
	[tilespmem:$0x4290] =	vst v42  }
0x47: {  	v45 =	vand.u32 $0x3FFF, v38;
	[tilespmem:$0x40A0] =	vst v44  }
0x48: {  	v46 =	vshrl.u32 v40, $0xE;
	[tilespmem:$0x42A0] =	vst v45  }
0x49: {  	v47 =	vand.u32 $0x3FFF, v40;
	[tilespmem:$0x40B0] =	vst v46  }
0x4a: {  	v48 =	vshrl.u32 v43, $0xE;
	[tilespmem:$0x42B0] =	vst v47  }
0x4b: {  	v49 =	vand.u32 $0x3FFF, v43;
	[tilespmem:$0x40C0] =	vst v48  }
0x4c: {  	[tilespmem:$0x42C0] =	vst v49  }
0x4d: {  	[tilespmem:s16], [sflag:$0x2] =	stream.indirect.gather [hbm4b:s4+s12], $0x80, s15, s12, $0xb8;
	[tilespmem:$0x1FC00] =	vst v63  }
0x4e: {  	v50 =	vld [tilespmem:$0x100];
	_ =	sdelay $0x1  }
0x4f: {  	v51 =	vld [tilespmem:$0x110];
	_ =	sdelay $0x1  }
0x50: {  	v52 =	vld [tilespmem:$0x120]  }
0x51: {  	v53 =	vshrl.u32 v50, $0xE  }
0x52: {  	v54 =	vld [tilespmem:$0x130];
	v0 =	vand.u32 $0x3FFF, v50;
	[tilespmem:$0x4100] =	vst v53  }
0x53: {  	v55 =	vshrl.u32 v51, $0xE;
	[tilespmem:$0x4300] =	vst v0  }
0x54: {  	v57 =	vld [tilespmem:$0x140];
	v56 =	vand.u32 $0x3FFF, v51;
	[tilespmem:$0x4110] =	vst v55  }
0x55: {  	v58 =	vshrl.u32 v52, $0xE;
	[tilespmem:$0x4310] =	vst v56  }
0x56: {  	v59 =	vand.u32 $0x3FFF, v52;
	[tilespmem:$0x4120] =	vst v58  }
0x57: {  	v60 =	vshrl.u32 v54, $0xE;
	[tilespmem:$0x4320] =	vst v59  }
0x58: {  	v61 =	vand.u32 $0x3FFF, v54;
	[tilespmem:$0x4130] =	vst v60  }
0x59: {  	v62 =	vshrl.u32 v57, $0xE;
	[tilespmem:$0x4330] =	vst v61  }
0x5a: {  	v63 =	vand.u32 $0x3FFF, v57;
	[tilespmem:$0x4140] =	vst v62  }
0x5b: {  	s26 =	simm.s32 $0xB00;
	[tilespmem:$0x4340] =	vst v63  }
0x5c: {  	[tilespmem:s18], [sflag:$0x3] =	stream.indirect.gather [hbm4b:s4+s12], $0x80, s17, s12, $0xb8;
	[tilespmem:$0x1FC00] =	vst v63  }
.LBB2_2:
0x5d: {  	_ =	swait.ge [sflag:s19], $0x2800  }
0x5e: {  	[sflag:s19] =	ssyncset.done $0x0  }
0x5f: {  	[sflag:s19] =	ssyncadd.s32 $0xFFFFD800  }
0x60: {  	[spmem:s2] =	stream.indirect.scatter.add.f32 [tilespmem:s14], [sflag:$0x4], $0x80, s20, s12, $0xb8;
	[tilespmem:$0x1FC00] =	vst v63  }
0x61: {  	_ =	swait.ge [sflag:s9], $0x2800  }
0x62: {  	[sflag:s9] =	ssyncset.done $0x0  }
0x63: {  	s28 =	sshra.s32 s26, $0x2;
	[sflag:s9] =	ssyncadd.s32 $0xFFFFD800  }
0x64: {  	v0 =	vld [tilespmem:s28+$0xFFFFFEC0];
	_ =	sdelay $0x4  }
0x65: {  	v1 =	vshrl.u32 v0, $0xE  }
0x66: {  	v0 =	vand.u32 $0x3FFF, v0;
	[tilespmem:$0x4000] =	vst v1  }
0x67: {  	[tilespmem:$0x4200] =	vst v0  }
0x68: {  	v0 =	vld [tilespmem:s28+$0xFFFFFED0];
	_ =	sdelay $0x4  }
0x69: {  	v54 =	vshrl.u32 v0, $0xE  }
0x6a: {  	v0 =	vand.u32 $0x3FFF, v0;
	[tilespmem:$0x4010] =	vst v54  }
0x6b: {  	[tilespmem:$0x4210] =	vst v0  }
0x6c: {  	v0 =	vld [tilespmem:s28+$0xFFFFFEE0];
	_ =	sdelay $0x4  }
0x6d: {  	v55 =	vshrl.u32 v0, $0xE  }
0x6e: {  	v0 =	vand.u32 $0x3FFF, v0;
	[tilespmem:$0x4020] =	vst v55  }
0x6f: {  	[tilespmem:$0x4220] =	vst v0  }
0x70: {  	v0 =	vld [tilespmem:s28+$0xFFFFFEF0];
	_ =	sdelay $0x4  }
0x71: {  	v56 =	vshrl.u32 v0, $0xE  }
0x72: {  	v0 =	vand.u32 $0x3FFF, v0;
	[tilespmem:$0x4030] =	vst v56  }
0x73: {  	[tilespmem:$0x4230] =	vst v0  }
0x74: {  	v0 =	vld [tilespmem:s28+$0xFFFFFF00];
	_ =	sdelay $0x4  }
0x75: {  	v57 =	vshrl.u32 v0, $0xE  }
0x76: {  	v0 =	vand.u32 $0x3FFF, v0;
	[tilespmem:$0x4040] =	vst v57  }
0x77: {  	[tilespmem:$0x4240] =	vst v0  }
0x78: {  	[tilespmem:s14], [sflag:$0x1] =	stream.indirect.gather [hbm4b:s4+s12], $0x80, s13, s12, $0xb8;
	[tilespmem:$0x1FC00] =	vst v63  }
0x79: {  	_ =	swait.ge [sflag:s21], $0x2800  }
0x7a: {  	[sflag:s21] =	ssyncset.done $0x0  }
0x7b: {  	[sflag:s21] =	ssyncadd.s32 $0xFFFFD800  }
0x7c: {  	[spmem:s2] =	stream.indirect.scatter.add.f32 [tilespmem:s16], [sflag:$0x4], $0x80, s22, s12, $0xb8;
	[tilespmem:$0x1FC00] =	vst v63  }
0x7d: {  	_ =	swait.ge [sflag:s9], $0x2800  }
0x7e: {  	[sflag:s9] =	ssyncset.done $0x0  }
0x7f: {  	[sflag:s9] =	ssyncadd.s32 $0xFFFFD800  }
0x80: {  	v58 =	vld [tilespmem:s28+$0xFFFFFF40];
	_ =	sdelay $0x4  }
0x81: {  	v59 =	vshrl.u32 v58, $0xE  }
0x82: {  	v0 =	vand.u32 $0x3FFF, v58;
	[tilespmem:$0x4080] =	vst v59  }
0x83: {  	[tilespmem:$0x4280] =	vst v0  }
0x84: {  	v0 =	vld [tilespmem:s28+$0xFFFFFF50];
	_ =	sdelay $0x4  }
0x85: {  	v60 =	vshrl.u32 v0, $0xE  }
0x86: {  	v0 =	vand.u32 $0x3FFF, v0;
	[tilespmem:$0x4090] =	vst v60  }
0x87: {  	[tilespmem:$0x4290] =	vst v0  }
0x88: {  	v0 =	vld [tilespmem:s28+$0xFFFFFF60];
	_ =	sdelay $0x4  }
0x89: {  	v61 =	vshrl.u32 v0, $0xE  }
0x8a: {  	v0 =	vand.u32 $0x3FFF, v0;
	[tilespmem:$0x40A0] =	vst v61  }
0x8b: {  	[tilespmem:$0x42A0] =	vst v0  }
0x8c: {  	v0 =	vld [tilespmem:s28+$0xFFFFFF70];
	_ =	sdelay $0x4  }
0x8d: {  	v62 =	vshrl.u32 v0, $0xE  }
0x8e: {  	v0 =	vand.u32 $0x3FFF, v0;
	[tilespmem:$0x40B0] =	vst v62  }
0x8f: {  	[tilespmem:$0x42B0] =	vst v0  }
0x90: {  	v0 =	vld [tilespmem:s28+$0xFFFFFF80];
	_ =	sdelay $0x4  }
0x91: {  	v63 =	vshrl.u32 v0, $0xE  }
0x92: {  	v0 =	vand.u32 $0x3FFF, v0;
	[tilespmem:$0x40C0] =	vst v63  }
0x93: {  	[tilespmem:$0x42C0] =	vst v0  }
0x94: {  	[tilespmem:s16], [sflag:$0x2] =	stream.indirect.gather [hbm4b:s4+s12], $0x80, s15, s12, $0xb8;
	[tilespmem:$0x1FC00] =	vst v63  }
0x95: {  	_ =	swait.ge [sflag:s23], $0x2800  }
0x96: {  	p0 =	seq.s32 s26, $0xFB00;
	[sflag:s23] =	ssyncset.done $0x0  }
.Ltmp2:
0x97: {  	[sflag:s23] =	ssyncadd.s32 $0xFFFFD800;
	(pc) =	sbr.rel @p0 .LBB2_4-.Ltmp2, $4  }
0x98: {  	[spmem:s2] =	stream.indirect.scatter.add.f32 [tilespmem:s18], [sflag:$0x4], $0x80, s24, s12, $0xb8;
	[tilespmem:$0x1FC00] =	vst v63  }
0x99: {  	_ =	swait.ge [sflag:s9], $0x2800  }
0x9a: {  	[sflag:s9] =	ssyncset.done $0x0  }
0x9b: {  	[sflag:s9] =	ssyncadd.s32 $0xFFFFD800  }
0x9c: {  	v0 =	vld [tilespmem:s28+$0xFFFFFFC0];
	_ =	sdelay $0x4  }
0x9d: {  	v1 =	vshrl.u32 v0, $0xE  }
0x9e: {  	v0 =	vand.u32 $0x3FFF, v0;
	[tilespmem:$0x4100] =	vst v1  }
0x9f: {  	[tilespmem:$0x4300] =	vst v0  }
0xa0: {  	v0 =	vld [tilespmem:s28+$0xFFFFFFD0];
	_ =	sdelay $0x4  }
0xa1: {  	v60 =	vshrl.u32 v0, $0xE  }
0xa2: {  	v0 =	vand.u32 $0x3FFF, v0;
	[tilespmem:$0x4110] =	vst v60  }
0xa3: {  	[tilespmem:$0x4310] =	vst v0  }
0xa4: {  	v0 =	vld [tilespmem:s28+$0xFFFFFFE0];
	_ =	sdelay $0x4  }
0xa5: {  	v61 =	vshrl.u32 v0, $0xE  }
0xa6: {  	v0 =	vand.u32 $0x3FFF, v0;
	[tilespmem:$0x4120] =	vst v61  }
0xa7: {  	[tilespmem:$0x4320] =	vst v0  }
0xa8: {  	v0 =	vld [tilespmem:s28+$0xFFFFFFF0];
	_ =	sdelay $0x4  }
0xa9: {  	v62 =	vshrl.u32 v0, $0xE  }
0xaa: {  	v0 =	vand.u32 $0x3FFF, v0;
	[tilespmem:$0x4130] =	vst v62  }
0xab: {  	[tilespmem:$0x4330] =	vst v0  }
0xac: {  	v0 =	vld [tilespmem:s28+$0x0];
	_ =	sdelay $0x3  }
.Ltmp3:
0xad: {  	_ = 	snop;
	(pc) =	sbr.rel .LBB2_2-.Ltmp3, $4  }
0xae: {  	v63 =	vshrl.u32 v0, $0xE  }
0xaf: {  	v0 =	vand.u32 $0x3FFF, v0;
	[tilespmem:$0x4140] =	vst v63  }
0xb0: {  	s26 =	sadd.s32 $0x600, s26;
	[tilespmem:$0x4340] =	vst v0  }
0xb1: {  	[tilespmem:s18], [sflag:$0x3] =	stream.indirect.gather [hbm4b:s4+s12], $0x80, s17, s12, $0xb8;
	[tilespmem:$0x1FC00] =	vst v63  }
.LBB2_5:
0xb2: {  	_ =	sfence.sel $0x180000  }
0xb3: {  	[bflag:$0x0] =	sbarrier.arrive $0xFFFF  }
0xb4: {  	p0 =	sne.s32 s1, $0x0;
	_ =	strace $0x9000004A  }
0xb5: {  	s0 =	sadd.s32 @!p0 $0x100000, s0;
	[bflag:$0x2] =	sbarrier.arrive $0xFFFF  }
0xb6: {  	[sflag:s0] =	ssyncadd.tile.s32 @!p0 $0x1;
	_ =	shalt  }
.Lfunc_end2:
_tile_overlayer_lowered:
.L_overlay_start_2:
0xb7: {  	(tag) =	ssettag $0x2  }
0xb8: {  	s0 =	rddreg [dreg:$0x0];
	s2 =	stileid.u32  }
0xb9: {  	s1 =	rddreg [dreg:$0x1];
	p0 =	sne.s32 s2, $0x0  }
0xba: {  	s3 =	rddreg [dreg:$0x2];
	[bflag:$0x3] =	sbarrier.arrive $0xFFFF;
	s2 =	simm.s32 @!p0 $0x1C04  }
0xbb: {  	[timem:s3], [sflag:s2] =	dma.local @!p0 [hbm:s0], s1  }
0xbc: {  	s0 =	simm.s32 @!p0 $0x4  }
0xbd: {  	_ =	swait.ge @!p0 [sflag:s0], s1  }
0xbe: {  	s1 =	ssub.s32 @!p0 $0x0, s1;
	[sflag:s0] =	ssyncset.done @!p0 $0x0  }
0xbf: {  	[sflag:s0] =	ssyncadd.s32 @!p0 s1  }
0xc0: {  	[bflag:$0x3] =	sbarrier.arrive $0xFFFF  }
0xc1: {  	_ =	shalt  }

// kernel: kernel.14.cloned.1.call-start
scs
__scs_entry_jumppad:
0x0: {  	(pc) =	sbr.rel $0x88, $3  }
0x1: {  	(tag) =	ssettag $0x0;
	lr =	simm.s32 $0x1  }
0x2: {  	[smem:$0x3F9B] =	sst lr;
	_ =	strace $0xD0000000  }
0x3: {  	_ = 	snop  }
0x4: {  	_ = 	snop  }
0x5: {  	_ = 	snop  }
0x6: {  	_ = 	snop  }
0x7: {  	_ = 	snop  }
__scs_overlays_trampoline_lowered:
0x8: {  	[smem:$0x3FAA] =	sst s0  }
0x9: {  	[smem:$0x3FAB] =	sst s1  }
0xa: {  	[smem:$0x3FAC] =	sst s2  }
0xb: {  	[smem:$0x3FAD] =	sst s3  }
0xc: {  	[smem:$0x3FAE] =	sst s4  }
0xd: {  	[smem:$0x3FAF] =	sst s5  }
0xe: {  	[smem:$0x3FB0] =	sst s6  }
0xf: {  	[smem:$0x3FB1] =	sst s7  }
0x10: {  	[smem:$0x3FB2] =	sst s8  }
0x11: {  	[smem:$0x3FB3] =	sst s9;
	s0 =	simm.s32 @!p0 $0x0  }
0x12: {  	s1 =	sld [smem:$0x3F99];
	s0 =	simm.s32 @p0 $0x1  }
0x13: {  	[smem:$0x3FB4] =	sst s0;
	s0 =	simm.s32 @!p1 $0x0  }
0x14: {  	s2 =	sld [smem:$0x3F98];
	s0 =	simm.s32 @p1 $0x1  }
0x15: {  	[smem:$0x3FB5] =	sst s0;
	s0 =	simm.s32 @!p2 $0x0  }
0x16: {  	s3 =	sld [smem:$0x3FDB];
	s0 =	simm.s32 @p2 $0x1  }
0x17: {  	s4 =	simm.s32 $0x1BF5;
	[smem:$0x3FB7] =	sst s0  }
0x18: {  	s0 =	sld [smem:$0x3F9A];
	_ =	swait.ge [sflag:s4], $0x0  }
0x19: {  	s7 =	sld [smem:$0x3F9B]  }
0x1a: {  	s8 =	sadd.s32 $0xFFFFE003, lr  }
0x1b: {  	s9 =	sadd.s32 $0xFFFFFEF7, lr;
	s5 =	simm.s32 $0xFFFFFFFF;
	p2 =	slt.u32 s8, $0xFFFFF086  }
0x1c: {  	p1 =	slt.u32 s9, $0xF7A;
	s5 =	simm.s32 @!p2 $0x0  }
0x1d: {  	s5 =	simm.s32 @p1 $0x1;
	p0 =	seq.s32 s7, s2  }
0x1e: {  	s7 =	smul.u32 @!p0 $0xF7A, s2;
	p2 =	seq.s32 @!p0 s5, $0x0  }
0x1f: {  	s9 =	smul.u32 $0xF7A, s1;
	s8 =	simm.s32 @!p0 $0x1BF5;
	p2 =	por !p2, p0  }
0x20: {  	[sflag:s8] =	ssyncset.s32 @!p0 $0xFFFFF086;
	s6 =	sadd.s32 @!p0 s3, s7;
	s7 =	simm.s32 @!p0 $0x108  }
0x21: {  	s3 =	sadd.s32 s3, s9;
	s6 =	sadd.s32 @!p0 $0x88, s6;
	s7 =	simm.s32 @p2 $0x1082  }
0x22: {  	[simem:s7], [sflag:s8] =	dma.local @!p0 [hbm:s6], $0xF7A  }
0x23: {  	s9 =	sor.u32 $0xD0000000, s2;
	s6 =	simm.s32 $0x108;
	_ =	swait.ge @!p0 [sflag:s8], $0x0  }
0x24: {  	s3 =	sadd.s32 $0x88, s3;
	s6 =	simm.s32 @!p1 $0x1082;
	[sflag:s4] =	ssyncset.s32 $0xFFFFF086  }
0x25: {  	[simem:s6], [sflag:s4] =	dma.local [hbm:s3], $0xF7A  }
0x26: {  	[smem:$0x3F9B] =	sst s1;
	(tag) =	ssettag s2;
	_ =	strace s9  }
0x27: {  	s1 =	sld [smem:$0x3FAB]  }
0x28: {  	s2 =	sld [smem:$0x3FAC]  }
0x29: {  	s4 =	sld [smem:$0x3FAE]  }
0x2a: {  	p0 =	seq.s32 s5, $0x0;
	s5 =	sld [smem:$0x3FAF]  }
0x2b: {  	s6 =	sld [smem:$0x3FB0]  }
0x2c: {  	s7 =	sld [smem:$0x3FB1]  }
0x2d: {  	s3 =	simm.s32 $0x108;
	s8 =	sld [smem:$0x3FB2]  }
0x2e: {  	s3 =	simm.s32 @!p0 $0x1082;
	s9 =	sld [smem:$0x3FB3]  }
0x2f: {  	lr =	sadd.s32 s0, s3;
	s0 =	sld [smem:$0x3FAA]  }
0x30: {  	s3 =	sld [smem:$0x3FAD]  }
0x31: {  	[smem:$0x3FB6] =	sst s10  }
0x32: {  	s10 =	sld [smem:$0x3FB4];
	_ =	sdelay $0x3  }
0x33: {  	p0 =	seq.s32 s10, $0x1;
	s10 =	sld [smem:$0x3FB6];
	_ =	sdelay $0x3  }
0x34: {  	[smem:$0x3FB6] =	sst s10  }
0x35: {  	s10 =	sld [smem:$0x3FB5];
	_ =	sdelay $0x3  }
0x36: {  	p1 =	seq.s32 s10, $0x1;
	s10 =	sld [smem:$0x3FB6];
	_ =	sdelay $0x3  }
0x37: {  	[smem:$0x3FB6] =	sst s10  }
0x38: {  	s10 =	sld [smem:$0x3FB7]  }
0x39: {  	_ = 	snop;
	(pc) =	sbr.ind lr, $3  }
0x3a: {  	_ = 	snop  }
0x3b: {  	_ = 	snop  }
0x3c: {  	p2 =	seq.s32 s10, $0x1;
	s10 =	sld [smem:$0x3FB6]  }
0x3d: {  	_ =	shalt  }
0x3e: {  	_ =	shalt  }
0x3f: {  	_ =	shalt  }
0x40: {  	_ =	shalt  }
0x41: {  	_ =	shalt  }
0x42: {  	_ =	shalt  }
0x43: {  	_ =	shalt  }
0x44: {  	_ =	shalt  }
0x45: {  	_ =	shalt  }
0x46: {  	_ =	shalt  }
0x47: {  	_ =	shalt  }
0x48: {  	_ =	shalt  }
0x49: {  	_ =	shalt  }
0x4a: {  	_ =	shalt  }
0x4b: {  	_ =	shalt  }
0x4c: {  	_ =	shalt  }
0x4d: {  	_ =	shalt  }
0x4e: {  	_ =	shalt  }
0x4f: {  	_ =	shalt  }
0x50: {  	_ =	shalt  }
0x51: {  	_ =	shalt  }
0x52: {  	_ =	shalt  }
0x53: {  	_ =	shalt  }
0x54: {  	_ =	shalt  }
0x55: {  	_ =	shalt  }
0x56: {  	_ =	shalt  }
0x57: {  	_ =	shalt  }
0x58: {  	_ =	shalt  }
0x59: {  	_ =	shalt  }
0x5a: {  	_ =	shalt  }
0x5b: {  	_ =	shalt  }
0x5c: {  	_ =	shalt  }
0x5d: {  	_ =	shalt  }
0x5e: {  	_ =	shalt  }
0x5f: {  	_ =	shalt  }
0x60: {  	_ =	shalt  }
0x61: {  	_ =	shalt  }
0x62: {  	_ =	shalt  }
0x63: {  	_ =	shalt  }
0x64: {  	_ =	shalt  }
0x65: {  	_ =	shalt  }
0x66: {  	_ =	shalt  }
0x67: {  	_ =	shalt  }
0x68: {  	_ =	shalt  }
0x69: {  	_ =	shalt  }
0x6a: {  	_ =	shalt  }
0x6b: {  	_ =	shalt  }
0x6c: {  	_ =	shalt  }
0x6d: {  	_ =	shalt  }
0x6e: {  	_ =	shalt  }
0x6f: {  	_ =	shalt  }
0x70: {  	_ =	shalt  }
0x71: {  	_ =	shalt  }
0x72: {  	_ =	shalt  }
0x73: {  	_ =	shalt  }
0x74: {  	_ =	shalt  }
0x75: {  	_ =	shalt  }
0x76: {  	_ =	shalt  }
0x77: {  	_ =	shalt  }
0x78: {  	_ =	shalt  }
0x79: {  	_ =	shalt  }
0x7a: {  	_ =	shalt  }
0x7b: {  	_ =	shalt  }
0x7c: {  	_ =	shalt  }
0x7d: {  	_ =	shalt  }
0x7e: {  	_ =	shalt  }
0x7f: {  	_ =	shalt  }
0x80: {  	_ =	shalt  }
0x81: {  	_ =	shalt  }
0x82: {  	_ =	shalt  }
0x83: {  	_ =	shalt  }
0x84: {  	_ =	shalt  }
0x85: {  	_ =	shalt  }
0x86: {  	_ =	shalt  }
0x87: {  	_ =	shalt  }
.Lfunc_end0:
.L_simem_size_0:
called_computation.2_lowered:
.L_overlay_start_0:
0x88: {  	s2 =	sld [smem:$0x3FD9]  }
0x89: {  	s3 =	sld [smem:$0x3FFE];
	_ =	sdelay $0x1  }
0x8a: {  	s1 =	srdreg.scid  }
0x8b: {  	s0 =	sand.u32 $0x1, s1  }
0x8c: {  	s17 =	sshll.u32 s0, $0xA;
	s2 =	sadd.s32 s3, s2  }
0x8d: {  	s2 =	sadd.s32 s2, s17  }
0x8e: {  	[smem:$0x3FC2] =	sst s2  }
0x8f: {  	_ = 	snop  }
0x90: {  	s2 =	sld [smem:$0x3FD0];
	(tm) =	ssettm $0x1  }
0x91: {  	s18 =	sld [smem:$0x3FFB];
	_ =	sdelay $0x3  }
0x92: {  	_ =	strace s18  }
0x93: {  	s3 =	sld [smem:$0x3FFC];
	_ =	sdelay $0x3  }
0x94: {  	_ =	strace s3  }
0x95: {  	s3 =	sld [smem:$0x3FFD];
	_ =	sdelay $0x3  }
0x96: {  	_ =	strace s3  }
0x97: {  	_ =	strace $0x8FFFFFFF  }
0x98: {  	s19 =	sld [smem:$0x3FDB];
	_ =	sdelay $0x1  }
0x99: {  	s4 =	simm.s32 $_scs_section_size  }
0x9a: {  	s5 =	simm.s32 $_size__tile_overlayer_lowered;
	s6 =	simm.s32 $_tile_overlayer_lowered  }
0x9b: {  	s22 =	simm.s32 $0x1BFF;
	s21 =	sshll.u32 s6, $0x1;
	s3 =	sadd.s32 s4, s19  }
0x9c: {  	s7 =	simm.s32 $0x0;
	s20 =	sshll.u32 s5, $0x1;
	s5 =	sadd.s32 s21, s3  }
0x9d: {  	[timem:s7], [sflag:s22] =	dma.local [hbm:s5], s20  }
0x9e: {  	_ =	swait.ge [sflag:s22], s20  }
0x9f: {  	s4 =	ssub.s32 $0x0, s20;
	[sflag:s22] =	ssyncset.done $0x0  }
0xa0: {  	[sflag:s22] =	ssyncadd.s32 s4;
	_ =	sdelay $0x1  }
0xa1: {  	s23 =	simm.s32 $0x1B8B  }
0xa2: {  	_ =	swait.ge [sflag:s23], $0x1  }
0xa3: {  	[sflag:s23] =	ssyncset.done $0x0  }
0xa4: {  	s25 =	simm.s32 $0x1B8E;
	s24 =	sld [smem:$0x3FFE];
	[sflag:s23] =	ssyncadd.s32 $0xFFFFFFFF  }
0xa5: {  	s26 =	simm.s32 $execute0_lowered;
	[smem:$0x3FD2] =	sst s25  }
0xa6: {  	s5 =	sshll.u32 s26, $0x1;
	_ =	strace $0x8000004C;
	[dreg:$0x1] =	wrdreg $0xFFFFFFFF  }
0xa7: {  	s28 =	simm.s32 $_size_execute0_lowered;
	s3 =	sadd.s32 s3, s5;
	[dreg:$0x0] =	wrdreg $0x0  }
0xa8: {  	s5 =	sshll.u32 s28, $0x1;
	[dreg:$0x2] =	wrdreg s3  }
0xa9: {  	[dreg:$0x3] =	wrdreg s5  }
0xaa: {  	[dreg:$0x4] =	wrdreg $0xC0  }
0xab: {  	_ =	task [dreg:s7], $0x5FFFF  }
0xac: {  	[dreg:$0x1] =	wrdreg $0xFFFFFFFF  }
0xad: {  	[dreg:$0x0] =	wrdreg $0x60  }
0xae: {  	[dreg:$0x2] =	wrdreg s24  }
0xaf: {  	[dreg:$0x3] =	wrdreg s2  }
0xb0: {  	[dreg:$0x4] =	wrdreg $0xBC000  }
0xb1: {  	[dreg:$0x5] =	wrdreg $0x9  }
0xb2: {  	_ =	task.clear_ibuf [dreg:s7], $0x6FFFF;
	_ =	strace $0x9000004C  }
0xb3: {  	s29 =	simm.s32 $0x9;
	_ =	strace $0x8000004E  }
0xb4: {  	_ =	swait.ge [sflag:s29], $0x1  }
0xb5: {  	[sflag:s29] =	ssyncadd.s32 $0xFFFFFFFF  }
0xb6: {  	_ =	strace $0x9000004E  }
0xb7: {  	_ =	sfence  }
0xb8: {  	s30 =	sld [smem:$0x0];
	_ =	sdelay $0x2  }
0xb9: {  	s31 =	sshll.u32 s1, $0xD;
	s1 =	sshrl.u32 s1, $0x2  }
0xba: {  	s3 =	sand.u32 $0x4000, s31;
	s1 =	sadd.s32 s1, s30  }
0xbb: {  	s0 =	sor.u32 s3, s0;
	s1 =	sshll.u32 s1, $0x11  }
0xbc: {  	s0 =	sor.u32 s1, s0  }
0xbd: {  	s0 =	sadd.s32 $0x8F2B, s0  }
0xbe: {  	[sflag:s0] =	ssyncadd.remote.s32 $0x1  }
0xbf: {  	_ =	sfence.sel $0xFFFF  }
0xc0: {  	[dreg:$0x0] =	wrdreg $0xFFFFFFFF;
	(pc) =	sbr.abs _section_cstart, $3  }
0xc1: {  	[dreg:$0x1] =	wrdreg $0xFFFFFFFF  }
0xc2: {  	_ =	task.clear_ibuf [dreg:s7], $0x2FFFF;
	_ =	strace $0x9FFFFFFF  }
0xc3: {  	(tm) =	ssettm $0x7FFFFFFF  }
tec
execute0_lowered:
.L_overlay_start_1:
0x0: {  	(tag) =	ssettag $0x1  }
0x1: {  	s5 =	rddreg [dreg:$0x0]  }
0x2: {  	s6 =	rddreg [dreg:$0x1]  }
0x3: {  	s2 =	rddreg [dreg:$0x2]  }
0x4: {  	s0 =	rddreg [dreg:$0x3];
	s1 =	stileid.u32  }
0x5: {  	s4 =	srdreg.scid;
	s3 =	simm.s32 $0x0;
	s13 =	simm.s32 $0x4000  }
0x6: {  	s14 =	simm.s32 $0x4400;
	s15 =	simm.s32 $0x4080;
	s16 =	simm.s32 $0x6C00  }
0x7: {  	s17 =	simm.s32 $0x4100;
	s18 =	simm.s32 $0x9400;
	s19 =	simm.s32 $0x1  }
0x8: {  	s20 =	simm.s32 $0x4200;
	s21 =	simm.s32 $0x2;
	s22 =	simm.s32 $0x4280  }
0x9: {  	s23 =	simm.s32 $0x3;
	s24 =	simm.s32 $0x4300;
	s25 =	simm.s32 $0x0  }
0xa: {  	s7 =	smul.u32 $0x14000, s1;
	s8 =	sand.u32 $0x1, s4;
	[smem:$0x7FF] =	sst s3  }
0xb: {  	s4 =	sadd.s32 $0x1C00, s5;
	s11 =	smul.u32 $0x50000, s1;
	s12 =	sshll.u32 s1, $0xB  }
0xc: {  	s31 =	sshll.u32 s1, $0x6;
	s9 =	smul.u32 $0x140000, s8;
	_ =	strace $0x8000004D  }
0xd: {  	s29 =	ssub.s32 $0x2, s8;
	s8 =	sshll.u32 s8, $0xF;
	s6 =	sadd.s32 s6, s12  }
0xe: {  	s12 =	simm.s32 $0x50;
	s10 =	sshrl.u32 s7, $0x3;
	s30 =	sshrl.u32 s29, $0x1  }
.Ltmp0:
0xf: {  	s11 =	sshrl.u32 s11, $0x2;
	s7 =	sadd.s32 s7, s9;
	(pc) =	sbr.rel .LBB2_1-.Ltmp0, $4  }
0x10: {  	s10 =	sadd.s32 s10, s5;
	s11 =	sadd.s32 s11, s2;
	s7 =	sshrl.u32 s7, $0x3  }
0x11: {  	s9 =	ssub.s32 s29, s30;
	s11 =	sshrl.u32 s11, $0x3;
	s7 =	sadd.s32 s7, s5  }
0x12: {  	s5 =	sadd.s32 s8, s6;
	s6 =	sadd.s32 $0x29C00, s10;
	s8 =	smax.u32 s9, $0x1  }
0x13: {  	s9 =	simm.s32 $0x4;
	s10 =	sor.u32 $0x1C04, s31;
	s7 =	sadd.s32 $0x51C00, s7  }
.LBB2_4:
0x14: {  	_ =	swait.ge [sflag:s19], $0x2800  }
0x15: {  	[sflag:s19] =	ssyncset.done $0x0  }
0x16: {  	[sflag:s19] =	ssyncadd.s32 $0xFFFFD800  }
0x17: {  	[spmem:s2] =	stream.indirect.scatter.add.f32 [tilespmem:s14], [sflag:$0x4], $0x80, s20, s12, $0xb8;
	[tilespmem:$0x1FC00] =	vst v63  }
0x18: {  	_ =	swait.ge [sflag:s9], $0x2800  }
0x19: {  	[sflag:s9] =	ssyncset.done $0x0  }
0x1a: {  	[sflag:s9] =	ssyncadd.s32 $0xFFFFD800  }
0x1b: {  	_ =	swait.ge [sflag:s21], $0x2800  }
0x1c: {  	[sflag:s21] =	ssyncset.done $0x0  }
0x1d: {  	[sflag:s21] =	ssyncadd.s32 $0xFFFFD800  }
0x1e: {  	[spmem:s2] =	stream.indirect.scatter.add.f32 [tilespmem:s16], [sflag:$0x4], $0x80, s22, s12, $0xb8;
	[tilespmem:$0x1FC00] =	vst v63  }
0x1f: {  	_ =	swait.ge [sflag:s9], $0x2800  }
0x20: {  	s25 =	sadd.s32 $0x1, s25;
	[sflag:s9] =	ssyncset.done $0x0  }
0x21: {  	p0 =	sne.s32 s25, s8;
	[sflag:s9] =	ssyncadd.s32 $0xFFFFD800  }
.Ltmp1:
0x22: {  	[bflag:$0x0] =	sbarrier.arrive $0xFFFF;
	(pc) =	sbr.rel @!p0 .LBB2_5-.Ltmp1, $4  }
0x23: {  	[hbm:s7], [sflag:s10] =	dma.local [spmem:s11], $0x2800  }
0x24: {  	_ =	swait.ge [sflag:s9], $0x2800  }
0x25: {  	[sflag:s9] =	ssyncset.done $0x0  }
0x26: {  	[sflag:s9] =	ssyncadd.s32 $0xFFFFD800  }
.LBB2_1:
0x27: {  	[tilespmem:s3], [sflag:$0x4] =	stream.linear.gather [hbm4b:s5+s3], $0x3E80, $0x38;
	[tilespmem:$0x1FC00] =	vst v63  }
0x28: {  	_ =	swait.ge [sflag:s9], $0x3E80  }
0x29: {  	[sflag:s9] =	ssyncset.done $0x0  }
0x2a: {  	[sflag:s9] =	ssyncadd.s32 $0xFFFFC180  }
0x2b: {  	[spmem:s11], [sflag:s10] =	dma.local [hbm:s6], $0x2800  }
0x2c: {  	_ =	swait.ge [sflag:s9], $0x2800  }
0x2d: {  	[sflag:s9] =	ssyncset.done $0x0  }
0x2e: {  	[sflag:s9] =	ssyncadd.s32 $0xFFFFD800  }
0x2f: {  	[bflag:$0x0] =	sbarrier.arrive $0xFFFF  }
0x30: {  	v0 =	vld [tilespmem:$0x0];
	_ =	sdelay $0x1  }
0x31: {  	v1 =	vld [tilespmem:$0x10];
	_ =	sdelay $0x1  }
0x32: {  	v2 =	vld [tilespmem:$0x20]  }
0x33: {  	v3 =	vshrl.u32 v0, $0xE  }
0x34: {  	v26 =	vld [tilespmem:$0x30];
	v0 =	vand.u32 $0x3FFF, v0;
	[tilespmem:$0x4000] =	vst v3  }
0x35: {  	v27 =	vshrl.u32 v1, $0xE;
	[tilespmem:$0x4200] =	vst v0  }
0x36: {  	v29 =	vld [tilespmem:$0x40];
	v28 =	vand.u32 $0x3FFF, v1;
	[tilespmem:$0x4010] =	vst v27  }
0x37: {  	v30 =	vshrl.u32 v2, $0xE;
	[tilespmem:$0x4210] =	vst v28  }
0x38: {  	v31 =	vand.u32 $0x3FFF, v2;
	[tilespmem:$0x4020] =	vst v30  }
0x39: {  	v32 =	vshrl.u32 v26, $0xE;
	[tilespmem:$0x4220] =	vst v31  }
0x3a: {  	v33 =	vand.u32 $0x3FFF, v26;
	[tilespmem:$0x4030] =	vst v32  }
0x3b: {  	v34 =	vshrl.u32 v29, $0xE;
	[tilespmem:$0x4230] =	vst v33  }
0x3c: {  	v35 =	vand.u32 $0x3FFF, v29;
	[tilespmem:$0x4040] =	vst v34  }
0x3d: {  	[tilespmem:$0x4240] =	vst v35  }
0x3e: {  	[tilespmem:s14], [sflag:$0x1] =	stream.indirect.gather [hbm4b:s4+s12], $0x80, s13, s12, $0xb8;
	[tilespmem:$0x1FC00] =	vst v63  }
0x3f: {  	v36 =	vld [tilespmem:$0x80];
	_ =	sdelay $0x1  }
0x40: {  	v37 =	vld [tilespmem:$0x90];
	_ =	sdelay $0x1  }
0x41: {  	v38 =	vld [tilespmem:$0xA0]  }
0x42: {  	v39 =	vshrl.u32 v36, $0xE  }
0x43: {  	v40 =	vld [tilespmem:$0xB0];
	v0 =	vand.u32 $0x3FFF, v36;
	[tilespmem:$0x4080] =	vst v39  }
0x44: {  	v41 =	vshrl.u32 v37, $0xE;
	[tilespmem:$0x4280] =	vst v0  }
0x45: {  	v43 =	vld [tilespmem:$0xC0];
	v42 =	vand.u32 $0x3FFF, v37;
	[tilespmem:$0x4090] =	vst v41  }
0x46: {  	v44 =	vshrl.u32 v38, $0xE;
	[tilespmem:$0x4290] =	vst v42  }
0x47: {  	v45 =	vand.u32 $0x3FFF, v38;
	[tilespmem:$0x40A0] =	vst v44  }
0x48: {  	v46 =	vshrl.u32 v40, $0xE;
	[tilespmem:$0x42A0] =	vst v45  }
0x49: {  	v47 =	vand.u32 $0x3FFF, v40;
	[tilespmem:$0x40B0] =	vst v46  }
0x4a: {  	v48 =	vshrl.u32 v43, $0xE;
	[tilespmem:$0x42B0] =	vst v47  }
0x4b: {  	v49 =	vand.u32 $0x3FFF, v43;
	[tilespmem:$0x40C0] =	vst v48  }
0x4c: {  	[tilespmem:$0x42C0] =	vst v49  }
0x4d: {  	[tilespmem:s16], [sflag:$0x2] =	stream.indirect.gather [hbm4b:s4+s12], $0x80, s15, s12, $0xb8;
	[tilespmem:$0x1FC00] =	vst v63  }
0x4e: {  	v50 =	vld [tilespmem:$0x100];
	_ =	sdelay $0x1  }
0x4f: {  	v51 =	vld [tilespmem:$0x110];
	_ =	sdelay $0x1  }
0x50: {  	v52 =	vld [tilespmem:$0x120]  }
0x51: {  	v53 =	vshrl.u32 v50, $0xE  }
0x52: {  	v54 =	vld [tilespmem:$0x130];
	v0 =	vand.u32 $0x3FFF, v50;
	[tilespmem:$0x4100] =	vst v53  }
0x53: {  	v55 =	vshrl.u32 v51, $0xE;
	[tilespmem:$0x4300] =	vst v0  }
0x54: {  	v57 =	vld [tilespmem:$0x140];
	v56 =	vand.u32 $0x3FFF, v51;
	[tilespmem:$0x4110] =	vst v55  }
0x55: {  	v58 =	vshrl.u32 v52, $0xE;
	[tilespmem:$0x4310] =	vst v56  }
0x56: {  	v59 =	vand.u32 $0x3FFF, v52;
	[tilespmem:$0x4120] =	vst v58  }
0x57: {  	v60 =	vshrl.u32 v54, $0xE;
	[tilespmem:$0x4320] =	vst v59  }
0x58: {  	v61 =	vand.u32 $0x3FFF, v54;
	[tilespmem:$0x4130] =	vst v60  }
0x59: {  	v62 =	vshrl.u32 v57, $0xE;
	[tilespmem:$0x4330] =	vst v61  }
0x5a: {  	v63 =	vand.u32 $0x3FFF, v57;
	[tilespmem:$0x4140] =	vst v62  }
0x5b: {  	s26 =	simm.s32 $0xB00;
	[tilespmem:$0x4340] =	vst v63  }
0x5c: {  	[tilespmem:s18], [sflag:$0x3] =	stream.indirect.gather [hbm4b:s4+s12], $0x80, s17, s12, $0xb8;
	[tilespmem:$0x1FC00] =	vst v63  }
.LBB2_2:
0x5d: {  	_ =	swait.ge [sflag:s19], $0x2800  }
0x5e: {  	[sflag:s19] =	ssyncset.done $0x0  }
0x5f: {  	[sflag:s19] =	ssyncadd.s32 $0xFFFFD800  }
0x60: {  	[spmem:s2] =	stream.indirect.scatter.add.f32 [tilespmem:s14], [sflag:$0x4], $0x80, s20, s12, $0xb8;
	[tilespmem:$0x1FC00] =	vst v63  }
0x61: {  	_ =	swait.ge [sflag:s9], $0x2800  }
0x62: {  	[sflag:s9] =	ssyncset.done $0x0  }
0x63: {  	s28 =	sshra.s32 s26, $0x2;
	[sflag:s9] =	ssyncadd.s32 $0xFFFFD800  }
0x64: {  	v0 =	vld [tilespmem:s28+$0xFFFFFEC0];
	_ =	sdelay $0x4  }
0x65: {  	v1 =	vshrl.u32 v0, $0xE  }
0x66: {  	v0 =	vand.u32 $0x3FFF, v0;
	[tilespmem:$0x4000] =	vst v1  }
0x67: {  	[tilespmem:$0x4200] =	vst v0  }
0x68: {  	v0 =	vld [tilespmem:s28+$0xFFFFFED0];
	_ =	sdelay $0x4  }
0x69: {  	v54 =	vshrl.u32 v0, $0xE  }
0x6a: {  	v0 =	vand.u32 $0x3FFF, v0;
	[tilespmem:$0x4010] =	vst v54  }
0x6b: {  	[tilespmem:$0x4210] =	vst v0  }
0x6c: {  	v0 =	vld [tilespmem:s28+$0xFFFFFEE0];
	_ =	sdelay $0x4  }
0x6d: {  	v55 =	vshrl.u32 v0, $0xE  }
0x6e: {  	v0 =	vand.u32 $0x3FFF, v0;
	[tilespmem:$0x4020] =	vst v55  }
0x6f: {  	[tilespmem:$0x4220] =	vst v0  }
0x70: {  	v0 =	vld [tilespmem:s28+$0xFFFFFEF0];
	_ =	sdelay $0x4  }
0x71: {  	v56 =	vshrl.u32 v0, $0xE  }
0x72: {  	v0 =	vand.u32 $0x3FFF, v0;
	[tilespmem:$0x4030] =	vst v56  }
0x73: {  	[tilespmem:$0x4230] =	vst v0  }
0x74: {  	v0 =	vld [tilespmem:s28+$0xFFFFFF00];
	_ =	sdelay $0x4  }
0x75: {  	v57 =	vshrl.u32 v0, $0xE  }
0x76: {  	v0 =	vand.u32 $0x3FFF, v0;
	[tilespmem:$0x4040] =	vst v57  }
0x77: {  	[tilespmem:$0x4240] =	vst v0  }
0x78: {  	[tilespmem:s14], [sflag:$0x1] =	stream.indirect.gather [hbm4b:s4+s12], $0x80, s13, s12, $0xb8;
	[tilespmem:$0x1FC00] =	vst v63  }
0x79: {  	_ =	swait.ge [sflag:s21], $0x2800  }
0x7a: {  	[sflag:s21] =	ssyncset.done $0x0  }
0x7b: {  	[sflag:s21] =	ssyncadd.s32 $0xFFFFD800  }
0x7c: {  	[spmem:s2] =	stream.indirect.scatter.add.f32 [tilespmem:s16], [sflag:$0x4], $0x80, s22, s12, $0xb8;
	[tilespmem:$0x1FC00] =	vst v63  }
0x7d: {  	_ =	swait.ge [sflag:s9], $0x2800  }
0x7e: {  	[sflag:s9] =	ssyncset.done $0x0  }
0x7f: {  	[sflag:s9] =	ssyncadd.s32 $0xFFFFD800  }
0x80: {  	v58 =	vld [tilespmem:s28+$0xFFFFFF40];
	_ =	sdelay $0x4  }
0x81: {  	v59 =	vshrl.u32 v58, $0xE  }
0x82: {  	v0 =	vand.u32 $0x3FFF, v58;
	[tilespmem:$0x4080] =	vst v59  }
0x83: {  	[tilespmem:$0x4280] =	vst v0  }
0x84: {  	v0 =	vld [tilespmem:s28+$0xFFFFFF50];
	_ =	sdelay $0x4  }
0x85: {  	v60 =	vshrl.u32 v0, $0xE  }
0x86: {  	v0 =	vand.u32 $0x3FFF, v0;
	[tilespmem:$0x4090] =	vst v60  }
0x87: {  	[tilespmem:$0x4290] =	vst v0  }
0x88: {  	v0 =	vld [tilespmem:s28+$0xFFFFFF60];
	_ =	sdelay $0x4  }
0x89: {  	v61 =	vshrl.u32 v0, $0xE  }
0x8a: {  	v0 =	vand.u32 $0x3FFF, v0;
	[tilespmem:$0x40A0] =	vst v61  }
0x8b: {  	[tilespmem:$0x42A0] =	vst v0  }
0x8c: {  	v0 =	vld [tilespmem:s28+$0xFFFFFF70];
	_ =	sdelay $0x4  }
0x8d: {  	v62 =	vshrl.u32 v0, $0xE  }
0x8e: {  	v0 =	vand.u32 $0x3FFF, v0;
	[tilespmem:$0x40B0] =	vst v62  }
0x8f: {  	[tilespmem:$0x42B0] =	vst v0  }
0x90: {  	v0 =	vld [tilespmem:s28+$0xFFFFFF80];
	_ =	sdelay $0x4  }
0x91: {  	v63 =	vshrl.u32 v0, $0xE  }
0x92: {  	v0 =	vand.u32 $0x3FFF, v0;
	[tilespmem:$0x40C0] =	vst v63  }
0x93: {  	[tilespmem:$0x42C0] =	vst v0  }
0x94: {  	[tilespmem:s16], [sflag:$0x2] =	stream.indirect.gather [hbm4b:s4+s12], $0x80, s15, s12, $0xb8;
	[tilespmem:$0x1FC00] =	vst v63  }
0x95: {  	_ =	swait.ge [sflag:s23], $0x2800  }
0x96: {  	p0 =	seq.s32 s26, $0xFB00;
	[sflag:s23] =	ssyncset.done $0x0  }
.Ltmp2:
0x97: {  	[sflag:s23] =	ssyncadd.s32 $0xFFFFD800;
	(pc) =	sbr.rel @p0 .LBB2_4-.Ltmp2, $4  }
0x98: {  	[spmem:s2] =	stream.indirect.scatter.add.f32 [tilespmem:s18], [sflag:$0x4], $0x80, s24, s12, $0xb8;
	[tilespmem:$0x1FC00] =	vst v63  }
0x99: {  	_ =	swait.ge [sflag:s9], $0x2800  }
0x9a: {  	[sflag:s9] =	ssyncset.done $0x0  }
0x9b: {  	[sflag:s9] =	ssyncadd.s32 $0xFFFFD800  }
0x9c: {  	v0 =	vld [tilespmem:s28+$0xFFFFFFC0];
	_ =	sdelay $0x4  }
0x9d: {  	v1 =	vshrl.u32 v0, $0xE  }
0x9e: {  	v0 =	vand.u32 $0x3FFF, v0;
	[tilespmem:$0x4100] =	vst v1  }
0x9f: {  	[tilespmem:$0x4300] =	vst v0  }
0xa0: {  	v0 =	vld [tilespmem:s28+$0xFFFFFFD0];
	_ =	sdelay $0x4  }
0xa1: {  	v60 =	vshrl.u32 v0, $0xE  }
0xa2: {  	v0 =	vand.u32 $0x3FFF, v0;
	[tilespmem:$0x4110] =	vst v60  }
0xa3: {  	[tilespmem:$0x4310] =	vst v0  }
0xa4: {  	v0 =	vld [tilespmem:s28+$0xFFFFFFE0];
	_ =	sdelay $0x4  }
0xa5: {  	v61 =	vshrl.u32 v0, $0xE  }
0xa6: {  	v0 =	vand.u32 $0x3FFF, v0;
	[tilespmem:$0x4120] =	vst v61  }
0xa7: {  	[tilespmem:$0x4320] =	vst v0  }
0xa8: {  	v0 =	vld [tilespmem:s28+$0xFFFFFFF0];
	_ =	sdelay $0x4  }
0xa9: {  	v62 =	vshrl.u32 v0, $0xE  }
0xaa: {  	v0 =	vand.u32 $0x3FFF, v0;
	[tilespmem:$0x4130] =	vst v62  }
0xab: {  	[tilespmem:$0x4330] =	vst v0  }
0xac: {  	v0 =	vld [tilespmem:s28+$0x0];
	_ =	sdelay $0x3  }
.Ltmp3:
0xad: {  	_ = 	snop;
	(pc) =	sbr.rel .LBB2_2-.Ltmp3, $4  }
0xae: {  	v63 =	vshrl.u32 v0, $0xE  }
0xaf: {  	v0 =	vand.u32 $0x3FFF, v0;
	[tilespmem:$0x4140] =	vst v63  }
0xb0: {  	s26 =	sadd.s32 $0x600, s26;
	[tilespmem:$0x4340] =	vst v0  }
0xb1: {  	[tilespmem:s18], [sflag:$0x3] =	stream.indirect.gather [hbm4b:s4+s12], $0x80, s17, s12, $0xb8;
	[tilespmem:$0x1FC00] =	vst v63  }
.LBB2_5:
0xb2: {  	_ =	sfence.sel $0x180000  }
0xb3: {  	[bflag:$0x0] =	sbarrier.arrive $0xFFFF  }
0xb4: {  	p0 =	sne.s32 s1, $0x0;
	_ =	strace $0x9000004D  }
0xb5: {  	s0 =	sadd.s32 @!p0 $0x100000, s0;
	[bflag:$0x2] =	sbarrier.arrive $0xFFFF  }
0xb6: {  	[sflag:s0] =	ssyncadd.tile.s32 @!p0 $0x1;
	_ =	shalt  }
.Lfunc_end2:
_tile_overlayer_lowered:
.L_overlay_start_2:
0xb7: {  	(tag) =	ssettag $0x2  }
0xb8: {  	s0 =	rddreg [dreg:$0x0];
	s2 =	stileid.u32  }
0xb9: {  	s1 =	rddreg [dreg:$0x1];
	p0 =	sne.s32 s2, $0x0  }
0xba: {  	s3 =	rddreg [dreg:$0x2];
	[bflag:$0x3] =	sbarrier.arrive $0xFFFF;
	s2 =	simm.s32 @!p0 $0x1C04  }
0xbb: {  	[timem:s3], [sflag:s2] =	dma.local @!p0 [hbm:s0], s1  }
0xbc: {  	s0 =	simm.s32 @!p0 $0x4  }
0xbd: {  	_ =	swait.ge @!p0 [sflag:s0], s1  }
0xbe: {  	s1 =	ssub.s32 @!p0 $0x0, s1;
	[sflag:s0] =	ssyncset.done @!p0 $0x0  }
0xbf: {  	[sflag:s0] =	ssyncadd.s32 @!p0 s1  }
0xc0: {  	[bflag:$0x3] =	sbarrier.arrive $0xFFFF  }
0xc1: {  	_ =	shalt  }

// kernel: kernel.8.cloned.1.call-start
scs
__scs_entry_jumppad:
0x0: {  	(pc) =	sbr.rel $0x88, $3  }
0x1: {  	(tag) =	ssettag $0x0;
	lr =	simm.s32 $0x1  }
0x2: {  	[smem:$0x3F9B] =	sst lr;
	_ =	strace $0xD0000000  }
0x3: {  	_ = 	snop  }
0x4: {  	_ = 	snop  }
0x5: {  	_ = 	snop  }
0x6: {  	_ = 	snop  }
0x7: {  	_ = 	snop  }
__scs_overlays_trampoline_lowered:
0x8: {  	[smem:$0x3FAA] =	sst s0  }
0x9: {  	[smem:$0x3FAB] =	sst s1  }
0xa: {  	[smem:$0x3FAC] =	sst s2  }
0xb: {  	[smem:$0x3FAD] =	sst s3  }
0xc: {  	[smem:$0x3FAE] =	sst s4  }
0xd: {  	[smem:$0x3FAF] =	sst s5  }
0xe: {  	[smem:$0x3FB0] =	sst s6  }
0xf: {  	[smem:$0x3FB1] =	sst s7  }
0x10: {  	[smem:$0x3FB2] =	sst s8  }
0x11: {  	[smem:$0x3FB3] =	sst s9;
	s0 =	simm.s32 @!p0 $0x0  }
0x12: {  	s1 =	sld [smem:$0x3F99];
	s0 =	simm.s32 @p0 $0x1  }
0x13: {  	[smem:$0x3FB4] =	sst s0;
	s0 =	simm.s32 @!p1 $0x0  }
0x14: {  	s2 =	sld [smem:$0x3F98];
	s0 =	simm.s32 @p1 $0x1  }
0x15: {  	[smem:$0x3FB5] =	sst s0;
	s0 =	simm.s32 @!p2 $0x0  }
0x16: {  	s3 =	sld [smem:$0x3FDB];
	s0 =	simm.s32 @p2 $0x1  }
0x17: {  	s4 =	simm.s32 $0x1BF5;
	[smem:$0x3FB7] =	sst s0  }
0x18: {  	s0 =	sld [smem:$0x3F9A];
	_ =	swait.ge [sflag:s4], $0x0  }
0x19: {  	s7 =	sld [smem:$0x3F9B]  }
0x1a: {  	s8 =	sadd.s32 $0xFFFFE003, lr  }
0x1b: {  	s9 =	sadd.s32 $0xFFFFFEF7, lr;
	s5 =	simm.s32 $0xFFFFFFFF;
	p2 =	slt.u32 s8, $0xFFFFF086  }
0x1c: {  	p1 =	slt.u32 s9, $0xF7A;
	s5 =	simm.s32 @!p2 $0x0  }
0x1d: {  	s5 =	simm.s32 @p1 $0x1;
	p0 =	seq.s32 s7, s2  }
0x1e: {  	s7 =	smul.u32 @!p0 $0xF7A, s2;
	p2 =	seq.s32 @!p0 s5, $0x0  }
0x1f: {  	s9 =	smul.u32 $0xF7A, s1;
	s8 =	simm.s32 @!p0 $0x1BF5;
	p2 =	por !p2, p0  }
0x20: {  	[sflag:s8] =	ssyncset.s32 @!p0 $0xFFFFF086;
	s6 =	sadd.s32 @!p0 s3, s7;
	s7 =	simm.s32 @!p0 $0x108  }
0x21: {  	s3 =	sadd.s32 s3, s9;
	s6 =	sadd.s32 @!p0 $0x88, s6;
	s7 =	simm.s32 @p2 $0x1082  }
0x22: {  	[simem:s7], [sflag:s8] =	dma.local @!p0 [hbm:s6], $0xF7A  }
0x23: {  	s9 =	sor.u32 $0xD0000000, s2;
	s6 =	simm.s32 $0x108;
	_ =	swait.ge @!p0 [sflag:s8], $0x0  }
0x24: {  	s3 =	sadd.s32 $0x88, s3;
	s6 =	simm.s32 @!p1 $0x1082;
	[sflag:s4] =	ssyncset.s32 $0xFFFFF086  }
0x25: {  	[simem:s6], [sflag:s4] =	dma.local [hbm:s3], $0xF7A  }
0x26: {  	[smem:$0x3F9B] =	sst s1;
	(tag) =	ssettag s2;
	_ =	strace s9  }
0x27: {  	s1 =	sld [smem:$0x3FAB]  }
0x28: {  	s2 =	sld [smem:$0x3FAC]  }
0x29: {  	s4 =	sld [smem:$0x3FAE]  }
0x2a: {  	p0 =	seq.s32 s5, $0x0;
	s5 =	sld [smem:$0x3FAF]  }
0x2b: {  	s6 =	sld [smem:$0x3FB0]  }
0x2c: {  	s7 =	sld [smem:$0x3FB1]  }
0x2d: {  	s3 =	simm.s32 $0x108;
	s8 =	sld [smem:$0x3FB2]  }
0x2e: {  	s3 =	simm.s32 @!p0 $0x1082;
	s9 =	sld [smem:$0x3FB3]  }
0x2f: {  	lr =	sadd.s32 s0, s3;
	s0 =	sld [smem:$0x3FAA]  }
0x30: {  	s3 =	sld [smem:$0x3FAD]  }
0x31: {  	[smem:$0x3FB6] =	sst s10  }
0x32: {  	s10 =	sld [smem:$0x3FB4];
	_ =	sdelay $0x3  }
0x33: {  	p0 =	seq.s32 s10, $0x1;
	s10 =	sld [smem:$0x3FB6];
	_ =	sdelay $0x3  }
0x34: {  	[smem:$0x3FB6] =	sst s10  }
0x35: {  	s10 =	sld [smem:$0x3FB5];
	_ =	sdelay $0x3  }
0x36: {  	p1 =	seq.s32 s10, $0x1;
	s10 =	sld [smem:$0x3FB6];
	_ =	sdelay $0x3  }
0x37: {  	[smem:$0x3FB6] =	sst s10  }
0x38: {  	s10 =	sld [smem:$0x3FB7]  }
0x39: {  	_ = 	snop;
	(pc) =	sbr.ind lr, $3  }
0x3a: {  	_ = 	snop  }
0x3b: {  	_ = 	snop  }
0x3c: {  	p2 =	seq.s32 s10, $0x1;
	s10 =	sld [smem:$0x3FB6]  }
0x3d: {  	_ =	shalt  }
0x3e: {  	_ =	shalt  }
0x3f: {  	_ =	shalt  }
0x40: {  	_ =	shalt  }
0x41: {  	_ =	shalt  }
0x42: {  	_ =	shalt  }
0x43: {  	_ =	shalt  }
0x44: {  	_ =	shalt  }
0x45: {  	_ =	shalt  }
0x46: {  	_ =	shalt  }
0x47: {  	_ =	shalt  }
0x48: {  	_ =	shalt  }
0x49: {  	_ =	shalt  }
0x4a: {  	_ =	shalt  }
0x4b: {  	_ =	shalt  }
0x4c: {  	_ =	shalt  }
0x4d: {  	_ =	shalt  }
0x4e: {  	_ =	shalt  }
0x4f: {  	_ =	shalt  }
0x50: {  	_ =	shalt  }
0x51: {  	_ =	shalt  }
0x52: {  	_ =	shalt  }
0x53: {  	_ =	shalt  }
0x54: {  	_ =	shalt  }
0x55: {  	_ =	shalt  }
0x56: {  	_ =	shalt  }
0x57: {  	_ =	shalt  }
0x58: {  	_ =	shalt  }
0x59: {  	_ =	shalt  }
0x5a: {  	_ =	shalt  }
0x5b: {  	_ =	shalt  }
0x5c: {  	_ =	shalt  }
0x5d: {  	_ =	shalt  }
0x5e: {  	_ =	shalt  }
0x5f: {  	_ =	shalt  }
0x60: {  	_ =	shalt  }
0x61: {  	_ =	shalt  }
0x62: {  	_ =	shalt  }
0x63: {  	_ =	shalt  }
0x64: {  	_ =	shalt  }
0x65: {  	_ =	shalt  }
0x66: {  	_ =	shalt  }
0x67: {  	_ =	shalt  }
0x68: {  	_ =	shalt  }
0x69: {  	_ =	shalt  }
0x6a: {  	_ =	shalt  }
0x6b: {  	_ =	shalt  }
0x6c: {  	_ =	shalt  }
0x6d: {  	_ =	shalt  }
0x6e: {  	_ =	shalt  }
0x6f: {  	_ =	shalt  }
0x70: {  	_ =	shalt  }
0x71: {  	_ =	shalt  }
0x72: {  	_ =	shalt  }
0x73: {  	_ =	shalt  }
0x74: {  	_ =	shalt  }
0x75: {  	_ =	shalt  }
0x76: {  	_ =	shalt  }
0x77: {  	_ =	shalt  }
0x78: {  	_ =	shalt  }
0x79: {  	_ =	shalt  }
0x7a: {  	_ =	shalt  }
0x7b: {  	_ =	shalt  }
0x7c: {  	_ =	shalt  }
0x7d: {  	_ =	shalt  }
0x7e: {  	_ =	shalt  }
0x7f: {  	_ =	shalt  }
0x80: {  	_ =	shalt  }
0x81: {  	_ =	shalt  }
0x82: {  	_ =	shalt  }
0x83: {  	_ =	shalt  }
0x84: {  	_ =	shalt  }
0x85: {  	_ =	shalt  }
0x86: {  	_ =	shalt  }
0x87: {  	_ =	shalt  }
.Lfunc_end0:
.L_simem_size_0:
called_computation_lowered:
.L_overlay_start_0:
0x88: {  	s2 =	sld [smem:$0x3FD9]  }
0x89: {  	s3 =	sld [smem:$0x3FFE];
	_ =	sdelay $0x1  }
0x8a: {  	s1 =	srdreg.scid  }
0x8b: {  	s0 =	sand.u32 $0x1, s1  }
0x8c: {  	s16 =	sshll.u32 s0, $0xA;
	s2 =	sadd.s32 s3, s2  }
0x8d: {  	s2 =	sadd.s32 s2, s16  }
0x8e: {  	[smem:$0x3FC2] =	sst s2  }
0x8f: {  	_ = 	snop  }
0x90: {  	(tm) =	ssettm $0x1  }
0x91: {  	s17 =	sld [smem:$0x3FFB];
	_ =	sdelay $0x3  }
0x92: {  	_ =	strace s17  }
0x93: {  	s2 =	sld [smem:$0x3FFC];
	_ =	sdelay $0x3  }
0x94: {  	_ =	strace s2  }
0x95: {  	s2 =	sld [smem:$0x3FFD];
	_ =	sdelay $0x3  }
0x96: {  	_ =	strace s2  }
0x97: {  	_ =	strace $0x8FFFFFFF  }
0x98: {  	s18 =	sld [smem:$0x3FDB];
	_ =	sdelay $0x1  }
0x99: {  	s19 =	simm.s32 $_scs_section_size  }
0x9a: {  	s4 =	simm.s32 $_size__tile_overlayer_lowered;
	s5 =	simm.s32 $_tile_overlayer_lowered  }
0x9b: {  	s22 =	simm.s32 $0x1BFF;
	s21 =	sshll.u32 s5, $0x1;
	s2 =	sadd.s32 s19, s18  }
0x9c: {  	s6 =	simm.s32 $0x0;
	s20 =	sshll.u32 s4, $0x1;
	s4 =	sadd.s32 s21, s2  }
0x9d: {  	[timem:s6], [sflag:s22] =	dma.local [hbm:s4], s20  }
0x9e: {  	_ =	swait.ge [sflag:s22], s20  }
0x9f: {  	s3 =	ssub.s32 $0x0, s20;
	[sflag:s22] =	ssyncset.done $0x0  }
0xa0: {  	[sflag:s22] =	ssyncadd.s32 s3;
	_ =	sdelay $0x1  }
0xa1: {  	s23 =	simm.s32 $0x1B8B  }
0xa2: {  	_ =	swait.ge [sflag:s23], $0x1  }
0xa3: {  	[sflag:s23] =	ssyncset.done $0x0  }
0xa4: {  	s25 =	simm.s32 $0x1B8E;
	s24 =	sld [smem:$0x3FFE];
	[sflag:s23] =	ssyncadd.s32 $0xFFFFFFFF  }
0xa5: {  	s26 =	simm.s32 $execute0_lowered;
	[smem:$0x3FD2] =	sst s25  }
0xa6: {  	s4 =	sshll.u32 s26, $0x1;
	_ =	strace $0x80000046;
	[dreg:$0x1] =	wrdreg $0xFFFFFFFF  }
0xa7: {  	s28 =	simm.s32 $_size_execute0_lowered;
	s2 =	sadd.s32 s2, s4;
	[dreg:$0x0] =	wrdreg $0x0  }
0xa8: {  	s4 =	sshll.u32 s28, $0x1;
	[dreg:$0x2] =	wrdreg s2  }
0xa9: {  	[dreg:$0x3] =	wrdreg s4  }
0xaa: {  	[dreg:$0x4] =	wrdreg $0xC0  }
0xab: {  	_ =	task [dreg:s6], $0x5FFFF  }
0xac: {  	[dreg:$0x1] =	wrdreg $0xFFFFFFFF  }
0xad: {  	[dreg:$0x0] =	wrdreg $0x60  }
0xae: {  	[dreg:$0x2] =	wrdreg s24  }
0xaf: {  	[dreg:$0x3] =	wrdreg $0x4F000  }
0xb0: {  	[dreg:$0x4] =	wrdreg $0x9  }
0xb1: {  	_ =	task.clear_ibuf [dreg:s6], $0x5FFFF;
	_ =	strace $0x90000046  }
0xb2: {  	s29 =	simm.s32 $0x9;
	_ =	strace $0x80000048  }
0xb3: {  	_ =	swait.ge [sflag:s29], $0x1  }
0xb4: {  	[sflag:s29] =	ssyncadd.s32 $0xFFFFFFFF  }
0xb5: {  	_ =	strace $0x90000048  }
0xb6: {  	_ =	sfence  }
0xb7: {  	s30 =	sld [smem:$0x0];
	_ =	sdelay $0x2  }
0xb8: {  	s31 =	sshll.u32 s1, $0xD;
	s1 =	sshrl.u32 s1, $0x2  }
0xb9: {  	s3 =	sand.u32 $0x4000, s31;
	s1 =	sadd.s32 s1, s30  }
0xba: {  	s0 =	sor.u32 s3, s0;
	s1 =	sshll.u32 s1, $0x11  }
0xbb: {  	s0 =	sor.u32 s1, s0  }
0xbc: {  	s0 =	sadd.s32 $0x8F2B, s0  }
0xbd: {  	[sflag:s0] =	ssyncadd.remote.s32 $0x1  }
0xbe: {  	_ =	sfence.sel $0xFFFF  }
0xbf: {  	[dreg:$0x0] =	wrdreg $0xFFFFFFFF;
	(pc) =	sbr.abs _section_cstart, $3  }
0xc0: {  	[dreg:$0x1] =	wrdreg $0xFFFFFFFF  }
0xc1: {  	_ =	task.clear_ibuf [dreg:s6], $0x2FFFF;
	_ =	strace $0x9FFFFFFF  }
0xc2: {  	(tm) =	ssettm $0x7FFFFFFF  }
0xc3: {  	_ =	shalt  }
tec
execute0_lowered:
.L_overlay_start_1:
0x0: {  	(tag) =	ssettag $0x1  }
0x1: {  	s0 =	srdreg.scid  }
0x2: {  	s12 =	sand.u32 $0x1, s0  }
0x3: {  	s14 =	stileid.u32;
	s13 =	sshll.u32 s12, $0x4  }
0x4: {  	s29 =	sor.u32 s14, s13  }
0x5: {  	s0 =	sshrl.u32 s29, $0x3  }
0x6: {  	s1 =	sshll.u32 s14, $0x7;
	s0 =	smul.u32 $0x13C00, s0  }
0x7: {  	s15 =	rddreg [dreg:$0x0];
	s2 =	sand.u32 $0x380, s1  }
0x8: {  	s4 =	simm.s32 $0x80;
	s5 =	simm.s32 $0x400;
	s3 =	sor.u32 s2, s0  }
0x9: {  	s1 =	rddreg [dreg:$0x1];
	s2 =	simm.s32 $0x0;
	s3 =	sshrl.u32 s3, $0x3  }
0xa: {  	s6 =	simm.s32 $0x1;
	[smem:$0x7FF] =	sst s2;
	s3 =	sadd.s32 s3, s15  }
0xb: {  	s0 =	rddreg [dreg:$0x2];
	_ =	strace $0x80000047;
	s3 =	sadd.s32 $0x1C00, s3  }
0xc: {  	[tilespmem:s2], [sflag:$0x1] =	stream.strided.gather [hbm4b:s3+s4], $0x2780, s5, s4, $0x38;
	[tilespmem:$0x5180] =	vst v63  }
0xd: {  	_ =	swait.ge [sflag:s6], $0x2780  }
0xe: {  	s8 =	simm.s32 $0x2780;
	s9 =	smul.u32 $0x280, s14;
	[sflag:s6] =	ssyncset.done $0x0  }
0xf: {  	s7 =	sadd.s32 $0xBA00, s15;
	s30 =	sshll.u32 s14, $0x6;
	[sflag:s6] =	ssyncadd.s32 $0xFFFFD880  }
0x10: {  	[tilespmem:s8], [sflag:$0x1] =	stream.linear.gather [hbm4b:s7+s2], $0x2780, $0x38;
	[tilespmem:$0x5180] =	vst v63  }
0x11: {  	s10 =	sshrl.u32 s9, $0x3;
	s11 =	sadd.s32 s9, s1;
	_ =	swait.ge [sflag:s6], $0x2780  }
0x12: {  	s10 =	sadd.s32 s10, s15;
	s11 =	sshrl.u32 s11, $0x3;
	[sflag:s6] =	ssyncset.done $0x0  }
0x13: {  	s9 =	sadd.s32 $0xC000, s10;
	s10 =	sor.u32 $0x1C01, s30;
	[sflag:s6] =	ssyncadd.s32 $0xFFFFD880  }
0x14: {  	[spmem:s11], [sflag:s10] =	dma.local [hbm:s9], $0x50  }
0x15: {  	s12 =	ssub.s32 $0x2, s12;
	_ =	swait.ge [sflag:s6], $0x50  }
0x16: {  	p0 =	sne.s32 s14, $0x0;
	s31 =	sshrl.u32 s12, $0x1;
	[sflag:s6] =	ssyncset.done $0x0  }
0x17: {  	s13 =	sadd.s32 s13, s15;
	s15 =	ssub.s32 s12, s31;
	[sflag:s6] =	ssyncadd.s32 $0xFFFFFFB0  }
0x18: {  	s12 =	simm.s32 $0x2710;
	s15 =	smax.u32 s15, $0x1;
	[bflag:$0x0] =	sbarrier.arrive $0xFFFF  }
0x19: {  	[spmem:s1] =	stream.indirect.scatter.add.f32 [tilespmem:s8], [sflag:$0x1], $0x1, s2, s12, $0xb8;
	[tilespmem:$0x5180] =	vst v63  }
0x1a: {  	s17 =	simm.s32 @!p0 $0x10;
	s16 =	sadd.s32 $0xFFFFFFFF, s15;
	_ =	swait.ge [sflag:s6], $0x2710  }
0x1b: {  	s18 =	simm.s32 @!p0 $0x20;
	p1 =	sne.s32 s16, $0x0;
	[sflag:s6] =	ssyncset.done $0x0  }
.Ltmp0:
0x1c: {  	s14 =	sshrl.u32 @!p0 s1, $0x3;
	[sflag:s6] =	ssyncadd.s32 $0xFFFFD8F0;
	(pc) =	sbr.rel @!p1 .LBB2_2-.Ltmp0, $4  }
0x1d: {  	s13 =	sadd.s32 $0xC600, s13;
	s15 =	simm.s32 @!p0 $0x1;
	[bflag:$0x0] =	sbarrier.arrive $0xFFFF  }
0x1e: {  	[hbm:s13@s18], [sflag:s10] =	dma.strided @!p0 [spmem:s14@s17], $0x500, s15, $0x10   }
0x1f: {  	_ =	swait.ge @!p0 [sflag:s15], $0x500  }
0x20: {  	[sflag:s15] =	ssyncset.done @!p0 $0x0  }
.LBB2_1:
0x21: {  	s16 =	sadd.s32 $0xFFFFFFFF, s16;
	[sflag:s15] =	ssyncadd.s32 @!p0 $0xFFFFFB00  }
0x22: {  	[tilespmem:s2], [sflag:$0x1] =	stream.strided.gather [hbm4b:s3+s4], $0x2780, s5, s4, $0x38;
	[tilespmem:$0x5180] =	vst v63  }
0x23: {  	p1 =	sne.s32 s16, $0x0;
	_ =	swait.ge [sflag:s6], $0x2780  }
0x24: {  	[sflag:s6] =	ssyncset.done $0x0  }
0x25: {  	[sflag:s6] =	ssyncadd.s32 $0xFFFFD880  }
0x26: {  	[tilespmem:s8], [sflag:$0x1] =	stream.linear.gather [hbm4b:s7+s2], $0x2780, $0x38;
	[tilespmem:$0x5180] =	vst v63  }
0x27: {  	_ =	swait.ge [sflag:s6], $0x2780  }
0x28: {  	[sflag:s6] =	ssyncset.done $0x0  }
0x29: {  	[sflag:s6] =	ssyncadd.s32 $0xFFFFD880  }
0x2a: {  	[spmem:s11], [sflag:s10] =	dma.local [hbm:s9], $0x50  }
0x2b: {  	_ =	swait.ge [sflag:s6], $0x50  }
0x2c: {  	[sflag:s6] =	ssyncset.done $0x0  }
0x2d: {  	[sflag:s6] =	ssyncadd.s32 $0xFFFFFFB0  }
0x2e: {  	[bflag:$0x0] =	sbarrier.arrive $0xFFFF  }
0x2f: {  	[spmem:s1] =	stream.indirect.scatter.add.f32 [tilespmem:s8], [sflag:$0x1], $0x1, s2, s12, $0xb8;
	[tilespmem:$0x5180] =	vst v63  }
0x30: {  	_ =	swait.ge [sflag:s6], $0x2710  }
0x31: {  	[sflag:s6] =	ssyncset.done $0x0  }
.Ltmp1:
0x32: {  	[sflag:s6] =	ssyncadd.s32 $0xFFFFD8F0;
	(pc) =	sbr.rel @p1 .LBB2_1-.Ltmp1, $4  }
0x33: {  	[bflag:$0x0] =	sbarrier.arrive $0xFFFF  }
0x34: {  	[hbm:s13@s18], [sflag:s10] =	dma.strided @!p0 [spmem:s14@s17], $0x500, s15, $0x10   }
0x35: {  	_ =	swait.ge @!p0 [sflag:s15], $0x500  }
0x36: {  	[sflag:s15] =	ssyncset.done @!p0 $0x0  }
.LBB2_2:
0x37: {  	[sflag:s15] =	ssyncadd.s32 @!p0 $0xFFFFFB00  }
0x38: {  	_ =	sfence.sel $0x180000  }
0x39: {  	[bflag:$0x0] =	sbarrier.arrive $0xFFFF  }
0x3a: {  	_ =	strace $0x90000047  }
0x3b: {  	s0 =	sadd.s32 @!p0 $0x100000, s0;
	[bflag:$0x2] =	sbarrier.arrive $0xFFFF  }
0x3c: {  	[sflag:s0] =	ssyncadd.tile.s32 @!p0 $0x1;
	_ =	shalt  }
.Lfunc_end2:
_tile_overlayer_lowered:
.L_overlay_start_2:
0x3d: {  	(tag) =	ssettag $0x2  }
0x3e: {  	s0 =	rddreg [dreg:$0x0];
	s2 =	stileid.u32  }
0x3f: {  	s1 =	rddreg [dreg:$0x1];
	p0 =	sne.s32 s2, $0x0  }
0x40: {  	s3 =	rddreg [dreg:$0x2];
	[bflag:$0x3] =	sbarrier.arrive $0xFFFF;
	s2 =	simm.s32 @!p0 $0x1C01  }
0x41: {  	[timem:s3], [sflag:s2] =	dma.local @!p0 [hbm:s0], s1  }
0x42: {  	s0 =	simm.s32 @!p0 $0x1  }
0x43: {  	_ =	swait.ge @!p0 [sflag:s0], s1  }
0x44: {  	s1 =	ssub.s32 @!p0 $0x0, s1;
	[sflag:s0] =	ssyncset.done @!p0 $0x0  }
0x45: {  	[sflag:s0] =	ssyncadd.s32 @!p0 s1  }
0x46: {  	[bflag:$0x3] =	sbarrier.arrive $0xFFFF  }
0x47: {  	_ =	shalt  }

</sc_bundles>
